<compile_context>
chip_gen: v7x
topology: tpu7x:2x2x1
jax: 0.10.2.dev20260603
libtpu: 0.0.44.dev20260713+nightly
codegen_flags: <defaults>
</compile_context>

<pallas_src>
import functools

import jax
import jax.numpy as jnp
from jax import lax
from jax.experimental import pallas as pl
from jax.experimental.pallas import tpu as pltpu
from jax.experimental.pallas import tpu_sc as plsc

N = 10000
E = 320000
D = 128
NC = 2
NS = 16
NW = NC * NS
EP = 327680
ROWS = EP // 128
RPW = ROWS // NW
N2 = 12032
STR = N2 // NS
CE = 1280
GB = EP // CE

_f32 = jnp.float32


def _dg(a, b, ca, cb):
    return lax.dot_general(a, b, (((ca,), (cb,)), ((), ())),
                           preferred_element_type=_f32)


def _node_body(h_ref, wq_ref, bq_ref, wk_ref, bk_ref, wv_ref, bv_ref,
               wa1_ref, wm1_ref, qa_ref, kv_ref):
    h = h_ref[...]
    wa1q = wa1_ref[0:D, :]
    wa1k = wa1_ref[D:2 * D, :]
    wm1v = wm1_ref[0:D, :]
    qa_ref[...] = h @ (wq_ref[...] @ wa1q) + (bq_ref[...] @ wa1q)
    ka = h @ (wk_ref[...] @ wa1k) + (bk_ref[...] @ wa1k)
    vm = h @ (wv_ref[...] @ wm1v) + (bv_ref[...] @ wm1v)
    kv_ref[...] = jnp.concatenate([ka, vm], axis=1)


def _node_tables(h, Wq, bq, Wk, bk, Wv, bv, Wa1, Wm1):
    nb = 10
    blk = N // nb
    full = lambda shape: pl.BlockSpec(shape, lambda i: (0,) * len(shape))
    return pl.pallas_call(
        _node_body,
        grid=(nb,),
        in_specs=[
            pl.BlockSpec((blk, D), lambda i: (i, 0)),
            full((D, D)), full((D,)), full((D, D)), full((D,)),
            full((D, D)), full((D,)), full((3 * D, D)), full((2 * D, D)),
        ],
        out_specs=[pl.BlockSpec((blk, D), lambda i: (i, 0)),
                   pl.BlockSpec((blk, 2 * D), lambda i: (i, 0))],
        out_shape=[jax.ShapeDtypeStruct((N, D), _f32),
                   jax.ShapeDtypeStruct((N, 2 * D), _f32)],
    )(h, Wq, bq, Wk, bk, Wv, bv, Wa1, Wm1)


_MESH = dict(core_axis_name="c", subcore_axis_name="s",
             num_cores=NC, num_subcores=NS)


_GGRP = 64


def _gather_body(qa_hbm, kv_hbm, colg_hbm, rowg_hbm,
                 qg_hbm, kvg_hbm,
                 colblk, rowblk, qb, kvb,
                 gsem0, gsem1, gsem2, gsem3, wsem0, wsem1, wsem2, wsem3):
    c = lax.axis_index("c")
    s = lax.axis_index("s")
    wid = s * NC + c
    r0 = wid * RPW
    pltpu.sync_copy(colg_hbm.at[pl.ds(r0, RPW)], colblk)
    pltpu.sync_copy(rowg_hbm.at[pl.ds(r0, RPW)], rowblk)

    gsems = (gsem0, gsem1, gsem2, gsem3)
    wsems = (wsem0, wsem1, wsem2, wsem3)
    eb0 = r0 * 128
    G = _GGRP

    def g_descs(t, u):
        rg = 2 * t + u // 2
        lo = (u % 2) * G
        return (pltpu.make_async_copy(
                    qa_hbm.at[colblk.at[rg, pl.ds(lo, G)]], qb.at[u],
                    gsems[u]),
                pltpu.make_async_copy(
                    kv_hbm.at[rowblk.at[rg, pl.ds(lo, G)]], kvb.at[u],
                    gsems[u]))

    def w_descs(t, u):
        eb = eb0 + (4 * t + u) * G
        return (pltpu.make_async_copy(qb.at[u], qg_hbm.at[pl.ds(eb, G)],
                                      wsems[u]),
                pltpu.make_async_copy(kvb.at[u], kvg_hbm.at[pl.ds(eb, G)],
                                      wsems[u]))

    def start(ds):
        for d in ds:
            d.start()

    def wait(ds):
        for d in ds:
            d.wait()

    NT = (2 * RPW) // 4

    def body(t, carry):
        for u in range(4):
            @pl.when(t > 0)
            def _(u=u):
                wait(w_descs(t - 1, u))

            start(g_descs(t, u))
        for u in range(4):
            wait(g_descs(t, u))
            start(w_descs(t, u))
        return carry

    lax.fori_loop(0, NT, body, 0)
    for u in range(4):
        wait(w_descs(NT - 1, u))


def _gather(qa, kv, colg2, rowg2):
    f = functools.partial(
        pl.kernel,
        out_type=[jax.ShapeDtypeStruct((EP, D), _f32),
                  jax.ShapeDtypeStruct((EP, 2 * D), _f32)],
        mesh=plsc.VectorSubcoreMesh(**_MESH),
        scratch_types=[
            pltpu.VMEM((RPW, 128), jnp.int32),
            pltpu.VMEM((RPW, 128), jnp.int32),
            pltpu.VMEM((4, _GGRP, D), _f32),
            pltpu.VMEM((4, _GGRP, 2 * D), _f32),
            pltpu.SemaphoreType.DMA,
            pltpu.SemaphoreType.DMA,
            pltpu.SemaphoreType.DMA,
            pltpu.SemaphoreType.DMA,
            pltpu.SemaphoreType.DMA,
            pltpu.SemaphoreType.DMA,
            pltpu.SemaphoreType.DMA,
            pltpu.SemaphoreType.DMA,
        ],
    )(_gather_body)
    return f(qa, kv, colg2, rowg2)


def _edge_body(eat_ref, qg_ref, kvg_ref,
               we1_ref, be1_ref, we2_ref, be2_ref,
               wa1_ref, ba1_ref, wa2_ref, ba2_ref,
               wm1_ref, bm1_ref, wm2_ref, bm2_ref,
               w_ref, ex_ref):
    wa1e = wa1_ref[2 * D:3 * D, :]
    wm1e = wm1_ref[D:2 * D, :]
    ehT = jnp.maximum(_dg(we1_ref[...], eat_ref[...], 0, 0)
                      + be1_ref[...], 0.0)
    e = _dg(ehT, we2_ref[...], 0, 0) + be2_ref[...]
    hid = jnp.maximum(qg_ref[...] + kvg_ref[:, 0:D] + e @ wa1e
                      + ba1_ref[...], 0.0)
    sc = hid @ wa2_ref[...] + ba2_ref[0]
    exc = jnp.exp(sc)
    mh = kvg_ref[:, D:2 * D] + e @ wm1e + bm1_ref[...]
    mh = mh * (1.0 / (1.0 + jnp.exp(-mh)))
    msg = mh @ wm2_ref[...] + bm2_ref[...]
    w_ref[...] = msg * exc
    rows = [_dg(wa2_ref[...], hid[b * 128:(b + 1) * 128, :], 0, 1)
            for b in range(CE // 128)]
    srow = jnp.concatenate(rows, axis=0)
    ex_ref[...] = jnp.exp(srow + ba2_ref[0]).reshape(1, CE // 128, 128)


def _edge_compute(eaT8, qg, kvg, We1p, be1c, We2, be2,
                  Wa1, ba1, Wa2, ba2, Wm1, bm1, Wm2, bm2):
    full = lambda shape: pl.BlockSpec(shape, lambda i: (0,) * len(shape))
    return pl.pallas_call(
        _edge_body,
        grid=(GB,),
        in_specs=[
            pl.BlockSpec((8, CE), lambda i: (0, i)),
            pl.BlockSpec((CE, D), lambda i: (i, 0)),
            pl.BlockSpec((CE, 2 * D), lambda i: (i, 0)),
            full((8, D)), full((D, 1)), full((D, D)), full((D,)),
            full((3 * D, D)), full((D,)), full((D, 1)), full((1,)),
            full((2 * D, D)), full((D,)), full((D, D)), full((D,)),
        ],
        out_specs=[
            pl.BlockSpec((CE, D), lambda i: (i, 0)),
            pl.BlockSpec((1, CE // 128, 128), lambda i: (i, 0, 0)),
        ],
        out_shape=[
            jax.ShapeDtypeStruct((EP, D), _f32),
            jax.ShapeDtypeStruct((GB, CE // 128, 128), _f32),
        ],
    )(eaT8, qg, kvg, We1p, be1c, We2, be2,
      Wa1, ba1, Wa2, ba2, Wm1, bm1, Wm2, bm2)


def _scatter_body(w_hbm, exf_hbm, cols2_hbm, colsf_hbm, z2_hbm, zf_hbm,
                  accs_hbm, den_hbm,
                  acc_sh, colblk, colrow, exrow, wbuf, den_l):
    c = lax.axis_index("c")
    s = lax.axis_index("s")
    wid = s * NC + c
    pltpu.sync_copy(z2_hbm, acc_sh.at[pl.ds(s * STR, STR)])
    pltpu.sync_copy(zf_hbm, den_l)
    plsc.subcore_barrier()

    half = RPW // 2
    for phase in range(2):
        pltpu.sync_copy(cols2_hbm.at[pl.ds(wid * RPW + phase * half, half)],
                        colblk)

        def body(j, carry):
            e0 = (wid * RPW + phase * half + j) * 128
            pltpu.sync_copy(colsf_hbm.at[pl.ds(e0, 128)], colrow)
            pltpu.sync_copy(exf_hbm.at[pl.ds(e0, 128)], exrow)
            pltpu.sync_copy(w_hbm.at[pl.ds(e0, 128)], wbuf)
            pltpu.sync_copy(wbuf, acc_sh.at[colblk.at[j]], add=True)
            for k in range(8):
                idx = colrow[pl.ds(k * 16, 16)]
                val = exrow[pl.ds(k * 16, 16)]
                plsc.addupdate_scatter(den_l, [idx], val)
            return carry

        lax.fori_loop(0, half, body, 0)
    plsc.subcore_barrier()
    pltpu.sync_copy(den_l, den_hbm.at[wid])
    pltpu.sync_copy(acc_sh.at[pl.ds(s * STR, STR)],
                    accs_hbm.at[c, pl.ds(s * STR, STR)])


def _scatter(weighted, exf, cols2, colsf, z2, zf):
    f = functools.partial(
        pl.kernel,
        out_type=[
            jax.ShapeDtypeStruct((NC, N2, D), _f32),
            jax.ShapeDtypeStruct((NW, N2), _f32),
        ],
        mesh=plsc.VectorSubcoreMesh(**_MESH),
        compiler_params=pltpu.CompilerParams(needs_layout_passes=False),
        scratch_types=[
            pltpu.VMEM_SHARED((N2, D), _f32),
            pltpu.VMEM((RPW // 2, 128), jnp.int32),
            pltpu.VMEM((128,), jnp.int32),
            pltpu.VMEM((128,), _f32),
            pltpu.VMEM((128, D), _f32),
            pltpu.VMEM((N2,), _f32),
        ],
    )(_scatter_body)
    return f(weighted, exf, cols2, colsf, z2, zf)


def _final_body(h_ref, accs_ref, den_ref, out_ref):
    a = accs_ref[0, 0:N, :] + accs_ref[1, 0:N, :]
    ones = jnp.ones((NW, 1), _f32)
    dcol = _dg(den_ref[...], ones, 0, 0)
    out_ref[...] = h_ref[...] + a / (dcol[0:N, :] + 1e-16)


def _final(h, accs, dens):
    return pl.pallas_call(
        _final_body,
        out_shape=jax.ShapeDtypeStruct((N, D), _f32),
    )(h, accs, dens)


def kernel(h, pos, edge_index, edge_attr, Wq, bq, Wk, bk, Wv, bv,
           We1, be1, We2, be2, Wa1, ba1, Wa2, ba2, Wm1, bm1, Wm2, bm2):
    row = edge_index[0]
    col = edge_index[1]
    pad = EP - E
    colg2 = jnp.concatenate([col, jnp.zeros((pad,), jnp.int32)]
                            ).reshape(ROWS, 128)
    rowg2 = jnp.concatenate([row, jnp.zeros((pad,), jnp.int32)]
                            ).reshape(ROWS, 128)
    colsf = jnp.concatenate([col, jnp.full((pad,), N, jnp.int32)])
    cols2 = colsf.reshape(ROWS, 128)
    eaT8 = jnp.pad(edge_attr, ((0, pad), (0, 0))).T
    eaT8 = jnp.pad(eaT8, ((0, 4), (0, 0)))
    We1p = jnp.pad(We1, ((0, 4), (0, 0)))
    be1c = be1.reshape(D, 1)
    z2 = jnp.zeros((STR, D), _f32)
    zf = jnp.zeros((N2,), _f32)

    qa, kv = _node_tables(h, Wq, bq, Wk, bk, Wv, bv, Wa1, Wm1)
    qg, kvg = _gather(qa, kv, colg2, rowg2)
    weighted, ex3 = _edge_compute(eaT8, qg, kvg, We1p, be1c, We2, be2,
                                  Wa1, ba1, Wa2, ba2, Wm1, bm1, Wm2, bm2)
    exf = ex3.reshape(EP)
    accs, dens = _scatter(weighted, exf, cols2, colsf, z2, zf)
    h_new = _final(h, accs, dens)
    return (h_new, pos)

# --- scband reference (transcript-rebuilt; emitter-appended) ---
"""Pipeline reference for scband-invariant-gnnblock-3066606649476 (READ-ONLY COPY).

The authoritative reference and input builder live on the scoring server;
editing this copy changes nothing except your own understanding.
"""

import jax, jax.numpy as jnp
import numpy as np

N = 10000
E = 320000
D = 128
DE = 4


def _lin_params(key, fan_in, fan_out):
    k1, k2 = jax.random.split(key)
    bound = 1.0 / np.sqrt(fan_in)
    W = jax.random.uniform(k1, (fan_in, fan_out), jnp.float32, -bound, bound)
    b = jax.random.uniform(k2, (fan_out,), jnp.float32, -bound, bound)
    return W, b


def setup_inputs(seed: int = 0) -> dict:
    key = jax.random.key(seed)
    ks = jax.random.split(key, 14)
    h = jax.random.normal(ks[0], (N, D), jnp.float32)
    pos = jax.random.normal(ks[1], (N, 2), jnp.float32)
    edge_index = jax.random.randint(ks[2], (2, E), 0, N, jnp.int32)
    edge_attr = jax.random.uniform(ks[3], (E, DE), dtype=jnp.float32)
    Wq, bq = _lin_params(ks[4], D, D)
    Wk, bk = _lin_params(ks[5], D, D)
    Wv, bv = _lin_params(ks[6], D, D)
    We1, be1 = _lin_params(ks[7], DE, D)
    We2, be2 = _lin_params(ks[8], D, D)
    Wa1, ba1 = _lin_params(ks[9], 3 * D, D)
    Wa2, ba2 = _lin_params(ks[10], D, 1)
    Wm1, bm1 = _lin_params(ks[11], 2 * D, D)
    Wm2, bm2 = _lin_params(ks[12], D, D)
    return dict(h=h, pos=pos, edge_index=edge_index, edge_attr=edge_attr,
                Wq=Wq, bq=bq, Wk=Wk, bk=bk, Wv=Wv, bv=bv,
                We1=We1, be1=be1, We2=We2, be2=be2,
                Wa1=Wa1, ba1=ba1, Wa2=Wa2, ba2=ba2,
                Wm1=Wm1, bm1=bm1, Wm2=Wm2, bm2=bm2)


def reference(h, pos, edge_index, edge_attr,
              Wq, bq, Wk, bk, Wv, bv,
              We1, be1, We2, be2,
              Wa1, ba1, Wa2, ba2,
              Wm1, bm1, Wm2, bm2):
    num_nodes = h.shape[0]
    row = edge_index[0]
    col = edge_index[1]
    # node projections
    q_all = h @ Wq + bq
    k_all = h @ Wk + bk
    v_all = h @ Wv + bv
    # edge feature processor: Linear -> ReLU -> Linear
    e = jax.nn.relu(edge_attr @ We1 + be1) @ We2 + be2
    # gather per-edge features
    q_i = jnp.take(q_all, col, axis=0)
    k_j = jnp.take(k_all, row, axis=0)
    attn_in = jnp.concatenate([q_i, k_j, e], axis=-1)
    scores = jax.nn.relu(attn_in @ Wa1 + ba1) @ Wa2 + ba2  # [E, 1]
    # segment softmax over destination node (col), as in torch_geometric softmax
    seg_max = jax.ops.segment_max(scores, col, num_segments=num_nodes)
    ex = jnp.exp(scores - jnp.take(seg_max, col, axis=0))
    denom = jax.ops.segment_sum(ex, col, num_segments=num_nodes)
    weights = ex / (jnp.take(denom, col, axis=0) + 1e-16)
    # messages
    v_j = jnp.take(v_all, row, axis=0)
    msg_in = jnp.concatenate([v_j, e], axis=-1)
    msg = jax.nn.silu(msg_in @ Wm1 + bm1) @ Wm2 + bm2
    weighted = msg * weights
    # scatter_add aggregation by destination node
    agg = jnp.zeros((num_nodes, msg.shape[-1]), dtype=h.dtype).at[col].add(weighted)
    h_updated = h + agg
    return (h_updated, pos)

if __name__ == "__main__":
    import jax
    _d = setup_inputs()
    print(jax.jit(kernel)(*tuple(_d.values())))

</pallas_src>

<mosaic_0001>
#map = affine_map<(d0, d1) -> (0, 0)>
#map1 = affine_map<(d0, d1) -> (0)>
#map2 = affine_map<(d0, d1) -> (0, 0, 0)>
module attributes {stable_mosaic.version = 14 : i64} {
  func.func @_scatter_body(%arg0: i32, %arg1: i32, %arg2: memref<327680x128xf32, #tpu.memory_space<hbm>>, %arg3: memref<327680xf32, #tpu.memory_space<hbm>>, %arg4: memref<2560x128xi32, #tpu.memory_space<hbm>>, %arg5: memref<327680xi32, #tpu.memory_space<hbm>>, %arg6: memref<752x128xf32, #tpu.memory_space<hbm>>, %arg7: memref<12032xf32, #tpu.memory_space<hbm>>, %arg8: memref<2x12032x128xf32, #tpu.memory_space<hbm>>, %arg9: memref<32x12032xf32, #tpu.memory_space<hbm>>, %arg10: memref<12032x128xf32, #tpu.memory_space<vmem_shared>>, %arg11: memref<40x128xi32, #tpu.memory_space<vmem>>, %arg12: memref<128xi32, #tpu.memory_space<vmem>>, %arg13: memref<128xf32, #tpu.memory_space<vmem>>, %arg14: memref<128x128xf32, #tpu.memory_space<vmem>>, %arg15: memref<12032xf32, #tpu.memory_space<vmem>>) attributes {dimension_semantics = [#tpu.dimension_semantics<core_parallel>, #tpu.dimension_semantics<subcore_parallel>], iteration_bounds = array<i64: 2, 16>, scalar_prefetch = 0 : i64, scratch_operands = 6 : i64, tpu.core_type = #tpu.core_type<sc_vector_subcore>, window_params = [{transform_indices = #map}, {transform_indices = #map1}, {transform_indices = #map}, {transform_indices = #map1}, {transform_indices = #map}, {transform_indices = #map1}, {transform_indices = #map2}, {transform_indices = #map}]} {
    %mul3A = arith.constant 2 : i32
    %mul3A_0 = arith.muli %arg1, %mul3A : i32
    %add3A = arith.addi %mul3A_0, %arg0 : i32
    %mul3A_1 = arith.constant 752 : i32
    %mul3A_2 = arith.muli %arg1, %mul3A_1 : i32
    "tpu.region"() ({
      %run_scoped3A = tpu.sem_alloc : memref<!tpu.dma_semaphore, #tpu.memory_space<semaphore_mem>>
      %dma_start3A = arith.constant 0 : i32
      %dma_start3A_27 = tpu.memref_slice %arg10[%mul3A_2, %dma_start3A] : memref<12032x128xf32, #tpu.memory_space<vmem_shared>> -> memref<752x128xf32, #tpu.memory_space<vmem_shared>>
      tpu.enqueue_dma source(%arg6 : memref<752x128xf32, #tpu.memory_space<hbm>>) target(%dma_start3A_27 : memref<752x128xf32, #tpu.memory_space<vmem_shared>>) target_semaphore(%run_scoped3A : memref<!tpu.dma_semaphore, #tpu.memory_space<semaphore_mem>>)
      %dma_wait3A = arith.constant 0 : i32
      %dma_wait3A_28 = tpu.memref_slice %arg10[%mul3A_2, %dma_wait3A] : memref<12032x128xf32, #tpu.memory_space<vmem_shared>> -> memref<752x128xf32, #tpu.memory_space<vmem_shared>>
      tpu.wait_dma2 semaphore(%run_scoped3A : memref<!tpu.dma_semaphore, #tpu.memory_space<semaphore_mem>>) src(%arg6 : memref<752x128xf32, #tpu.memory_space<hbm>>) dst(%dma_wait3A_28 : memref<752x128xf32, #tpu.memory_space<vmem_shared>>)
      tpu.yield
    }) : () -> ()
    "tpu.region"() ({
      %run_scoped3A = tpu.sem_alloc : memref<!tpu.dma_semaphore, #tpu.memory_space<semaphore_mem>>
      tpu.enqueue_dma source(%arg7 : memref<12032xf32, #tpu.memory_space<hbm>>) target(%arg15 : memref<12032xf32, #tpu.memory_space<vmem>>) target_semaphore(%run_scoped3A : memref<!tpu.dma_semaphore, #tpu.memory_space<semaphore_mem>>)
      tpu.wait_dma2 semaphore(%run_scoped3A : memref<!tpu.dma_semaphore, #tpu.memory_space<semaphore_mem>>) src(%arg7 : memref<12032xf32, #tpu.memory_space<hbm>>) dst(%arg15 : memref<12032xf32, #tpu.memory_space<vmem>>)
      tpu.yield
    }) : () -> ()
    %barrier3A = arith.constant 0 : index
    tpu.barrier barrier_id(%barrier3A)
    %mul3A_3 = arith.constant 80 : i32
    %mul3A_4 = arith.muli %add3A, %mul3A_3 : i32
    %add3A_5 = arith.constant 0 : i32
    %add3A_6 = arith.addi %mul3A_4, %add3A_5 : i32
    "tpu.region"() ({
      %run_scoped3A = tpu.sem_alloc : memref<!tpu.dma_semaphore, #tpu.memory_space<semaphore_mem>>
      %dma_start3A = arith.constant 0 : i32
      %dma_start3A_27 = tpu.memref_slice %arg4[%add3A_6, %dma_start3A] : memref<2560x128xi32, #tpu.memory_space<hbm>> -> memref<40x128xi32, #tpu.memory_space<hbm>>
      %dma_start3A_28 = arith.constant 0 : i32
      %dma_start3A_29 = tpu.memref_slice %arg4[%add3A_6, %dma_start3A_28] : memref<2560x128xi32, #tpu.memory_space<hbm>> -> memref<40x128xi32, #tpu.memory_space<hbm>>
      tpu.enqueue_dma source(%dma_start3A_29 : memref<40x128xi32, #tpu.memory_space<hbm>>) target(%arg11 : memref<40x128xi32, #tpu.memory_space<vmem>>) target_semaphore(%run_scoped3A : memref<!tpu.dma_semaphore, #tpu.memory_space<semaphore_mem>>)
      %dma_wait3A = arith.constant 0 : i32
      %dma_wait3A_30 = tpu.memref_slice %arg4[%add3A_6, %dma_wait3A] : memref<2560x128xi32, #tpu.memory_space<hbm>> -> memref<40x128xi32, #tpu.memory_space<hbm>>
      %dma_wait3A_31 = arith.constant 0 : i32
      %dma_wait3A_32 = tpu.memref_slice %arg4[%add3A_6, %dma_wait3A_31] : memref<2560x128xi32, #tpu.memory_space<hbm>> -> memref<40x128xi32, #tpu.memory_space<hbm>>
      tpu.wait_dma2 semaphore(%run_scoped3A : memref<!tpu.dma_semaphore, #tpu.memory_space<semaphore_mem>>) src(%dma_wait3A_32 : memref<40x128xi32, #tpu.memory_space<hbm>>) dst(%arg11 : memref<40x128xi32, #tpu.memory_space<vmem>>)
      tpu.yield
    }) : () -> ()
    %scan3A = arith.constant 0 : i32
    %scan3A_7 = arith.constant 0 : i32
    %scan3A_8 = arith.constant 40 : i32
    %scan3A_9 = arith.addi %scan3A_7, %scan3A_8 : i32
    %scan3A_10 = arith.constant 1 : i32
    scf.for %scan3A_27 = %scan3A_7 to %scan3A_9 step %scan3A_10  : i32 {
      %mul3A_28 = arith.constant 80 : i32
      %mul3A_29 = arith.muli %add3A, %mul3A_28 : i32
      %add3A_30 = arith.constant 0 : i32
      %add3A_31 = arith.addi %mul3A_29, %add3A_30 : i32
      %add3A_32 = arith.addi %add3A_31, %scan3A_27 : i32
      %mul3A_33 = arith.constant 128 : i32
      %mul3A_34 = arith.muli %add3A_32, %mul3A_33 : i32
      "tpu.region"() ({
        %run_scoped3A = tpu.sem_alloc : memref<!tpu.dma_semaphore, #tpu.memory_space<semaphore_mem>>
        %dma_start3A = tpu.memref_slice %arg5[%mul3A_34] : memref<327680xi32, #tpu.memory_space<hbm>> -> memref<128xi32, #tpu.memory_space<hbm>>
        %dma_start3A_66 = tpu.memref_slice %arg5[%mul3A_34] : memref<327680xi32, #tpu.memory_space<hbm>> -> memref<128xi32, #tpu.memory_space<hbm>>
        tpu.enqueue_dma source(%dma_start3A_66 : memref<128xi32, #tpu.memory_space<hbm>>) target(%arg12 : memref<128xi32, #tpu.memory_space<vmem>>) target_semaphore(%run_scoped3A : memref<!tpu.dma_semaphore, #tpu.memory_space<semaphore_mem>>)
        %dma_wait3A = tpu.memref_slice %arg5[%mul3A_34] : memref<327680xi32, #tpu.memory_space<hbm>> -> memref<128xi32, #tpu.memory_space<hbm>>
        %dma_wait3A_67 = tpu.memref_slice %arg5[%mul3A_34] : memref<327680xi32, #tpu.memory_space<hbm>> -> memref<128xi32, #tpu.memory_space<hbm>>
        tpu.wait_dma2 semaphore(%run_scoped3A : memref<!tpu.dma_semaphore, #tpu.memory_space<semaphore_mem>>) src(%dma_wait3A_67 : memref<128xi32, #tpu.memory_space<hbm>>) dst(%arg12 : memref<128xi32, #tpu.memory_space<vmem>>)
        tpu.yield
      }) : () -> ()
      "tpu.region"() ({
        %run_scoped3A = tpu.sem_alloc : memref<!tpu.dma_semaphore, #tpu.memory_space<semaphore_mem>>
        %dma_start3A = tpu.memref_slice %arg3[%mul3A_34] : memref<327680xf32, #tpu.memory_space<hbm>> -> memref<128xf32, #tpu.memory_space<hbm>>
        %dma_start3A_66 = tpu.memref_slice %arg3[%mul3A_34] : memref<327680xf32, #tpu.memory_space<hbm>> -> memref<128xf32, #tpu.memory_space<hbm>>
        tpu.enqueue_dma source(%dma_start3A_66 : memref<128xf32, #tpu.memory_space<hbm>>) target(%arg13 : memref<128xf32, #tpu.memory_space<vmem>>) target_semaphore(%run_scoped3A : memref<!tpu.dma_semaphore, #tpu.memory_space<semaphore_mem>>)
        %dma_wait3A = tpu.memref_slice %arg3[%mul3A_34] : memref<327680xf32, #tpu.memory_space<hbm>> -> memref<128xf32, #tpu.memory_space<hbm>>
        %dma_wait3A_67 = tpu.memref_slice %arg3[%mul3A_34] : memref<327680xf32, #tpu.memory_space<hbm>> -> memref<128xf32, #tpu.memory_space<hbm>>
        tpu.wait_dma2 semaphore(%run_scoped3A : memref<!tpu.dma_semaphore, #tpu.memory_space<semaphore_mem>>) src(%dma_wait3A_67 : memref<128xf32, #tpu.memory_space<hbm>>) dst(%arg13 : memref<128xf32, #tpu.memory_space<vmem>>)
        tpu.yield
      }) : () -> ()
      "tpu.region"() ({
        %run_scoped3A = tpu.sem_alloc : memref<!tpu.dma_semaphore, #tpu.memory_space<semaphore_mem>>
        %dma_start3A = arith.constant 0 : i32
        %dma_start3A_66 = tpu.memref_slice %arg2[%mul3A_34, %dma_start3A] : memref<327680x128xf32, #tpu.memory_space<hbm>> -> memref<128x128xf32, #tpu.memory_space<hbm>>
        %dma_start3A_67 = arith.constant 0 : i32
        %dma_start3A_68 = tpu.memref_slice %arg2[%mul3A_34, %dma_start3A_67] : memref<327680x128xf32, #tpu.memory_space<hbm>> -> memref<128x128xf32, #tpu.memory_space<hbm>>
        tpu.enqueue_dma source(%dma_start3A_68 : memref<128x128xf32, #tpu.memory_space<hbm>>) target(%arg14 : memref<128x128xf32, #tpu.memory_space<vmem>>) target_semaphore(%run_scoped3A : memref<!tpu.dma_semaphore, #tpu.memory_space<semaphore_mem>>)
        %dma_wait3A = arith.constant 0 : i32
        %dma_wait3A_69 = tpu.memref_slice %arg2[%mul3A_34, %dma_wait3A] : memref<327680x128xf32, #tpu.memory_space<hbm>> -> memref<128x128xf32, #tpu.memory_space<hbm>>
        %dma_wait3A_70 = arith.constant 0 : i32
        %dma_wait3A_71 = tpu.memref_slice %arg2[%mul3A_34, %dma_wait3A_70] : memref<327680x128xf32, #tpu.memory_space<hbm>> -> memref<128x128xf32, #tpu.memory_space<hbm>>
        tpu.wait_dma2 semaphore(%run_scoped3A : memref<!tpu.dma_semaphore, #tpu.memory_space<semaphore_mem>>) src(%dma_wait3A_71 : memref<128x128xf32, #tpu.memory_space<hbm>>) dst(%arg14 : memref<128x128xf32, #tpu.memory_space<vmem>>)
        tpu.yield
      }) : () -> ()
      "tpu.region"() ({
        %run_scoped3A = tpu.sem_alloc : memref<!tpu.dma_semaphore, #tpu.memory_space<semaphore_mem>>
        %dma_start3A = arith.constant 0 : i32
        %dma_start3A_66 = tpu.memref_slice %arg11[%scan3A_27, %dma_start3A] : memref<40x128xi32, #tpu.memory_space<vmem>> -> memref<1x128xi32, #tpu.memory_space<vmem>>
        %dma_start3A_67 = tpu.memref_squeeze %dma_start3A_66 : memref<1x128xi32, #tpu.memory_space<vmem>> -> memref<128xi32, #tpu.memory_space<vmem>>
        %dma_start3A_68 = arith.constant 0 : i32
        %dma_start3A_69 = arith.constant 0 : i32
        %dma_start3A_70 = tpu.memref_slice %arg10[%dma_start3A_68, %dma_start3A_69] : memref<12032x128xf32, #tpu.memory_space<vmem_shared>> -> memref<12032x128xf32, #tpu.memory_space<vmem_shared>>
        tpu.enqueue_indirect_dma source(%arg14 : memref<128x128xf32, #tpu.memory_space<vmem>>) target(%dma_start3A_70 : memref<12032x128xf32, #tpu.memory_space<vmem_shared>>) offsets(%dma_start3A_67 : memref<128xi32, #tpu.memory_space<vmem>>) semaphore(%run_scoped3A : memref<!tpu.dma_semaphore, #tpu.memory_space<semaphore_mem>>) {add = true}
        %dma_wait3A = arith.constant 0 : i32
        %dma_wait3A_71 = tpu.memref_slice %arg11[%scan3A_27, %dma_wait3A] : memref<40x128xi32, #tpu.memory_space<vmem>> -> memref<1x128xi32, #tpu.memory_space<vmem>>
        %dma_wait3A_72 = tpu.memref_squeeze %dma_wait3A_71 : memref<1x128xi32, #tpu.memory_space<vmem>> -> memref<128xi32, #tpu.memory_space<vmem>>
        %dma_wait3A_73 = arith.constant 0 : i32
        %dma_wait3A_74 = arith.constant 0 : i32
        %dma_wait3A_75 = tpu.memref_slice %arg10[%dma_wait3A_73, %dma_wait3A_74] : memref<12032x128xf32, #tpu.memory_space<vmem_shared>> -> memref<12032x128xf32, #tpu.memory_space<vmem_shared>>
        tpu.wait_indirect_dma semaphore(%run_scoped3A : memref<!tpu.dma_semaphore, #tpu.memory_space<semaphore_mem>>) src(%arg14 : memref<128x128xf32, #tpu.memory_space<vmem>>) dst(%dma_wait3A_75 : memref<12032x128xf32, #tpu.memory_space<vmem_shared>>)
        tpu.yield
      }) : () -> ()
      %get3A = arith.constant 0 : index
      %get3A_35 = tpu.vector_load %arg12[%get3A] {strides = array<i32>} : memref<128xi32, #tpu.memory_space<vmem>>, vector<16xi32>,
      %get3A_36 = arith.constant 0 : index
      %get3A_37 = tpu.vector_load %arg13[%get3A_36] {strides = array<i32>} : memref<128xf32, #tpu.memory_space<vmem>>, vector<16xf32>,
      tpu.vector_store_idx %arg15[%get3A_35], %get3A_37 {add = true} : memref<12032xf32, #tpu.memory_space<vmem>>[vector<16xi32>], vector<16xf32>,
      %get3A_38 = arith.constant 16 : index
      %get3A_39 = tpu.vector_load %arg12[%get3A_38] {strides = array<i32>} : memref<128xi32, #tpu.memory_space<vmem>>, vector<16xi32>,
      %get3A_40 = arith.constant 16 : index
      %get3A_41 = tpu.vector_load %arg13[%get3A_40] {strides = array<i32>} : memref<128xf32, #tpu.memory_space<vmem>>, vector<16xf32>,
      tpu.vector_store_idx %arg15[%get3A_39], %get3A_41 {add = true} : memref<12032xf32, #tpu.memory_space<vmem>>[vector<16xi32>], vector<16xf32>,
      %get3A_42 = arith.constant 32 : index
      %get3A_43 = tpu.vector_load %arg12[%get3A_42] {strides = array<i32>} : memref<128xi32, #tpu.memory_space<vmem>>, vector<16xi32>,
      %get3A_44 = arith.constant 32 : index
      %get3A_45 = tpu.vector_load %arg13[%get3A_44] {strides = array<i32>} : memref<128xf32, #tpu.memory_space<vmem>>, vector<16xf32>,
      tpu.vector_store_idx %arg15[%get3A_43], %get3A_45 {add = true} : memref<12032xf32, #tpu.memory_space<vmem>>[vector<16xi32>], vector<16xf32>,
      %get3A_46 = arith.constant 48 : index
      %get3A_47 = tpu.vector_load %arg12[%get3A_46] {strides = array<i32>} : memref<128xi32, #tpu.memory_space<vmem>>, vector<16xi32>,
      %get3A_48 = arith.constant 48 : index
      %get3A_49 = tpu.vector_load %arg13[%get3A_48] {strides = array<i32>} : memref<128xf32, #tpu.memory_space<vmem>>, vector<16xf32>,
      tpu.vector_store_idx %arg15[%get3A_47], %get3A_49 {add = true} : memref<12032xf32, #tpu.memory_space<vmem>>[vector<16xi32>], vector<16xf32>,
      %get3A_50 = arith.constant 64 : index
      %get3A_51 = tpu.vector_load %arg12[%get3A_50] {strides = array<i32>} : memref<128xi32, #tpu.memory_space<vmem>>, vector<16xi32>,
      %get3A_52 = arith.constant 64 : index
      %get3A_53 = tpu.vector_load %arg13[%get3A_52] {strides = array<i32>} : memref<128xf32, #tpu.memory_space<vmem>>, vector<16xf32>,
      tpu.vector_store_idx %arg15[%get3A_51], %get3A_53 {add = true} : memref<12032xf32, #tpu.memory_space<vmem>>[vector<16xi32>], vector<16xf32>,
      %get3A_54 = arith.constant 80 : index
      %get3A_55 = tpu.vector_load %arg12[%get3A_54] {strides = array<i32>} : memref<128xi32, #tpu.memory_space<vmem>>, vector<16xi32>,
      %get3A_56 = arith.constant 80 : index
      %get3A_57 = tpu.vector_load %arg13[%get3A_56] {strides = array<i32>} : memref<128xf32, #tpu.memory_space<vmem>>, vector<16xf32>,
      tpu.vector_store_idx %arg15[%get3A_55], %get3A_57 {add = true} : memref<12032xf32, #tpu.memory_space<vmem>>[vector<16xi32>], vector<16xf32>,
      %get3A_58 = arith.constant 96 : index
      %get3A_59 = tpu.vector_load %arg12[%get3A_58] {strides = array<i32>} : memref<128xi32, #tpu.memory_space<vmem>>, vector<16xi32>,
      %get3A_60 = arith.constant 96 : index
      %get3A_61 = tpu.vector_load %arg13[%get3A_60] {strides = array<i32>} : memref<128xf32, #tpu.memory_space<vmem>>, vector<16xf32>,
      tpu.vector_store_idx %arg15[%get3A_59], %get3A_61 {add = true} : memref<12032xf32, #tpu.memory_space<vmem>>[vector<16xi32>], vector<16xf32>,
      %get3A_62 = arith.constant 112 : index
      %get3A_63 = tpu.vector_load %arg12[%get3A_62] {strides = array<i32>} : memref<128xi32, #tpu.memory_space<vmem>>, vector<16xi32>,
      %get3A_64 = arith.constant 112 : index
      %get3A_65 = tpu.vector_load %arg13[%get3A_64] {strides = array<i32>} : memref<128xf32, #tpu.memory_space<vmem>>, vector<16xf32>,
      tpu.vector_store_idx %arg15[%get3A_63], %get3A_65 {add = true} : memref<12032xf32, #tpu.memory_space<vmem>>[vector<16xi32>], vector<16xf32>,
    }
    %scan3A_11 = arith.constant 40 : i32
    %mul3A_12 = arith.constant 80 : i32
    %mul3A_13 = arith.muli %add3A, %mul3A_12 : i32
    %add3A_14 = arith.constant 40 : i32
    %add3A_15 = arith.addi %mul3A_13, %add3A_14 : i32
    "tpu.region"() ({
      %run_scoped3A = tpu.sem_alloc : memref<!tpu.dma_semaphore, #tpu.memory_space<semaphore_mem>>
      %dma_start3A = arith.constant 0 : i32
      %dma_start3A_27 = tpu.memref_slice %arg4[%add3A_15, %dma_start3A] : memref<2560x128xi32, #tpu.memory_space<hbm>> -> memref<40x128xi32, #tpu.memory_space<hbm>>
      %dma_start3A_28 = arith.constant 0 : i32
      %dma_start3A_29 = tpu.memref_slice %arg4[%add3A_15, %dma_start3A_28] : memref<2560x128xi32, #tpu.memory_space<hbm>> -> memref<40x128xi32, #tpu.memory_space<hbm>>
      tpu.enqueue_dma source(%dma_start3A_29 : memref<40x128xi32, #tpu.memory_space<hbm>>) target(%arg11 : memref<40x128xi32, #tpu.memory_space<vmem>>) target_semaphore(%run_scoped3A : memref<!tpu.dma_semaphore, #tpu.memory_space<semaphore_mem>>)
      %dma_wait3A = arith.constant 0 : i32
      %dma_wait3A_30 = tpu.memref_slice %arg4[%add3A_15, %dma_wait3A] : memref<2560x128xi32, #tpu.memory_space<hbm>> -> memref<40x128xi32, #tpu.memory_space<hbm>>
      %dma_wait3A_31 = arith.constant 0 : i32
      %dma_wait3A_32 = tpu.memref_slice %arg4[%add3A_15, %dma_wait3A_31] : memref<2560x128xi32, #tpu.memory_space<hbm>> -> memref<40x128xi32, #tpu.memory_space<hbm>>
      tpu.wait_dma2 semaphore(%run_scoped3A : memref<!tpu.dma_semaphore, #tpu.memory_space<semaphore_mem>>) src(%dma_wait3A_32 : memref<40x128xi32, #tpu.memory_space<hbm>>) dst(%arg11 : memref<40x128xi32, #tpu.memory_space<vmem>>)
      tpu.yield
    }) : () -> ()
    %scan3A_16 = arith.constant 0 : i32
    %scan3A_17 = arith.constant 0 : i32
    %scan3A_18 = arith.constant 40 : i32
    %scan3A_19 = arith.addi %scan3A_17, %scan3A_18 : i32
    %scan3A_20 = arith.constant 1 : i32
    scf.for %scan3A_27 = %scan3A_17 to %scan3A_19 step %scan3A_20  : i32 {
      %mul3A_28 = arith.constant 80 : i32
      %mul3A_29 = arith.muli %add3A, %mul3A_28 : i32
      %add3A_30 = arith.constant 40 : i32
      %add3A_31 = arith.addi %mul3A_29, %add3A_30 : i32
      %add3A_32 = arith.addi %add3A_31, %scan3A_27 : i32
      %mul3A_33 = arith.constant 128 : i32
      %mul3A_34 = arith.muli %add3A_32, %mul3A_33 : i32
      "tpu.region"() ({
        %run_scoped3A = tpu.sem_alloc : memref<!tpu.dma_semaphore, #tpu.memory_space<semaphore_mem>>
        %dma_start3A = tpu.memref_slice %arg5[%mul3A_34] : memref<327680xi32, #tpu.memory_space<hbm>> -> memref<128xi32, #tpu.memory_space<hbm>>
        %dma_start3A_66 = tpu.memref_slice %arg5[%mul3A_34] : memref<327680xi32, #tpu.memory_space<hbm>> -> memref<128xi32, #tpu.memory_space<hbm>>
        tpu.enqueue_dma source(%dma_start3A_66 : memref<128xi32, #tpu.memory_space<hbm>>) target(%arg12 : memref<128xi32, #tpu.memory_space<vmem>>) target_semaphore(%run_scoped3A : memref<!tpu.dma_semaphore, #tpu.memory_space<semaphore_mem>>)
        %dma_wait3A = tpu.memref_slice %arg5[%mul3A_34] : memref<327680xi32, #tpu.memory_space<hbm>> -> memref<128xi32, #tpu.memory_space<hbm>>
        %dma_wait3A_67 = tpu.memref_slice %arg5[%mul3A_34] : memref<327680xi32, #tpu.memory_space<hbm>> -> memref<128xi32, #tpu.memory_space<hbm>>
        tpu.wait_dma2 semaphore(%run_scoped3A : memref<!tpu.dma_semaphore, #tpu.memory_space<semaphore_mem>>) src(%dma_wait3A_67 : memref<128xi32, #tpu.memory_space<hbm>>) dst(%arg12 : memref<128xi32, #tpu.memory_space<vmem>>)
        tpu.yield
      }) : () -> ()
      "tpu.region"() ({
        %run_scoped3A = tpu.sem_alloc : memref<!tpu.dma_semaphore, #tpu.memory_space<semaphore_mem>>
        %dma_start3A = tpu.memref_slice %arg3[%mul3A_34] : memref<327680xf32, #tpu.memory_space<hbm>> -> memref<128xf32, #tpu.memory_space<hbm>>
        %dma_start3A_66 = tpu.memref_slice %arg3[%mul3A_34] : memref<327680xf32, #tpu.memory_space<hbm>> -> memref<128xf32, #tpu.memory_space<hbm>>
        tpu.enqueue_dma source(%dma_start3A_66 : memref<128xf32, #tpu.memory_space<hbm>>) target(%arg13 : memref<128xf32, #tpu.memory_space<vmem>>) target_semaphore(%run_scoped3A : memref<!tpu.dma_semaphore, #tpu.memory_space<semaphore_mem>>)
        %dma_wait3A = tpu.memref_slice %arg3[%mul3A_34] : memref<327680xf32, #tpu.memory_space<hbm>> -> memref<128xf32, #tpu.memory_space<hbm>>
        %dma_wait3A_67 = tpu.memref_slice %arg3[%mul3A_34] : memref<327680xf32, #tpu.memory_space<hbm>> -> memref<128xf32, #tpu.memory_space<hbm>>
        tpu.wait_dma2 semaphore(%run_scoped3A : memref<!tpu.dma_semaphore, #tpu.memory_space<semaphore_mem>>) src(%dma_wait3A_67 : memref<128xf32, #tpu.memory_space<hbm>>) dst(%arg13 : memref<128xf32, #tpu.memory_space<vmem>>)
        tpu.yield
      }) : () -> ()
      "tpu.region"() ({
        %run_scoped3A = tpu.sem_alloc : memref<!tpu.dma_semaphore, #tpu.memory_space<semaphore_mem>>
        %dma_start3A = arith.constant 0 : i32
        %dma_start3A_66 = tpu.memref_slice %arg2[%mul3A_34, %dma_start3A] : memref<327680x128xf32, #tpu.memory_space<hbm>> -> memref<128x128xf32, #tpu.memory_space<hbm>>
        %dma_start3A_67 = arith.constant 0 : i32
        %dma_start3A_68 = tpu.memref_slice %arg2[%mul3A_34, %dma_start3A_67] : memref<327680x128xf32, #tpu.memory_space<hbm>> -> memref<128x128xf32, #tpu.memory_space<hbm>>
        tpu.enqueue_dma source(%dma_start3A_68 : memref<128x128xf32, #tpu.memory_space<hbm>>) target(%arg14 : memref<128x128xf32, #tpu.memory_space<vmem>>) target_semaphore(%run_scoped3A : memref<!tpu.dma_semaphore, #tpu.memory_space<semaphore_mem>>)
        %dma_wait3A = arith.constant 0 : i32
        %dma_wait3A_69 = tpu.memref_slice %arg2[%mul3A_34, %dma_wait3A] : memref<327680x128xf32, #tpu.memory_space<hbm>> -> memref<128x128xf32, #tpu.memory_space<hbm>>
        %dma_wait3A_70 = arith.constant 0 : i32
        %dma_wait3A_71 = tpu.memref_slice %arg2[%mul3A_34, %dma_wait3A_70] : memref<327680x128xf32, #tpu.memory_space<hbm>> -> memref<128x128xf32, #tpu.memory_space<hbm>>
        tpu.wait_dma2 semaphore(%run_scoped3A : memref<!tpu.dma_semaphore, #tpu.memory_space<semaphore_mem>>) src(%dma_wait3A_71 : memref<128x128xf32, #tpu.memory_space<hbm>>) dst(%arg14 : memref<128x128xf32, #tpu.memory_space<vmem>>)
        tpu.yield
      }) : () -> ()
      "tpu.region"() ({
        %run_scoped3A = tpu.sem_alloc : memref<!tpu.dma_semaphore, #tpu.memory_space<semaphore_mem>>
        %dma_start3A = arith.constant 0 : i32
        %dma_start3A_66 = tpu.memref_slice %arg11[%scan3A_27, %dma_start3A] : memref<40x128xi32, #tpu.memory_space<vmem>> -> memref<1x128xi32, #tpu.memory_space<vmem>>
        %dma_start3A_67 = tpu.memref_squeeze %dma_start3A_66 : memref<1x128xi32, #tpu.memory_space<vmem>> -> memref<128xi32, #tpu.memory_space<vmem>>
        %dma_start3A_68 = arith.constant 0 : i32
        %dma_start3A_69 = arith.constant 0 : i32
        %dma_start3A_70 = tpu.memref_slice %arg10[%dma_start3A_68, %dma_start3A_69] : memref<12032x128xf32, #tpu.memory_space<vmem_shared>> -> memref<12032x128xf32, #tpu.memory_space<vmem_shared>>
        tpu.enqueue_indirect_dma source(%arg14 : memref<128x128xf32, #tpu.memory_space<vmem>>) target(%dma_start3A_70 : memref<12032x128xf32, #tpu.memory_space<vmem_shared>>) offsets(%dma_start3A_67 : memref<128xi32, #tpu.memory_space<vmem>>) semaphore(%run_scoped3A : memref<!tpu.dma_semaphore, #tpu.memory_space<semaphore_mem>>) {add = true}
        %dma_wait3A = arith.constant 0 : i32
        %dma_wait3A_71 = tpu.memref_slice %arg11[%scan3A_27, %dma_wait3A] : memref<40x128xi32, #tpu.memory_space<vmem>> -> memref<1x128xi32, #tpu.memory_space<vmem>>
        %dma_wait3A_72 = tpu.memref_squeeze %dma_wait3A_71 : memref<1x128xi32, #tpu.memory_space<vmem>> -> memref<128xi32, #tpu.memory_space<vmem>>
        %dma_wait3A_73 = arith.constant 0 : i32
        %dma_wait3A_74 = arith.constant 0 : i32
        %dma_wait3A_75 = tpu.memref_slice %arg10[%dma_wait3A_73, %dma_wait3A_74] : memref<12032x128xf32, #tpu.memory_space<vmem_shared>> -> memref<12032x128xf32, #tpu.memory_space<vmem_shared>>
        tpu.wait_indirect_dma semaphore(%run_scoped3A : memref<!tpu.dma_semaphore, #tpu.memory_space<semaphore_mem>>) src(%arg14 : memref<128x128xf32, #tpu.memory_space<vmem>>) dst(%dma_wait3A_75 : memref<12032x128xf32, #tpu.memory_space<vmem_shared>>)
        tpu.yield
      }) : () -> ()
      %get3A = arith.constant 0 : index
      %get3A_35 = tpu.vector_load %arg12[%get3A] {strides = array<i32>} : memref<128xi32, #tpu.memory_space<vmem>>, vector<16xi32>,
      %get3A_36 = arith.constant 0 : index
      %get3A_37 = tpu.vector_load %arg13[%get3A_36] {strides = array<i32>} : memref<128xf32, #tpu.memory_space<vmem>>, vector<16xf32>,
      tpu.vector_store_idx %arg15[%get3A_35], %get3A_37 {add = true} : memref<12032xf32, #tpu.memory_space<vmem>>[vector<16xi32>], vector<16xf32>,
      %get3A_38 = arith.constant 16 : index
      %get3A_39 = tpu.vector_load %arg12[%get3A_38] {strides = array<i32>} : memref<128xi32, #tpu.memory_space<vmem>>, vector<16xi32>,
      %get3A_40 = arith.constant 16 : index
      %get3A_41 = tpu.vector_load %arg13[%get3A_40] {strides = array<i32>} : memref<128xf32, #tpu.memory_space<vmem>>, vector<16xf32>,
      tpu.vector_store_idx %arg15[%get3A_39], %get3A_41 {add = true} : memref<12032xf32, #tpu.memory_space<vmem>>[vector<16xi32>], vector<16xf32>,
      %get3A_42 = arith.constant 32 : index
      %get3A_43 = tpu.vector_load %arg12[%get3A_42] {strides = array<i32>} : memref<128xi32, #tpu.memory_space<vmem>>, vector<16xi32>,
      %get3A_44 = arith.constant 32 : index
      %get3A_45 = tpu.vector_load %arg13[%get3A_44] {strides = array<i32>} : memref<128xf32, #tpu.memory_space<vmem>>, vector<16xf32>,
      tpu.vector_store_idx %arg15[%get3A_43], %get3A_45 {add = true} : memref<12032xf32, #tpu.memory_space<vmem>>[vector<16xi32>], vector<16xf32>,
      %get3A_46 = arith.constant 48 : index
      %get3A_47 = tpu.vector_load %arg12[%get3A_46] {strides = array<i32>} : memref<128xi32, #tpu.memory_space<vmem>>, vector<16xi32>,
      %get3A_48 = arith.constant 48 : index
      %get3A_49 = tpu.vector_load %arg13[%get3A_48] {strides = array<i32>} : memref<128xf32, #tpu.memory_space<vmem>>, vector<16xf32>,
      tpu.vector_store_idx %arg15[%get3A_47], %get3A_49 {add = true} : memref<12032xf32, #tpu.memory_space<vmem>>[vector<16xi32>], vector<16xf32>,
      %get3A_50 = arith.constant 64 : index
      %get3A_51 = tpu.vector_load %arg12[%get3A_50] {strides = array<i32>} : memref<128xi32, #tpu.memory_space<vmem>>, vector<16xi32>,
      %get3A_52 = arith.constant 64 : index
      %get3A_53 = tpu.vector_load %arg13[%get3A_52] {strides = array<i32>} : memref<128xf32, #tpu.memory_space<vmem>>, vector<16xf32>,
      tpu.vector_store_idx %arg15[%get3A_51], %get3A_53 {add = true} : memref<12032xf32, #tpu.memory_space<vmem>>[vector<16xi32>], vector<16xf32>,
      %get3A_54 = arith.constant 80 : index
      %get3A_55 = tpu.vector_load %arg12[%get3A_54] {strides = array<i32>} : memref<128xi32, #tpu.memory_space<vmem>>, vector<16xi32>,
      %get3A_56 = arith.constant 80 : index
      %get3A_57 = tpu.vector_load %arg13[%get3A_56] {strides = array<i32>} : memref<128xf32, #tpu.memory_space<vmem>>, vector<16xf32>,
      tpu.vector_store_idx %arg15[%get3A_55], %get3A_57 {add = true} : memref<12032xf32, #tpu.memory_space<vmem>>[vector<16xi32>], vector<16xf32>,
      %get3A_58 = arith.constant 96 : index
      %get3A_59 = tpu.vector_load %arg12[%get3A_58] {strides = array<i32>} : memref<128xi32, #tpu.memory_space<vmem>>, vector<16xi32>,
      %get3A_60 = arith.constant 96 : index
      %get3A_61 = tpu.vector_load %arg13[%get3A_60] {strides = array<i32>} : memref<128xf32, #tpu.memory_space<vmem>>, vector<16xf32>,
      tpu.vector_store_idx %arg15[%get3A_59], %get3A_61 {add = true} : memref<12032xf32, #tpu.memory_space<vmem>>[vector<16xi32>], vector<16xf32>,
      %get3A_62 = arith.constant 112 : index
      %get3A_63 = tpu.vector_load %arg12[%get3A_62] {strides = array<i32>} : memref<128xi32, #tpu.memory_space<vmem>>, vector<16xi32>,
      %get3A_64 = arith.constant 112 : index
      %get3A_65 = tpu.vector_load %arg13[%get3A_64] {strides = array<i32>} : memref<128xf32, #tpu.memory_space<vmem>>, vector<16xf32>,
      tpu.vector_store_idx %arg15[%get3A_63], %get3A_65 {add = true} : memref<12032xf32, #tpu.memory_space<vmem>>[vector<16xi32>], vector<16xf32>,
    }
    %scan3A_21 = arith.constant 40 : i32
    %barrier3A_22 = arith.constant 0 : index
    tpu.barrier barrier_id(%barrier3A_22)
    "tpu.region"() ({
      %run_scoped3A = tpu.sem_alloc : memref<!tpu.dma_semaphore, #tpu.memory_space<semaphore_mem>>
      %dma_start3A = arith.constant 0 : i32
      %dma_start3A_27 = tpu.memref_slice %arg9[%add3A, %dma_start3A] : memref<32x12032xf32, #tpu.memory_space<hbm>> -> memref<1x12032xf32, #tpu.memory_space<hbm>>
      %dma_start3A_28 = tpu.memref_squeeze %dma_start3A_27 : memref<1x12032xf32, #tpu.memory_space<hbm>> -> memref<12032xf32, #tpu.memory_space<hbm>>
      %dma_start3A_29 = arith.constant 0 : i32
      %dma_start3A_30 = tpu.memref_slice %arg9[%add3A, %dma_start3A_29] : memref<32x12032xf32, #tpu.memory_space<hbm>> -> memref<1x12032xf32, #tpu.memory_space<hbm>>
      %dma_start3A_31 = tpu.memref_squeeze %dma_start3A_30 : memref<1x12032xf32, #tpu.memory_space<hbm>> -> memref<12032xf32, #tpu.memory_space<hbm>>
      tpu.enqueue_dma source(%arg15 : memref<12032xf32, #tpu.memory_space<vmem>>) target(%dma_start3A_31 : memref<12032xf32, #tpu.memory_space<hbm>>) target_semaphore(%run_scoped3A : memref<!tpu.dma_semaphore, #tpu.memory_space<semaphore_mem>>)
      %dma_wait3A = arith.constant 0 : i32
      %dma_wait3A_32 = tpu.memref_slice %arg9[%add3A, %dma_wait3A] : memref<32x12032xf32, #tpu.memory_space<hbm>> -> memref<1x12032xf32, #tpu.memory_space<hbm>>
      %dma_wait3A_33 = tpu.memref_squeeze %dma_wait3A_32 : memref<1x12032xf32, #tpu.memory_space<hbm>> -> memref<12032xf32, #tpu.memory_space<hbm>>
      %dma_wait3A_34 = arith.constant 0 : i32
      %dma_wait3A_35 = tpu.memref_slice %arg9[%add3A, %dma_wait3A_34] : memref<32x12032xf32, #tpu.memory_space<hbm>> -> memref<1x12032xf32, #tpu.memory_space<hbm>>
      %dma_wait3A_36 = tpu.memref_squeeze %dma_wait3A_35 : memref<1x12032xf32, #tpu.memory_space<hbm>> -> memref<12032xf32, #tpu.memory_space<hbm>>
      tpu.wait_dma2 semaphore(%run_scoped3A : memref<!tpu.dma_semaphore, #tpu.memory_space<semaphore_mem>>) src(%arg15 : memref<12032xf32, #tpu.memory_space<vmem>>) dst(%dma_wait3A_36 : memref<12032xf32, #tpu.memory_space<hbm>>)
      tpu.yield
    }) : () -> ()
    %mul3A_23 = arith.constant 752 : i32
    %mul3A_24 = arith.muli %arg1, %mul3A_23 : i32
    %mul3A_25 = arith.constant 752 : i32
    %mul3A_26 = arith.muli %arg1, %mul3A_25 : i32
    "tpu.region"() ({
      %run_scoped3A = tpu.sem_alloc : memref<!tpu.dma_semaphore, #tpu.memory_space<semaphore_mem>>
      %dma_start3A = arith.constant 0 : i32
      %dma_start3A_27 = tpu.memref_slice %arg8[%arg0, %mul3A_26, %dma_start3A] : memref<2x12032x128xf32, #tpu.memory_space<hbm>> -> memref<1x752x128xf32, #tpu.memory_space<hbm>>
      %dma_start3A_28 = tpu.memref_squeeze %dma_start3A_27 : memref<1x752x128xf32, #tpu.memory_space<hbm>> -> memref<752x128xf32, #tpu.memory_space<hbm>>
      %dma_start3A_29 = arith.constant 0 : i32
      %dma_start3A_30 = tpu.memref_slice %arg10[%mul3A_24, %dma_start3A_29] : memref<12032x128xf32, #tpu.memory_space<vmem_shared>> -> memref<752x128xf32, #tpu.memory_space<vmem_shared>>
      tpu.enqueue_dma source(%dma_start3A_30 : memref<752x128xf32, #tpu.memory_space<vmem_shared>>) target(%dma_start3A_28 : memref<752x128xf32, #tpu.memory_space<hbm>>) target_semaphore(%run_scoped3A : memref<!tpu.dma_semaphore, #tpu.memory_space<semaphore_mem>>)
      %dma_wait3A = arith.constant 0 : i32
      %dma_wait3A_31 = tpu.memref_slice %arg8[%arg0, %mul3A_26, %dma_wait3A] : memref<2x12032x128xf32, #tpu.memory_space<hbm>> -> memref<1x752x128xf32, #tpu.memory_space<hbm>>
      %dma_wait3A_32 = tpu.memref_squeeze %dma_wait3A_31 : memref<1x752x128xf32, #tpu.memory_space<hbm>> -> memref<752x128xf32, #tpu.memory_space<hbm>>
      %dma_wait3A_33 = arith.constant 0 : i32
      %dma_wait3A_34 = tpu.memref_slice %arg10[%mul3A_24, %dma_wait3A_33] : memref<12032x128xf32, #tpu.memory_space<vmem_shared>> -> memref<752x128xf32, #tpu.memory_space<vmem_shared>>
      tpu.wait_dma2 semaphore(%run_scoped3A : memref<!tpu.dma_semaphore, #tpu.memory_space<semaphore_mem>>) src(%dma_wait3A_34 : memref<752x128xf32, #tpu.memory_space<vmem_shared>>) dst(%dma_wait3A_32 : memref<752x128xf32, #tpu.memory_space<hbm>>)
      tpu.yield
    }) : () -> ()
    return
  }
}

#map = affine_map<(d0, d1) -> (0, 0)>
module attributes {stable_mosaic.version = 14 : i64} {
  func.func @_gather_body(%arg0: i32, %arg1: i32, %arg2: memref<10000x128xf32, #tpu.memory_space<hbm>>, %arg3: memref<10000x256xf32, #tpu.memory_space<hbm>>, %arg4: memref<2560x128xi32, #tpu.memory_space<hbm>>, %arg5: memref<2560x128xi32, #tpu.memory_space<hbm>>, %arg6: memref<327680x128xf32, #tpu.memory_space<hbm>>, %arg7: memref<327680x256xf32, #tpu.memory_space<hbm>>, %arg8: memref<80x128xi32, #tpu.memory_space<vmem>>, %arg9: memref<80x128xi32, #tpu.memory_space<vmem>>, %arg10: memref<4x64x128xf32, #tpu.memory_space<vmem>>, %arg11: memref<4x64x256xf32, #tpu.memory_space<vmem>>, %arg12: memref<!tpu.dma_semaphore, #tpu.memory_space<semaphore_mem>>, %arg13: memref<!tpu.dma_semaphore, #tpu.memory_space<semaphore_mem>>, %arg14: memref<!tpu.dma_semaphore, #tpu.memory_space<semaphore_mem>>, %arg15: memref<!tpu.dma_semaphore, #tpu.memory_space<semaphore_mem>>, %arg16: memref<!tpu.dma_semaphore, #tpu.memory_space<semaphore_mem>>, %arg17: memref<!tpu.dma_semaphore, #tpu.memory_space<semaphore_mem>>, %arg18: memref<!tpu.dma_semaphore, #tpu.memory_space<semaphore_mem>>, %arg19: memref<!tpu.dma_semaphore, #tpu.memory_space<semaphore_mem>>) attributes {dimension_semantics = [#tpu.dimension_semantics<core_parallel>, #tpu.dimension_semantics<subcore_parallel>], iteration_bounds = array<i64: 2, 16>, scalar_prefetch = 0 : i64, scratch_operands = 12 : i64, tpu.core_type = #tpu.core_type<sc_vector_subcore>, window_params = [{transform_indices = #map}, {transform_indices = #map}, {transform_indices = #map}, {transform_indices = #map}, {transform_indices = #map}, {transform_indices = #map}]} {
    %mul3A = arith.constant 2 : i32
    %mul3A_0 = arith.muli %arg1, %mul3A : i32
    %add3A = arith.addi %mul3A_0, %arg0 : i32
    %mul3A_1 = arith.constant 80 : i32
    %mul3A_2 = arith.muli %add3A, %mul3A_1 : i32
    "tpu.region"() ({
      %run_scoped3A = tpu.sem_alloc : memref<!tpu.dma_semaphore, #tpu.memory_space<semaphore_mem>>
      %dma_start3A = arith.constant 0 : i32
      %dma_start3A_121 = tpu.memref_slice %arg4[%mul3A_2, %dma_start3A] : memref<2560x128xi32, #tpu.memory_space<hbm>> -> memref<80x128xi32, #tpu.memory_space<hbm>>
      %dma_start3A_122 = arith.constant 0 : i32
      %dma_start3A_123 = tpu.memref_slice %arg4[%mul3A_2, %dma_start3A_122] : memref<2560x128xi32, #tpu.memory_space<hbm>> -> memref<80x128xi32, #tpu.memory_space<hbm>>
      tpu.enqueue_dma source(%dma_start3A_123 : memref<80x128xi32, #tpu.memory_space<hbm>>) target(%arg8 : memref<80x128xi32, #tpu.memory_space<vmem>>) target_semaphore(%run_scoped3A : memref<!tpu.dma_semaphore, #tpu.memory_space<semaphore_mem>>)
      %dma_wait3A_124 = arith.constant 0 : i32
      %dma_wait3A_125 = tpu.memref_slice %arg4[%mul3A_2, %dma_wait3A_124] : memref<2560x128xi32, #tpu.memory_space<hbm>> -> memref<80x128xi32, #tpu.memory_space<hbm>>
      %dma_wait3A_126 = arith.constant 0 : i32
      %dma_wait3A_127 = tpu.memref_slice %arg4[%mul3A_2, %dma_wait3A_126] : memref<2560x128xi32, #tpu.memory_space<hbm>> -> memref<80x128xi32, #tpu.memory_space<hbm>>
      tpu.wait_dma2 semaphore(%run_scoped3A : memref<!tpu.dma_semaphore, #tpu.memory_space<semaphore_mem>>) src(%dma_wait3A_127 : memref<80x128xi32, #tpu.memory_space<hbm>>) dst(%arg8 : memref<80x128xi32, #tpu.memory_space<vmem>>)
      tpu.yield
    }) : () -> ()
    "tpu.region"() ({
      %run_scoped3A = tpu.sem_alloc : memref<!tpu.dma_semaphore, #tpu.memory_space<semaphore_mem>>
      %dma_start3A = arith.constant 0 : i32
      %dma_start3A_121 = tpu.memref_slice %arg5[%mul3A_2, %dma_start3A] : memref<2560x128xi32, #tpu.memory_space<hbm>> -> memref<80x128xi32, #tpu.memory_space<hbm>>
      %dma_start3A_122 = arith.constant 0 : i32
      %dma_start3A_123 = tpu.memref_slice %arg5[%mul3A_2, %dma_start3A_122] : memref<2560x128xi32, #tpu.memory_space<hbm>> -> memref<80x128xi32, #tpu.memory_space<hbm>>
      tpu.enqueue_dma source(%dma_start3A_123 : memref<80x128xi32, #tpu.memory_space<hbm>>) target(%arg9 : memref<80x128xi32, #tpu.memory_space<vmem>>) target_semaphore(%run_scoped3A : memref<!tpu.dma_semaphore, #tpu.memory_space<semaphore_mem>>)
      %dma_wait3A_124 = arith.constant 0 : i32
      %dma_wait3A_125 = tpu.memref_slice %arg5[%mul3A_2, %dma_wait3A_124] : memref<2560x128xi32, #tpu.memory_space<hbm>> -> memref<80x128xi32, #tpu.memory_space<hbm>>
      %dma_wait3A_126 = arith.constant 0 : i32
      %dma_wait3A_127 = tpu.memref_slice %arg5[%mul3A_2, %dma_wait3A_126] : memref<2560x128xi32, #tpu.memory_space<hbm>> -> memref<80x128xi32, #tpu.memory_space<hbm>>
      tpu.wait_dma2 semaphore(%run_scoped3A : memref<!tpu.dma_semaphore, #tpu.memory_space<semaphore_mem>>) src(%dma_wait3A_127 : memref<80x128xi32, #tpu.memory_space<hbm>>) dst(%arg9 : memref<80x128xi32, #tpu.memory_space<vmem>>)
      tpu.yield
    }) : () -> ()
    %mul3A_3 = arith.constant 128 : i32
    %mul3A_4 = arith.muli %mul3A_2, %mul3A_3 : i32
    %scan3A = arith.constant 0 : i32
    %scan3A_5 = arith.constant 0 : i32
    %scan3A_6 = arith.constant 40 : i32
    %scan3A_7 = arith.addi %scan3A_5, %scan3A_6 : i32
    %scan3A_8 = arith.constant 1 : i32
    scf.for %scan3A_121 = %scan3A_5 to %scan3A_7 step %scan3A_8  : i32 {
      %gt3A = arith.constant 0 : i32
      %gt3A_122 = arith.cmpi sgt, %scan3A_121, %gt3A : i32
      %convert_element_type3A = arith.extui %gt3A_122 : i1 to i32
      %cond3A = arith.constant 0 : i32
      %cond3A_123 = arith.cmpi ne, %convert_element_type3A, %cond3A : i32
      scf.if %cond3A_123 {
        %sub3A = arith.constant 1 : i32
        %sub3A_478 = arith.subi %scan3A_121, %sub3A : i32
        %mul3A_479 = arith.constant 4 : i32
        %mul3A_480 = arith.muli %mul3A_479, %sub3A_478 : i32
        %add3A_481 = arith.constant 0 : i32
        %add3A_482 = arith.addi %mul3A_480, %add3A_481 : i32
        %mul3A_483 = arith.constant 64 : i32
        %mul3A_484 = arith.muli %add3A_482, %mul3A_483 : i32
        %add3A_485 = arith.addi %mul3A_4, %mul3A_484 : i32
        %dma_wait3A_486 = arith.constant 0 : i32
        %dma_wait3A_487 = arith.constant 0 : i32
        %dma_wait3A_488 = arith.constant 0 : i32
        %dma_wait3A_489 = tpu.memref_slice %arg10[%dma_wait3A_486, %dma_wait3A_487, %dma_wait3A_488] : memref<4x64x128xf32, #tpu.memory_space<vmem>> -> memref<1x64x128xf32, #tpu.memory_space<vmem>>
        %dma_wait3A_490 = tpu.memref_squeeze %dma_wait3A_489 : memref<1x64x128xf32, #tpu.memory_space<vmem>> -> memref<64x128xf32, #tpu.memory_space<vmem>>
        %dma_wait3A_491 = arith.constant 0 : i32
        %dma_wait3A_492 = tpu.memref_slice %arg6[%add3A_485, %dma_wait3A_491] : memref<327680x128xf32, #tpu.memory_space<hbm>> -> memref<64x128xf32, #tpu.memory_space<hbm>>
        %dma_wait3A_493 = arith.constant 0 : i32
        %dma_wait3A_494 = tpu.memref_slice %arg6[%add3A_485, %dma_wait3A_493] : memref<327680x128xf32, #tpu.memory_space<hbm>> -> memref<64x128xf32, #tpu.memory_space<hbm>>
        %dma_wait3A_495 = arith.constant 0 : i32
        %dma_wait3A_496 = arith.constant 0 : i32
        %dma_wait3A_497 = tpu.memref_slice %arg10[%dma_wait3A_486, %dma_wait3A_495, %dma_wait3A_496] : memref<4x64x128xf32, #tpu.memory_space<vmem>> -> memref<1x64x128xf32, #tpu.memory_space<vmem>>
        %dma_wait3A_498 = tpu.memref_squeeze %dma_wait3A_497 : memref<1x64x128xf32, #tpu.memory_space<vmem>> -> memref<64x128xf32, #tpu.memory_space<vmem>>
        tpu.wait_dma2 semaphore(%arg16 : memref<!tpu.dma_semaphore, #tpu.memory_space<semaphore_mem>>) src(%dma_wait3A_498 : memref<64x128xf32, #tpu.memory_space<vmem>>) dst(%dma_wait3A_494 : memref<64x128xf32, #tpu.memory_space<hbm>>)
        %dma_wait3A_499 = arith.constant 0 : i32
        %dma_wait3A_500 = arith.constant 0 : i32
        %dma_wait3A_501 = arith.constant 0 : i32
        %dma_wait3A_502 = tpu.memref_slice %arg11[%dma_wait3A_499, %dma_wait3A_500, %dma_wait3A_501] : memref<4x64x256xf32, #tpu.memory_space<vmem>> -> memref<1x64x256xf32, #tpu.memory_space<vmem>>
        %dma_wait3A_503 = tpu.memref_squeeze %dma_wait3A_502 : memref<1x64x256xf32, #tpu.memory_space<vmem>> -> memref<64x256xf32, #tpu.memory_space<vmem>>
        %dma_wait3A_504 = arith.constant 0 : i32
        %dma_wait3A_505 = tpu.memref_slice %arg7[%add3A_485, %dma_wait3A_504] : memref<327680x256xf32, #tpu.memory_space<hbm>> -> memref<64x256xf32, #tpu.memory_space<hbm>>
        %dma_wait3A_506 = arith.constant 0 : i32
        %dma_wait3A_507 = tpu.memref_slice %arg7[%add3A_485, %dma_wait3A_506] : memref<327680x256xf32, #tpu.memory_space<hbm>> -> memref<64x256xf32, #tpu.memory_space<hbm>>
        %dma_wait3A_508 = arith.constant 0 : i32
        %dma_wait3A_509 = arith.constant 0 : i32
        %dma_wait3A_510 = tpu.memref_slice %arg11[%dma_wait3A_499, %dma_wait3A_508, %dma_wait3A_509] : memref<4x64x256xf32, #tpu.memory_space<vmem>> -> memref<1x64x256xf32, #tpu.memory_space<vmem>>
        %dma_wait3A_511 = tpu.memref_squeeze %dma_wait3A_510 : memref<1x64x256xf32, #tpu.memory_space<vmem>> -> memref<64x256xf32, #tpu.memory_space<vmem>>
        tpu.wait_dma2 semaphore(%arg16 : memref<!tpu.dma_semaphore, #tpu.memory_space<semaphore_mem>>) src(%dma_wait3A_511 : memref<64x256xf32, #tpu.memory_space<vmem>>) dst(%dma_wait3A_507 : memref<64x256xf32, #tpu.memory_space<hbm>>)
      } else {
      }
      %mul3A_124 = arith.constant 2 : i32
      %mul3A_125 = arith.muli %mul3A_124, %scan3A_121 : i32
      %add3A_126 = arith.constant 0 : i32
      %add3A_127 = arith.addi %mul3A_125, %add3A_126 : i32
      %dma_start3A = arith.constant 0 : i32
      %dma_start3A_128 = arith.constant 0 : i32
      %dma_start3A_129 = arith.constant 0 : i32
      %dma_start3A_130 = tpu.memref_slice %arg10[%dma_start3A, %dma_start3A_128, %dma_start3A_129] : memref<4x64x128xf32, #tpu.memory_space<vmem>> -> memref<1x64x128xf32, #tpu.memory_space<vmem>>
      %dma_start3A_131 = tpu.memref_squeeze %dma_start3A_130 : memref<1x64x128xf32, #tpu.memory_space<vmem>> -> memref<64x128xf32, #tpu.memory_space<vmem>>
      %dma_start3A_132 = arith.constant 0 : i32
      %dma_start3A_133 = tpu.memref_slice %arg8[%add3A_127, %dma_start3A_132] : memref<80x128xi32, #tpu.memory_space<vmem>> -> memref<1x64xi32, #tpu.memory_space<vmem>>
      %dma_start3A_134 = tpu.memref_squeeze %dma_start3A_133 : memref<1x64xi32, #tpu.memory_space<vmem>> -> memref<64xi32, #tpu.memory_space<vmem>>
      %dma_start3A_135 = arith.constant 0 : i32
      %dma_start3A_136 = arith.constant 0 : i32
      %dma_start3A_137 = tpu.memref_slice %arg2[%dma_start3A_135, %dma_start3A_136] : memref<10000x128xf32, #tpu.memory_space<hbm>> -> memref<10000x128xf32, #tpu.memory_space<hbm>>
      tpu.enqueue_indirect_dma source(%dma_start3A_137 : memref<10000x128xf32, #tpu.memory_space<hbm>>) target(%dma_start3A_131 : memref<64x128xf32, #tpu.memory_space<vmem>>) offsets(%dma_start3A_134 : memref<64xi32, #tpu.memory_space<vmem>>) semaphore(%arg12 : memref<!tpu.dma_semaphore, #tpu.memory_space<semaphore_mem>>)
      %dma_start3A_138 = arith.constant 0 : i32
      %dma_start3A_139 = arith.constant 0 : i32
      %dma_start3A_140 = arith.constant 0 : i32
      %dma_start3A_141 = tpu.memref_slice %arg11[%dma_start3A_138, %dma_start3A_139, %dma_start3A_140] : memref<4x64x256xf32, #tpu.memory_space<vmem>> -> memref<1x64x256xf32, #tpu.memory_space<vmem>>
      %dma_start3A_142 = tpu.memref_squeeze %dma_start3A_141 : memref<1x64x256xf32, #tpu.memory_space<vmem>> -> memref<64x256xf32, #tpu.memory_space<vmem>>
      %dma_start3A_143 = arith.constant 0 : i32
      %dma_start3A_144 = tpu.memref_slice %arg9[%add3A_127, %dma_start3A_143] : memref<80x128xi32, #tpu.memory_space<vmem>> -> memref<1x64xi32, #tpu.memory_space<vmem>>
      %dma_start3A_145 = tpu.memref_squeeze %dma_start3A_144 : memref<1x64xi32, #tpu.memory_space<vmem>> -> memref<64xi32, #tpu.memory_space<vmem>>
      %dma_start3A_146 = arith.constant 0 : i32
      %dma_start3A_147 = arith.constant 0 : i32
      %dma_start3A_148 = tpu.memref_slice %arg3[%dma_start3A_146, %dma_start3A_147] : memref<10000x256xf32, #tpu.memory_space<hbm>> -> memref<10000x256xf32, #tpu.memory_space<hbm>>
      tpu.enqueue_indirect_dma source(%dma_start3A_148 : memref<10000x256xf32, #tpu.memory_space<hbm>>) target(%dma_start3A_142 : memref<64x256xf32, #tpu.memory_space<vmem>>) offsets(%dma_start3A_145 : memref<64xi32, #tpu.memory_space<vmem>>) semaphore(%arg12 : memref<!tpu.dma_semaphore, #tpu.memory_space<semaphore_mem>>)
      %gt3A_149 = arith.constant 0 : i32
      %gt3A_150 = arith.cmpi sgt, %scan3A_121, %gt3A_149 : i32
      %convert_element_type3A_151 = arith.extui %gt3A_150 : i1 to i32
      %cond3A_152 = arith.constant 0 : i32
      %cond3A_153 = arith.cmpi ne, %convert_element_type3A_151, %cond3A_152 : i32
      scf.if %cond3A_153 {
        %sub3A = arith.constant 1 : i32
        %sub3A_478 = arith.subi %scan3A_121, %sub3A : i32
        %mul3A_479 = arith.constant 4 : i32
        %mul3A_480 = arith.muli %mul3A_479, %sub3A_478 : i32
        %add3A_481 = arith.constant 1 : i32
        %add3A_482 = arith.addi %mul3A_480, %add3A_481 : i32
        %mul3A_483 = arith.constant 64 : i32
        %mul3A_484 = arith.muli %add3A_482, %mul3A_483 : i32
        %add3A_485 = arith.addi %mul3A_4, %mul3A_484 : i32
        %dma_wait3A_486 = arith.constant 1 : i32
        %dma_wait3A_487 = arith.constant 0 : i32
        %dma_wait3A_488 = arith.constant 0 : i32
        %dma_wait3A_489 = tpu.memref_slice %arg10[%dma_wait3A_486, %dma_wait3A_487, %dma_wait3A_488] : memref<4x64x128xf32, #tpu.memory_space<vmem>> -> memref<1x64x128xf32, #tpu.memory_space<vmem>>
        %dma_wait3A_490 = tpu.memref_squeeze %dma_wait3A_489 : memref<1x64x128xf32, #tpu.memory_space<vmem>> -> memref<64x128xf32, #tpu.memory_space<vmem>>
        %dma_wait3A_491 = arith.constant 0 : i32
        %dma_wait3A_492 = tpu.memref_slice %arg6[%add3A_485, %dma_wait3A_491] : memref<327680x128xf32, #tpu.memory_space<hbm>> -> memref<64x128xf32, #tpu.memory_space<hbm>>
        %dma_wait3A_493 = arith.constant 0 : i32
        %dma_wait3A_494 = tpu.memref_slice %arg6[%add3A_485, %dma_wait3A_493] : memref<327680x128xf32, #tpu.memory_space<hbm>> -> memref<64x128xf32, #tpu.memory_space<hbm>>
        %dma_wait3A_495 = arith.constant 0 : i32
        %dma_wait3A_496 = arith.constant 0 : i32
        %dma_wait3A_497 = tpu.memref_slice %arg10[%dma_wait3A_486, %dma_wait3A_495, %dma_wait3A_496] : memref<4x64x128xf32, #tpu.memory_space<vmem>> -> memref<1x64x128xf32, #tpu.memory_space<vmem>>
        %dma_wait3A_498 = tpu.memref_squeeze %dma_wait3A_497 : memref<1x64x128xf32, #tpu.memory_space<vmem>> -> memref<64x128xf32, #tpu.memory_space<vmem>>
        tpu.wait_dma2 semaphore(%arg17 : memref<!tpu.dma_semaphore, #tpu.memory_space<semaphore_mem>>) src(%dma_wait3A_498 : memref<64x128xf32, #tpu.memory_space<vmem>>) dst(%dma_wait3A_494 : memref<64x128xf32, #tpu.memory_space<hbm>>)
        %dma_wait3A_499 = arith.constant 1 : i32
        %dma_wait3A_500 = arith.constant 0 : i32
        %dma_wait3A_501 = arith.constant 0 : i32
        %dma_wait3A_502 = tpu.memref_slice %arg11[%dma_wait3A_499, %dma_wait3A_500, %dma_wait3A_501] : memref<4x64x256xf32, #tpu.memory_space<vmem>> -> memref<1x64x256xf32, #tpu.memory_space<vmem>>
        %dma_wait3A_503 = tpu.memref_squeeze %dma_wait3A_502 : memref<1x64x256xf32, #tpu.memory_space<vmem>> -> memref<64x256xf32, #tpu.memory_space<vmem>>
        %dma_wait3A_504 = arith.constant 0 : i32
        %dma_wait3A_505 = tpu.memref_slice %arg7[%add3A_485, %dma_wait3A_504] : memref<327680x256xf32, #tpu.memory_space<hbm>> -> memref<64x256xf32, #tpu.memory_space<hbm>>
        %dma_wait3A_506 = arith.constant 0 : i32
        %dma_wait3A_507 = tpu.memref_slice %arg7[%add3A_485, %dma_wait3A_506] : memref<327680x256xf32, #tpu.memory_space<hbm>> -> memref<64x256xf32, #tpu.memory_space<hbm>>
        %dma_wait3A_508 = arith.constant 0 : i32
        %dma_wait3A_509 = arith.constant 0 : i32
        %dma_wait3A_510 = tpu.memref_slice %arg11[%dma_wait3A_499, %dma_wait3A_508, %dma_wait3A_509] : memref<4x64x256xf32, #tpu.memory_space<vmem>> -> memref<1x64x256xf32, #tpu.memory_space<vmem>>
        %dma_wait3A_511 = tpu.memref_squeeze %dma_wait3A_510 : memref<1x64x256xf32, #tpu.memory_space<vmem>> -> memref<64x256xf32, #tpu.memory_space<vmem>>
        tpu.wait_dma2 semaphore(%arg17 : memref<!tpu.dma_semaphore, #tpu.memory_space<semaphore_mem>>) src(%dma_wait3A_511 : memref<64x256xf32, #tpu.memory_space<vmem>>) dst(%dma_wait3A_507 : memref<64x256xf32, #tpu.memory_space<hbm>>)
      } else {
      }
      %mul3A_154 = arith.constant 2 : i32
      %mul3A_155 = arith.muli %mul3A_154, %scan3A_121 : i32
      %add3A_156 = arith.constant 0 : i32
      %add3A_157 = arith.addi %mul3A_155, %add3A_156 : i32
      %dma_start3A_158 = arith.constant 1 : i32
      %dma_start3A_159 = arith.constant 0 : i32
      %dma_start3A_160 = arith.constant 0 : i32
      %dma_start3A_161 = tpu.memref_slice %arg10[%dma_start3A_158, %dma_start3A_159, %dma_start3A_160] : memref<4x64x128xf32, #tpu.memory_space<vmem>> -> memref<1x64x128xf32, #tpu.memory_space<vmem>>
      %dma_start3A_162 = tpu.memref_squeeze %dma_start3A_161 : memref<1x64x128xf32, #tpu.memory_space<vmem>> -> memref<64x128xf32, #tpu.memory_space<vmem>>
      %dma_start3A_163 = arith.constant 64 : i32
      %dma_start3A_164 = tpu.memref_slice %arg8[%add3A_157, %dma_start3A_163] : memref<80x128xi32, #tpu.memory_space<vmem>> -> memref<1x64xi32, #tpu.memory_space<vmem>>
      %dma_start3A_165 = tpu.memref_squeeze %dma_start3A_164 : memref<1x64xi32, #tpu.memory_space<vmem>> -> memref<64xi32, #tpu.memory_space<vmem>>
      %dma_start3A_166 = arith.constant 0 : i32
      %dma_start3A_167 = arith.constant 0 : i32
      %dma_start3A_168 = tpu.memref_slice %arg2[%dma_start3A_166, %dma_start3A_167] : memref<10000x128xf32, #tpu.memory_space<hbm>> -> memref<10000x128xf32, #tpu.memory_space<hbm>>
      tpu.enqueue_indirect_dma source(%dma_start3A_168 : memref<10000x128xf32, #tpu.memory_space<hbm>>) target(%dma_start3A_162 : memref<64x128xf32, #tpu.memory_space<vmem>>) offsets(%dma_start3A_165 : memref<64xi32, #tpu.memory_space<vmem>>) semaphore(%arg13 : memref<!tpu.dma_semaphore, #tpu.memory_space<semaphore_mem>>)
      %dma_start3A_169 = arith.constant 1 : i32
      %dma_start3A_170 = arith.constant 0 : i32
      %dma_start3A_171 = arith.constant 0 : i32
      %dma_start3A_172 = tpu.memref_slice %arg11[%dma_start3A_169, %dma_start3A_170, %dma_start3A_171] : memref<4x64x256xf32, #tpu.memory_space<vmem>> -> memref<1x64x256xf32, #tpu.memory_space<vmem>>
      %dma_start3A_173 = tpu.memref_squeeze %dma_start3A_172 : memref<1x64x256xf32, #tpu.memory_space<vmem>> -> memref<64x256xf32, #tpu.memory_space<vmem>>
      %dma_start3A_174 = arith.constant 64 : i32
      %dma_start3A_175 = tpu.memref_slice %arg9[%add3A_157, %dma_start3A_174] : memref<80x128xi32, #tpu.memory_space<vmem>> -> memref<1x64xi32, #tpu.memory_space<vmem>>
      %dma_start3A_176 = tpu.memref_squeeze %dma_start3A_175 : memref<1x64xi32, #tpu.memory_space<vmem>> -> memref<64xi32, #tpu.memory_space<vmem>>
      %dma_start3A_177 = arith.constant 0 : i32
      %dma_start3A_178 = arith.constant 0 : i32
      %dma_start3A_179 = tpu.memref_slice %arg3[%dma_start3A_177, %dma_start3A_178] : memref<10000x256xf32, #tpu.memory_space<hbm>> -> memref<10000x256xf32, #tpu.memory_space<hbm>>
      tpu.enqueue_indirect_dma source(%dma_start3A_179 : memref<10000x256xf32, #tpu.memory_space<hbm>>) target(%dma_start3A_173 : memref<64x256xf32, #tpu.memory_space<vmem>>) offsets(%dma_start3A_176 : memref<64xi32, #tpu.memory_space<vmem>>) semaphore(%arg13 : memref<!tpu.dma_semaphore, #tpu.memory_space<semaphore_mem>>)
      %gt3A_180 = arith.constant 0 : i32
      %gt3A_181 = arith.cmpi sgt, %scan3A_121, %gt3A_180 : i32
      %convert_element_type3A_182 = arith.extui %gt3A_181 : i1 to i32
      %cond3A_183 = arith.constant 0 : i32
      %cond3A_184 = arith.cmpi ne, %convert_element_type3A_182, %cond3A_183 : i32
      scf.if %cond3A_184 {
        %sub3A = arith.constant 1 : i32
        %sub3A_478 = arith.subi %scan3A_121, %sub3A : i32
        %mul3A_479 = arith.constant 4 : i32
        %mul3A_480 = arith.muli %mul3A_479, %sub3A_478 : i32
        %add3A_481 = arith.constant 2 : i32
        %add3A_482 = arith.addi %mul3A_480, %add3A_481 : i32
        %mul3A_483 = arith.constant 64 : i32
        %mul3A_484 = arith.muli %add3A_482, %mul3A_483 : i32
        %add3A_485 = arith.addi %mul3A_4, %mul3A_484 : i32
        %dma_wait3A_486 = arith.constant 2 : i32
        %dma_wait3A_487 = arith.constant 0 : i32
        %dma_wait3A_488 = arith.constant 0 : i32
        %dma_wait3A_489 = tpu.memref_slice %arg10[%dma_wait3A_486, %dma_wait3A_487, %dma_wait3A_488] : memref<4x64x128xf32, #tpu.memory_space<vmem>> -> memref<1x64x128xf32, #tpu.memory_space<vmem>>
        %dma_wait3A_490 = tpu.memref_squeeze %dma_wait3A_489 : memref<1x64x128xf32, #tpu.memory_space<vmem>> -> memref<64x128xf32, #tpu.memory_space<vmem>>
        %dma_wait3A_491 = arith.constant 0 : i32
        %dma_wait3A_492 = tpu.memref_slice %arg6[%add3A_485, %dma_wait3A_491] : memref<327680x128xf32, #tpu.memory_space<hbm>> -> memref<64x128xf32, #tpu.memory_space<hbm>>
        %dma_wait3A_493 = arith.constant 0 : i32
        %dma_wait3A_494 = tpu.memref_slice %arg6[%add3A_485, %dma_wait3A_493] : memref<327680x128xf32, #tpu.memory_space<hbm>> -> memref<64x128xf32, #tpu.memory_space<hbm>>
        %dma_wait3A_495 = arith.constant 0 : i32
        %dma_wait3A_496 = arith.constant 0 : i32
        %dma_wait3A_497 = tpu.memref_slice %arg10[%dma_wait3A_486, %dma_wait3A_495, %dma_wait3A_496] : memref<4x64x128xf32, #tpu.memory_space<vmem>> -> memref<1x64x128xf32, #tpu.memory_space<vmem>>
        %dma_wait3A_498 = tpu.memref_squeeze %dma_wait3A_497 : memref<1x64x128xf32, #tpu.memory_space<vmem>> -> memref<64x128xf32, #tpu.memory_space<vmem>>
        tpu.wait_dma2 semaphore(%arg18 : memref<!tpu.dma_semaphore, #tpu.memory_space<semaphore_mem>>) src(%dma_wait3A_498 : memref<64x128xf32, #tpu.memory_space<vmem>>) dst(%dma_wait3A_494 : memref<64x128xf32, #tpu.memory_space<hbm>>)
        %dma_wait3A_499 = arith.constant 2 : i32
        %dma_wait3A_500 = arith.constant 0 : i32
        %dma_wait3A_501 = arith.constant 0 : i32
        %dma_wait3A_502 = tpu.memref_slice %arg11[%dma_wait3A_499, %dma_wait3A_500, %dma_wait3A_501] : memref<4x64x256xf32, #tpu.memory_space<vmem>> -> memref<1x64x256xf32, #tpu.memory_space<vmem>>
        %dma_wait3A_503 = tpu.memref_squeeze %dma_wait3A_502 : memref<1x64x256xf32, #tpu.memory_space<vmem>> -> memref<64x256xf32, #tpu.memory_space<vmem>>
        %dma_wait3A_504 = arith.constant 0 : i32
        %dma_wait3A_505 = tpu.memref_slice %arg7[%add3A_485, %dma_wait3A_504] : memref<327680x256xf32, #tpu.memory_space<hbm>> -> memref<64x256xf32, #tpu.memory_space<hbm>>
        %dma_wait3A_506 = arith.constant 0 : i32
        %dma_wait3A_507 = tpu.memref_slice %arg7[%add3A_485, %dma_wait3A_506] : memref<327680x256xf32, #tpu.memory_space<hbm>> -> memref<64x256xf32, #tpu.memory_space<hbm>>
        %dma_wait3A_508 = arith.constant 0 : i32
        %dma_wait3A_509 = arith.constant 0 : i32
        %dma_wait3A_510 = tpu.memref_slice %arg11[%dma_wait3A_499, %dma_wait3A_508, %dma_wait3A_509] : memref<4x64x256xf32, #tpu.memory_space<vmem>> -> memref<1x64x256xf32, #tpu.memory_space<vmem>>
        %dma_wait3A_511 = tpu.memref_squeeze %dma_wait3A_510 : memref<1x64x256xf32, #tpu.memory_space<vmem>> -> memref<64x256xf32, #tpu.memory_space<vmem>>
        tpu.wait_dma2 semaphore(%arg18 : memref<!tpu.dma_semaphore, #tpu.memory_space<semaphore_mem>>) src(%dma_wait3A_511 : memref<64x256xf32, #tpu.memory_space<vmem>>) dst(%dma_wait3A_507 : memref<64x256xf32, #tpu.memory_space<hbm>>)
      } else {
      }
      %mul3A_185 = arith.constant 2 : i32
      %mul3A_186 = arith.muli %mul3A_185, %scan3A_121 : i32
      %add3A_187 = arith.constant 1 : i32
      %add3A_188 = arith.addi %mul3A_186, %add3A_187 : i32
      %dma_start3A_189 = arith.constant 2 : i32
      %dma_start3A_190 = arith.constant 0 : i32
      %dma_start3A_191 = arith.constant 0 : i32
      %dma_start3A_192 = tpu.memref_slice %arg10[%dma_start3A_189, %dma_start3A_190, %dma_start3A_191] : memref<4x64x128xf32, #tpu.memory_space<vmem>> -> memref<1x64x128xf32, #tpu.memory_space<vmem>>
      %dma_start3A_193 = tpu.memref_squeeze %dma_start3A_192 : memref<1x64x128xf32, #tpu.memory_space<vmem>> -> memref<64x128xf32, #tpu.memory_space<vmem>>
      %dma_start3A_194 = arith.constant 0 : i32
      %dma_start3A_195 = tpu.memref_slice %arg8[%add3A_188, %dma_start3A_194] : memref<80x128xi32, #tpu.memory_space<vmem>> -> memref<1x64xi32, #tpu.memory_space<vmem>>
      %dma_start3A_196 = tpu.memref_squeeze %dma_start3A_195 : memref<1x64xi32, #tpu.memory_space<vmem>> -> memref<64xi32, #tpu.memory_space<vmem>>
      %dma_start3A_197 = arith.constant 0 : i32
      %dma_start3A_198 = arith.constant 0 : i32
      %dma_start3A_199 = tpu.memref_slice %arg2[%dma_start3A_197, %dma_start3A_198] : memref<10000x128xf32, #tpu.memory_space<hbm>> -> memref<10000x128xf32, #tpu.memory_space<hbm>>
      tpu.enqueue_indirect_dma source(%dma_start3A_199 : memref<10000x128xf32, #tpu.memory_space<hbm>>) target(%dma_start3A_193 : memref<64x128xf32, #tpu.memory_space<vmem>>) offsets(%dma_start3A_196 : memref<64xi32, #tpu.memory_space<vmem>>) semaphore(%arg14 : memref<!tpu.dma_semaphore, #tpu.memory_space<semaphore_mem>>)
      %dma_start3A_200 = arith.constant 2 : i32
      %dma_start3A_201 = arith.constant 0 : i32
      %dma_start3A_202 = arith.constant 0 : i32
      %dma_start3A_203 = tpu.memref_slice %arg11[%dma_start3A_200, %dma_start3A_201, %dma_start3A_202] : memref<4x64x256xf32, #tpu.memory_space<vmem>> -> memref<1x64x256xf32, #tpu.memory_space<vmem>>
      %dma_start3A_204 = tpu.memref_squeeze %dma_start3A_203 : memref<1x64x256xf32, #tpu.memory_space<vmem>> -> memref<64x256xf32, #tpu.memory_space<vmem>>
      %dma_start3A_205 = arith.constant 0 : i32
      %dma_start3A_206 = tpu.memref_slice %arg9[%add3A_188, %dma_start3A_205] : memref<80x128xi32, #tpu.memory_space<vmem>> -> memref<1x64xi32, #tpu.memory_space<vmem>>
      %dma_start3A_207 = tpu.memref_squeeze %dma_start3A_206 : memref<1x64xi32, #tpu.memory_space<vmem>> -> memref<64xi32, #tpu.memory_space<vmem>>
      %dma_start3A_208 = arith.constant 0 : i32
      %dma_start3A_209 = arith.constant 0 : i32
      %dma_start3A_210 = tpu.memref_slice %arg3[%dma_start3A_208, %dma_start3A_209] : memref<10000x256xf32, #tpu.memory_space<hbm>> -> memref<10000x256xf32, #tpu.memory_space<hbm>>
      tpu.enqueue_indirect_dma source(%dma_start3A_210 : memref<10000x256xf32, #tpu.memory_space<hbm>>) target(%dma_start3A_204 : memref<64x256xf32, #tpu.memory_space<vmem>>) offsets(%dma_start3A_207 : memref<64xi32, #tpu.memory_space<vmem>>) semaphore(%arg14 : memref<!tpu.dma_semaphore, #tpu.memory_space<semaphore_mem>>)
      %gt3A_211 = arith.constant 0 : i32
      %gt3A_212 = arith.cmpi sgt, %scan3A_121, %gt3A_211 : i32
      %convert_element_type3A_213 = arith.extui %gt3A_212 : i1 to i32
      %cond3A_214 = arith.constant 0 : i32
      %cond3A_215 = arith.cmpi ne, %convert_element_type3A_213, %cond3A_214 : i32
      scf.if %cond3A_215 {
        %sub3A = arith.constant 1 : i32
        %sub3A_478 = arith.subi %scan3A_121, %sub3A : i32
        %mul3A_479 = arith.constant 4 : i32
        %mul3A_480 = arith.muli %mul3A_479, %sub3A_478 : i32
        %add3A_481 = arith.constant 3 : i32
        %add3A_482 = arith.addi %mul3A_480, %add3A_481 : i32
        %mul3A_483 = arith.constant 64 : i32
        %mul3A_484 = arith.muli %add3A_482, %mul3A_483 : i32
        %add3A_485 = arith.addi %mul3A_4, %mul3A_484 : i32
        %dma_wait3A_486 = arith.constant 3 : i32
        %dma_wait3A_487 = arith.constant 0 : i32
        %dma_wait3A_488 = arith.constant 0 : i32
        %dma_wait3A_489 = tpu.memref_slice %arg10[%dma_wait3A_486, %dma_wait3A_487, %dma_wait3A_488] : memref<4x64x128xf32, #tpu.memory_space<vmem>> -> memref<1x64x128xf32, #tpu.memory_space<vmem>>
        %dma_wait3A_490 = tpu.memref_squeeze %dma_wait3A_489 : memref<1x64x128xf32, #tpu.memory_space<vmem>> -> memref<64x128xf32, #tpu.memory_space<vmem>>
        %dma_wait3A_491 = arith.constant 0 : i32
        %dma_wait3A_492 = tpu.memref_slice %arg6[%add3A_485, %dma_wait3A_491] : memref<327680x128xf32, #tpu.memory_space<hbm>> -> memref<64x128xf32, #tpu.memory_space<hbm>>
        %dma_wait3A_493 = arith.constant 0 : i32
        %dma_wait3A_494 = tpu.memref_slice %arg6[%add3A_485, %dma_wait3A_493] : memref<327680x128xf32, #tpu.memory_space<hbm>> -> memref<64x128xf32, #tpu.memory_space<hbm>>
        %dma_wait3A_495 = arith.constant 0 : i32
        %dma_wait3A_496 = arith.constant 0 : i32
        %dma_wait3A_497 = tpu.memref_slice %arg10[%dma_wait3A_486, %dma_wait3A_495, %dma_wait3A_496] : memref<4x64x128xf32, #tpu.memory_space<vmem>> -> memref<1x64x128xf32, #tpu.memory_space<vmem>>
        %dma_wait3A_498 = tpu.memref_squeeze %dma_wait3A_497 : memref<1x64x128xf32, #tpu.memory_space<vmem>> -> memref<64x128xf32, #tpu.memory_space<vmem>>
        tpu.wait_dma2 semaphore(%arg19 : memref<!tpu.dma_semaphore, #tpu.memory_space<semaphore_mem>>) src(%dma_wait3A_498 : memref<64x128xf32, #tpu.memory_space<vmem>>) dst(%dma_wait3A_494 : memref<64x128xf32, #tpu.memory_space<hbm>>)
        %dma_wait3A_499 = arith.constant 3 : i32
        %dma_wait3A_500 = arith.constant 0 : i32
        %dma_wait3A_501 = arith.constant 0 : i32
        %dma_wait3A_502 = tpu.memref_slice %arg11[%dma_wait3A_499, %dma_wait3A_500, %dma_wait3A_501] : memref<4x64x256xf32, #tpu.memory_space<vmem>> -> memref<1x64x256xf32, #tpu.memory_space<vmem>>
        %dma_wait3A_503 = tpu.memref_squeeze %dma_wait3A_502 : memref<1x64x256xf32, #tpu.memory_space<vmem>> -> memref<64x256xf32, #tpu.memory_space<vmem>>
        %dma_wait3A_504 = arith.constant 0 : i32
        %dma_wait3A_505 = tpu.memref_slice %arg7[%add3A_485, %dma_wait3A_504] : memref<327680x256xf32, #tpu.memory_space<hbm>> -> memref<64x256xf32, #tpu.memory_space<hbm>>
        %dma_wait3A_506 = arith.constant 0 : i32
        %dma_wait3A_507 = tpu.memref_slice %arg7[%add3A_485, %dma_wait3A_506] : memref<327680x256xf32, #tpu.memory_space<hbm>> -> memref<64x256xf32, #tpu.memory_space<hbm>>
        %dma_wait3A_508 = arith.constant 0 : i32
        %dma_wait3A_509 = arith.constant 0 : i32
        %dma_wait3A_510 = tpu.memref_slice %arg11[%dma_wait3A_499, %dma_wait3A_508, %dma_wait3A_509] : memref<4x64x256xf32, #tpu.memory_space<vmem>> -> memref<1x64x256xf32, #tpu.memory_space<vmem>>
        %dma_wait3A_511 = tpu.memref_squeeze %dma_wait3A_510 : memref<1x64x256xf32, #tpu.memory_space<vmem>> -> memref<64x256xf32, #tpu.memory_space<vmem>>
        tpu.wait_dma2 semaphore(%arg19 : memref<!tpu.dma_semaphore, #tpu.memory_space<semaphore_mem>>) src(%dma_wait3A_511 : memref<64x256xf32, #tpu.memory_space<vmem>>) dst(%dma_wait3A_507 : memref<64x256xf32, #tpu.memory_space<hbm>>)
      } else {
      }
      %mul3A_216 = arith.constant 2 : i32
      %mul3A_217 = arith.muli %mul3A_216, %scan3A_121 : i32
      %add3A_218 = arith.constant 1 : i32
      %add3A_219 = arith.addi %mul3A_217, %add3A_218 : i32
      %dma_start3A_220 = arith.constant 3 : i32
      %dma_start3A_221 = arith.constant 0 : i32
      %dma_start3A_222 = arith.constant 0 : i32
      %dma_start3A_223 = tpu.memref_slice %arg10[%dma_start3A_220, %dma_start3A_221, %dma_start3A_222] : memref<4x64x128xf32, #tpu.memory_space<vmem>> -> memref<1x64x128xf32, #tpu.memory_space<vmem>>
      %dma_start3A_224 = tpu.memref_squeeze %dma_start3A_223 : memref<1x64x128xf32, #tpu.memory_space<vmem>> -> memref<64x128xf32, #tpu.memory_space<vmem>>
      %dma_start3A_225 = arith.constant 64 : i32
      %dma_start3A_226 = tpu.memref_slice %arg8[%add3A_219, %dma_start3A_225] : memref<80x128xi32, #tpu.memory_space<vmem>> -> memref<1x64xi32, #tpu.memory_space<vmem>>
      %dma_start3A_227 = tpu.memref_squeeze %dma_start3A_226 : memref<1x64xi32, #tpu.memory_space<vmem>> -> memref<64xi32, #tpu.memory_space<vmem>>
      %dma_start3A_228 = arith.constant 0 : i32
      %dma_start3A_229 = arith.constant 0 : i32
      %dma_start3A_230 = tpu.memref_slice %arg2[%dma_start3A_228, %dma_start3A_229] : memref<10000x128xf32, #tpu.memory_space<hbm>> -> memref<10000x128xf32, #tpu.memory_space<hbm>>
      tpu.enqueue_indirect_dma source(%dma_start3A_230 : memref<10000x128xf32, #tpu.memory_space<hbm>>) target(%dma_start3A_224 : memref<64x128xf32, #tpu.memory_space<vmem>>) offsets(%dma_start3A_227 : memref<64xi32, #tpu.memory_space<vmem>>) semaphore(%arg15 : memref<!tpu.dma_semaphore, #tpu.memory_space<semaphore_mem>>)
      %dma_start3A_231 = arith.constant 3 : i32
      %dma_start3A_232 = arith.constant 0 : i32
      %dma_start3A_233 = arith.constant 0 : i32
      %dma_start3A_234 = tpu.memref_slice %arg11[%dma_start3A_231, %dma_start3A_232, %dma_start3A_233] : memref<4x64x256xf32, #tpu.memory_space<vmem>> -> memref<1x64x256xf32, #tpu.memory_space<vmem>>
      %dma_start3A_235 = tpu.memref_squeeze %dma_start3A_234 : memref<1x64x256xf32, #tpu.memory_space<vmem>> -> memref<64x256xf32, #tpu.memory_space<vmem>>
      %dma_start3A_236 = arith.constant 64 : i32
      %dma_start3A_237 = tpu.memref_slice %arg9[%add3A_219, %dma_start3A_236] : memref<80x128xi32, #tpu.memory_space<vmem>> -> memref<1x64xi32, #tpu.memory_space<vmem>>
      %dma_start3A_238 = tpu.memref_squeeze %dma_start3A_237 : memref<1x64xi32, #tpu.memory_space<vmem>> -> memref<64xi32, #tpu.memory_space<vmem>>
      %dma_start3A_239 = arith.constant 0 : i32
      %dma_start3A_240 = arith.constant 0 : i32
      %dma_start3A_241 = tpu.memref_slice %arg3[%dma_start3A_239, %dma_start3A_240] : memref<10000x256xf32, #tpu.memory_space<hbm>> -> memref<10000x256xf32, #tpu.memory_space<hbm>>
      tpu.enqueue_indirect_dma source(%dma_start3A_241 : memref<10000x256xf32, #tpu.memory_space<hbm>>) target(%dma_start3A_235 : memref<64x256xf32, #tpu.memory_space<vmem>>) offsets(%dma_start3A_238 : memref<64xi32, #tpu.memory_space<vmem>>) semaphore(%arg15 : memref<!tpu.dma_semaphore, #tpu.memory_space<semaphore_mem>>)
      %mul3A_242 = arith.constant 2 : i32
      %mul3A_243 = arith.muli %mul3A_242, %scan3A_121 : i32
      %add3A_244 = arith.constant 0 : i32
      %add3A_245 = arith.addi %mul3A_243, %add3A_244 : i32
      %dma_wait3A_246 = arith.constant 0 : i32
      %dma_wait3A_247 = arith.constant 0 : i32
      %dma_wait3A_248 = arith.constant 0 : i32
      %dma_wait3A_249 = tpu.memref_slice %arg10[%dma_wait3A_246, %dma_wait3A_247, %dma_wait3A_248] : memref<4x64x128xf32, #tpu.memory_space<vmem>> -> memref<1x64x128xf32, #tpu.memory_space<vmem>>
      %dma_wait3A_250 = tpu.memref_squeeze %dma_wait3A_249 : memref<1x64x128xf32, #tpu.memory_space<vmem>> -> memref<64x128xf32, #tpu.memory_space<vmem>>
      %dma_wait3A_251 = arith.constant 0 : i32
      %dma_wait3A_252 = tpu.memref_slice %arg8[%add3A_245, %dma_wait3A_251] : memref<80x128xi32, #tpu.memory_space<vmem>> -> memref<1x64xi32, #tpu.memory_space<vmem>>
      %dma_wait3A_253 = tpu.memref_squeeze %dma_wait3A_252 : memref<1x64xi32, #tpu.memory_space<vmem>> -> memref<64xi32, #tpu.memory_space<vmem>>
      %dma_wait3A_254 = arith.constant 0 : i32
      %dma_wait3A_255 = arith.constant 0 : i32
      %dma_wait3A_256 = tpu.memref_slice %arg2[%dma_wait3A_254, %dma_wait3A_255] : memref<10000x128xf32, #tpu.memory_space<hbm>> -> memref<10000x128xf32, #tpu.memory_space<hbm>>
      tpu.wait_indirect_dma semaphore(%arg12 : memref<!tpu.dma_semaphore, #tpu.memory_space<semaphore_mem>>) src(%dma_wait3A_256 : memref<10000x128xf32, #tpu.memory_space<hbm>>) dst(%dma_wait3A_250 : memref<64x128xf32, #tpu.memory_space<vmem>>)
      %dma_wait3A_257 = arith.constant 0 : i32
      %dma_wait3A_258 = arith.constant 0 : i32
      %dma_wait3A_259 = arith.constant 0 : i32
      %dma_wait3A_260 = tpu.memref_slice %arg11[%dma_wait3A_257, %dma_wait3A_258, %dma_wait3A_259] : memref<4x64x256xf32, #tpu.memory_space<vmem>> -> memref<1x64x256xf32, #tpu.memory_space<vmem>>
      %dma_wait3A_261 = tpu.memref_squeeze %dma_wait3A_260 : memref<1x64x256xf32, #tpu.memory_space<vmem>> -> memref<64x256xf32, #tpu.memory_space<vmem>>
      %dma_wait3A_262 = arith.constant 0 : i32
      %dma_wait3A_263 = tpu.memref_slice %arg9[%add3A_245, %dma_wait3A_262] : memref<80x128xi32, #tpu.memory_space<vmem>> -> memref<1x64xi32, #tpu.memory_space<vmem>>
      %dma_wait3A_264 = tpu.memref_squeeze %dma_wait3A_263 : memref<1x64xi32, #tpu.memory_space<vmem>> -> memref<64xi32, #tpu.memory_space<vmem>>
      %dma_wait3A_265 = arith.constant 0 : i32
      %dma_wait3A_266 = arith.constant 0 : i32
      %dma_wait3A_267 = tpu.memref_slice %arg3[%dma_wait3A_265, %dma_wait3A_266] : memref<10000x256xf32, #tpu.memory_space<hbm>> -> memref<10000x256xf32, #tpu.memory_space<hbm>>
      tpu.wait_indirect_dma semaphore(%arg12 : memref<!tpu.dma_semaphore, #tpu.memory_space<semaphore_mem>>) src(%dma_wait3A_267 : memref<10000x256xf32, #tpu.memory_space<hbm>>) dst(%dma_wait3A_261 : memref<64x256xf32, #tpu.memory_space<vmem>>)
      %mul3A_268 = arith.constant 4 : i32
      %mul3A_269 = arith.muli %mul3A_268, %scan3A_121 : i32
      %add3A_270 = arith.constant 0 : i32
      %add3A_271 = arith.addi %mul3A_269, %add3A_270 : i32
      %mul3A_272 = arith.constant 64 : i32
      %mul3A_273 = arith.muli %add3A_271, %mul3A_272 : i32
      %add3A_274 = arith.addi %mul3A_4, %mul3A_273 : i32
      %dma_start3A_275 = arith.constant 0 : i32
      %dma_start3A_276 = arith.constant 0 : i32
      %dma_start3A_277 = arith.constant 0 : i32
      %dma_start3A_278 = tpu.memref_slice %arg10[%dma_start3A_275, %dma_start3A_276, %dma_start3A_277] : memref<4x64x128xf32, #tpu.memory_space<vmem>> -> memref<1x64x128xf32, #tpu.memory_space<vmem>>
      %dma_start3A_279 = tpu.memref_squeeze %dma_start3A_278 : memref<1x64x128xf32, #tpu.memory_space<vmem>> -> memref<64x128xf32, #tpu.memory_space<vmem>>
      %dma_start3A_280 = arith.constant 0 : i32
      %dma_start3A_281 = tpu.memref_slice %arg6[%add3A_274, %dma_start3A_280] : memref<327680x128xf32, #tpu.memory_space<hbm>> -> memref<64x128xf32, #tpu.memory_space<hbm>>
      %dma_start3A_282 = arith.constant 0 : i32
      %dma_start3A_283 = tpu.memref_slice %arg6[%add3A_274, %dma_start3A_282] : memref<327680x128xf32, #tpu.memory_space<hbm>> -> memref<64x128xf32, #tpu.memory_space<hbm>>
      %dma_start3A_284 = arith.constant 0 : i32
      %dma_start3A_285 = arith.constant 0 : i32
      %dma_start3A_286 = tpu.memref_slice %arg10[%dma_start3A_275, %dma_start3A_284, %dma_start3A_285] : memref<4x64x128xf32, #tpu.memory_space<vmem>> -> memref<1x64x128xf32, #tpu.memory_space<vmem>>
      %dma_start3A_287 = tpu.memref_squeeze %dma_start3A_286 : memref<1x64x128xf32, #tpu.memory_space<vmem>> -> memref<64x128xf32, #tpu.memory_space<vmem>>
      tpu.enqueue_dma source(%dma_start3A_287 : memref<64x128xf32, #tpu.memory_space<vmem>>) target(%dma_start3A_283 : memref<64x128xf32, #tpu.memory_space<hbm>>) target_semaphore(%arg16 : memref<!tpu.dma_semaphore, #tpu.memory_space<semaphore_mem>>)
      %dma_start3A_288 = arith.constant 0 : i32
      %dma_start3A_289 = arith.constant 0 : i32
      %dma_start3A_290 = arith.constant 0 : i32
      %dma_start3A_291 = tpu.memref_slice %arg11[%dma_start3A_288, %dma_start3A_289, %dma_start3A_290] : memref<4x64x256xf32, #tpu.memory_space<vmem>> -> memref<1x64x256xf32, #tpu.memory_space<vmem>>
      %dma_start3A_292 = tpu.memref_squeeze %dma_start3A_291 : memref<1x64x256xf32, #tpu.memory_space<vmem>> -> memref<64x256xf32, #tpu.memory_space<vmem>>
      %dma_start3A_293 = arith.constant 0 : i32
      %dma_start3A_294 = tpu.memref_slice %arg7[%add3A_274, %dma_start3A_293] : memref<327680x256xf32, #tpu.memory_space<hbm>> -> memref<64x256xf32, #tpu.memory_space<hbm>>
      %dma_start3A_295 = arith.constant 0 : i32
      %dma_start3A_296 = tpu.memref_slice %arg7[%add3A_274, %dma_start3A_295] : memref<327680x256xf32, #tpu.memory_space<hbm>> -> memref<64x256xf32, #tpu.memory_space<hbm>>
      %dma_start3A_297 = arith.constant 0 : i32
      %dma_start3A_298 = arith.constant 0 : i32
      %dma_start3A_299 = tpu.memref_slice %arg11[%dma_start3A_288, %dma_start3A_297, %dma_start3A_298] : memref<4x64x256xf32, #tpu.memory_space<vmem>> -> memref<1x64x256xf32, #tpu.memory_space<vmem>>
      %dma_start3A_300 = tpu.memref_squeeze %dma_start3A_299 : memref<1x64x256xf32, #tpu.memory_space<vmem>> -> memref<64x256xf32, #tpu.memory_space<vmem>>
      tpu.enqueue_dma source(%dma_start3A_300 : memref<64x256xf32, #tpu.memory_space<vmem>>) target(%dma_start3A_296 : memref<64x256xf32, #tpu.memory_space<hbm>>) target_semaphore(%arg16 : memref<!tpu.dma_semaphore, #tpu.memory_space<semaphore_mem>>)
      %mul3A_301 = arith.constant 2 : i32
      %mul3A_302 = arith.muli %mul3A_301, %scan3A_121 : i32
      %add3A_303 = arith.constant 0 : i32
      %add3A_304 = arith.addi %mul3A_302, %add3A_303 : i32
      %dma_wait3A_305 = arith.constant 1 : i32
      %dma_wait3A_306 = arith.constant 0 : i32
      %dma_wait3A_307 = arith.constant 0 : i32
      %dma_wait3A_308 = tpu.memref_slice %arg10[%dma_wait3A_305, %dma_wait3A_306, %dma_wait3A_307] : memref<4x64x128xf32, #tpu.memory_space<vmem>> -> memref<1x64x128xf32, #tpu.memory_space<vmem>>
      %dma_wait3A_309 = tpu.memref_squeeze %dma_wait3A_308 : memref<1x64x128xf32, #tpu.memory_space<vmem>> -> memref<64x128xf32, #tpu.memory_space<vmem>>
      %dma_wait3A_310 = arith.constant 64 : i32
      %dma_wait3A_311 = tpu.memref_slice %arg8[%add3A_304, %dma_wait3A_310] : memref<80x128xi32, #tpu.memory_space<vmem>> -> memref<1x64xi32, #tpu.memory_space<vmem>>
      %dma_wait3A_312 = tpu.memref_squeeze %dma_wait3A_311 : memref<1x64xi32, #tpu.memory_space<vmem>> -> memref<64xi32, #tpu.memory_space<vmem>>
      %dma_wait3A_313 = arith.constant 0 : i32
      %dma_wait3A_314 = arith.constant 0 : i32
      %dma_wait3A_315 = tpu.memref_slice %arg2[%dma_wait3A_313, %dma_wait3A_314] : memref<10000x128xf32, #tpu.memory_space<hbm>> -> memref<10000x128xf32, #tpu.memory_space<hbm>>
      tpu.wait_indirect_dma semaphore(%arg13 : memref<!tpu.dma_semaphore, #tpu.memory_space<semaphore_mem>>) src(%dma_wait3A_315 : memref<10000x128xf32, #tpu.memory_space<hbm>>) dst(%dma_wait3A_309 : memref<64x128xf32, #tpu.memory_space<vmem>>)
      %dma_wait3A_316 = arith.constant 1 : i32
      %dma_wait3A_317 = arith.constant 0 : i32
      %dma_wait3A_318 = arith.constant 0 : i32
      %dma_wait3A_319 = tpu.memref_slice %arg11[%dma_wait3A_316, %dma_wait3A_317, %dma_wait3A_318] : memref<4x64x256xf32, #tpu.memory_space<vmem>> -> memref<1x64x256xf32, #tpu.memory_space<vmem>>
      %dma_wait3A_320 = tpu.memref_squeeze %dma_wait3A_319 : memref<1x64x256xf32, #tpu.memory_space<vmem>> -> memref<64x256xf32, #tpu.memory_space<vmem>>
      %dma_wait3A_321 = arith.constant 64 : i32
      %dma_wait3A_322 = tpu.memref_slice %arg9[%add3A_304, %dma_wait3A_321] : memref<80x128xi32, #tpu.memory_space<vmem>> -> memref<1x64xi32, #tpu.memory_space<vmem>>
      %dma_wait3A_323 = tpu.memref_squeeze %dma_wait3A_322 : memref<1x64xi32, #tpu.memory_space<vmem>> -> memref<64xi32, #tpu.memory_space<vmem>>
      %dma_wait3A_324 = arith.constant 0 : i32
      %dma_wait3A_325 = arith.constant 0 : i32
      %dma_wait3A_326 = tpu.memref_slice %arg3[%dma_wait3A_324, %dma_wait3A_325] : memref<10000x256xf32, #tpu.memory_space<hbm>> -> memref<10000x256xf32, #tpu.memory_space<hbm>>
      tpu.wait_indirect_dma semaphore(%arg13 : memref<!tpu.dma_semaphore, #tpu.memory_space<semaphore_mem>>) src(%dma_wait3A_326 : memref<10000x256xf32, #tpu.memory_space<hbm>>) dst(%dma_wait3A_320 : memref<64x256xf32, #tpu.memory_space<vmem>>)
      %mul3A_327 = arith.constant 4 : i32
      %mul3A_328 = arith.muli %mul3A_327, %scan3A_121 : i32
      %add3A_329 = arith.constant 1 : i32
      %add3A_330 = arith.addi %mul3A_328, %add3A_329 : i32
      %mul3A_331 = arith.constant 64 : i32
      %mul3A_332 = arith.muli %add3A_330, %mul3A_331 : i32
      %add3A_333 = arith.addi %mul3A_4, %mul3A_332 : i32
      %dma_start3A_334 = arith.constant 1 : i32
      %dma_start3A_335 = arith.constant 0 : i32
      %dma_start3A_336 = arith.constant 0 : i32
      %dma_start3A_337 = tpu.memref_slice %arg10[%dma_start3A_334, %dma_start3A_335, %dma_start3A_336] : memref<4x64x128xf32, #tpu.memory_space<vmem>> -> memref<1x64x128xf32, #tpu.memory_space<vmem>>
      %dma_start3A_338 = tpu.memref_squeeze %dma_start3A_337 : memref<1x64x128xf32, #tpu.memory_space<vmem>> -> memref<64x128xf32, #tpu.memory_space<vmem>>
      %dma_start3A_339 = arith.constant 0 : i32
      %dma_start3A_340 = tpu.memref_slice %arg6[%add3A_333, %dma_start3A_339] : memref<327680x128xf32, #tpu.memory_space<hbm>> -> memref<64x128xf32, #tpu.memory_space<hbm>>
      %dma_start3A_341 = arith.constant 0 : i32
      %dma_start3A_342 = tpu.memref_slice %arg6[%add3A_333, %dma_start3A_341] : memref<327680x128xf32, #tpu.memory_space<hbm>> -> memref<64x128xf32, #tpu.memory_space<hbm>>
      %dma_start3A_343 = arith.constant 0 : i32
      %dma_start3A_344 = arith.constant 0 : i32
      %dma_start3A_345 = tpu.memref_slice %arg10[%dma_start3A_334, %dma_start3A_343, %dma_start3A_344] : memref<4x64x128xf32, #tpu.memory_space<vmem>> -> memref<1x64x128xf32, #tpu.memory_space<vmem>>
      %dma_start3A_346 = tpu.memref_squeeze %dma_start3A_345 : memref<1x64x128xf32, #tpu.memory_space<vmem>> -> memref<64x128xf32, #tpu.memory_space<vmem>>
      tpu.enqueue_dma source(%dma_start3A_346 : memref<64x128xf32, #tpu.memory_space<vmem>>) target(%dma_start3A_342 : memref<64x128xf32, #tpu.memory_space<hbm>>) target_semaphore(%arg17 : memref<!tpu.dma_semaphore, #tpu.memory_space<semaphore_mem>>)
      %dma_start3A_347 = arith.constant 1 : i32
      %dma_start3A_348 = arith.constant 0 : i32
      %dma_start3A_349 = arith.constant 0 : i32
      %dma_start3A_350 = tpu.memref_slice %arg11[%dma_start3A_347, %dma_start3A_348, %dma_start3A_349] : memref<4x64x256xf32, #tpu.memory_space<vmem>> -> memref<1x64x256xf32, #tpu.memory_space<vmem>>
      %dma_start3A_351 = tpu.memref_squeeze %dma_start3A_350 : memref<1x64x256xf32, #tpu.memory_space<vmem>> -> memref<64x256xf32, #tpu.memory_space<vmem>>
      %dma_start3A_352 = arith.constant 0 : i32
      %dma_start3A_353 = tpu.memref_slice %arg7[%add3A_333, %dma_start3A_352] : memref<327680x256xf32, #tpu.memory_space<hbm>> -> memref<64x256xf32, #tpu.memory_space<hbm>>
      %dma_start3A_354 = arith.constant 0 : i32
      %dma_start3A_355 = tpu.memref_slice %arg7[%add3A_333, %dma_start3A_354] : memref<327680x256xf32, #tpu.memory_space<hbm>> -> memref<64x256xf32, #tpu.memory_space<hbm>>
      %dma_start3A_356 = arith.constant 0 : i32
      %dma_start3A_357 = arith.constant 0 : i32
      %dma_start3A_358 = tpu.memref_slice %arg11[%dma_start3A_347, %dma_start3A_356, %dma_start3A_357] : memref<4x64x256xf32, #tpu.memory_space<vmem>> -> memref<1x64x256xf32, #tpu.memory_space<vmem>>
      %dma_start3A_359 = tpu.memref_squeeze %dma_start3A_358 : memref<1x64x256xf32, #tpu.memory_space<vmem>> -> memref<64x256xf32, #tpu.memory_space<vmem>>
      tpu.enqueue_dma source(%dma_start3A_359 : memref<64x256xf32, #tpu.memory_space<vmem>>) target(%dma_start3A_355 : memref<64x256xf32, #tpu.memory_space<hbm>>) target_semaphore(%arg17 : memref<!tpu.dma_semaphore, #tpu.memory_space<semaphore_mem>>)
      %mul3A_360 = arith.constant 2 : i32
      %mul3A_361 = arith.muli %mul3A_360, %scan3A_121 : i32
      %add3A_362 = arith.constant 1 : i32
      %add3A_363 = arith.addi %mul3A_361, %add3A_362 : i32
      %dma_wait3A_364 = arith.constant 2 : i32
      %dma_wait3A_365 = arith.constant 0 : i32
      %dma_wait3A_366 = arith.constant 0 : i32
      %dma_wait3A_367 = tpu.memref_slice %arg10[%dma_wait3A_364, %dma_wait3A_365, %dma_wait3A_366] : memref<4x64x128xf32, #tpu.memory_space<vmem>> -> memref<1x64x128xf32, #tpu.memory_space<vmem>>
      %dma_wait3A_368 = tpu.memref_squeeze %dma_wait3A_367 : memref<1x64x128xf32, #tpu.memory_space<vmem>> -> memref<64x128xf32, #tpu.memory_space<vmem>>
      %dma_wait3A_369 = arith.constant 0 : i32
      %dma_wait3A_370 = tpu.memref_slice %arg8[%add3A_363, %dma_wait3A_369] : memref<80x128xi32, #tpu.memory_space<vmem>> -> memref<1x64xi32, #tpu.memory_space<vmem>>
      %dma_wait3A_371 = tpu.memref_squeeze %dma_wait3A_370 : memref<1x64xi32, #tpu.memory_space<vmem>> -> memref<64xi32, #tpu.memory_space<vmem>>
      %dma_wait3A_372 = arith.constant 0 : i32
      %dma_wait3A_373 = arith.constant 0 : i32
      %dma_wait3A_374 = tpu.memref_slice %arg2[%dma_wait3A_372, %dma_wait3A_373] : memref<10000x128xf32, #tpu.memory_space<hbm>> -> memref<10000x128xf32, #tpu.memory_space<hbm>>
      tpu.wait_indirect_dma semaphore(%arg14 : memref<!tpu.dma_semaphore, #tpu.memory_space<semaphore_mem>>) src(%dma_wait3A_374 : memref<10000x128xf32, #tpu.memory_space<hbm>>) dst(%dma_wait3A_368 : memref<64x128xf32, #tpu.memory_space<vmem>>)
      %dma_wait3A_375 = arith.constant 2 : i32
      %dma_wait3A_376 = arith.constant 0 : i32
      %dma_wait3A_377 = arith.constant 0 : i32
      %dma_wait3A_378 = tpu.memref_slice %arg11[%dma_wait3A_375, %dma_wait3A_376, %dma_wait3A_377] : memref<4x64x256xf32, #tpu.memory_space<vmem>> -> memref<1x64x256xf32, #tpu.memory_space<vmem>>
      %dma_wait3A_379 = tpu.memref_squeeze %dma_wait3A_378 : memref<1x64x256xf32, #tpu.memory_space<vmem>> -> memref<64x256xf32, #tpu.memory_space<vmem>>
      %dma_wait3A_380 = arith.constant 0 : i32
      %dma_wait3A_381 = tpu.memref_slice %arg9[%add3A_363, %dma_wait3A_380] : memref<80x128xi32, #tpu.memory_space<vmem>> -> memref<1x64xi32, #tpu.memory_space<vmem>>
      %dma_wait3A_382 = tpu.memref_squeeze %dma_wait3A_381 : memref<1x64xi32, #tpu.memory_space<vmem>> -> memref<64xi32, #tpu.memory_space<vmem>>
      %dma_wait3A_383 = arith.constant 0 : i32
      %dma_wait3A_384 = arith.constant 0 : i32
      %dma_wait3A_385 = tpu.memref_slice %arg3[%dma_wait3A_383, %dma_wait3A_384] : memref<10000x256xf32, #tpu.memory_space<hbm>> -> memref<10000x256xf32, #tpu.memory_space<hbm>>
      tpu.wait_indirect_dma semaphore(%arg14 : memref<!tpu.dma_semaphore, #tpu.memory_space<semaphore_mem>>) src(%dma_wait3A_385 : memref<10000x256xf32, #tpu.memory_space<hbm>>) dst(%dma_wait3A_379 : memref<64x256xf32, #tpu.memory_space<vmem>>)
      %mul3A_386 = arith.constant 4 : i32
      %mul3A_387 = arith.muli %mul3A_386, %scan3A_121 : i32
      %add3A_388 = arith.constant 2 : i32
      %add3A_389 = arith.addi %mul3A_387, %add3A_388 : i32
      %mul3A_390 = arith.constant 64 : i32
      %mul3A_391 = arith.muli %add3A_389, %mul3A_390 : i32
      %add3A_392 = arith.addi %mul3A_4, %mul3A_391 : i32
      %dma_start3A_393 = arith.constant 2 : i32
      %dma_start3A_394 = arith.constant 0 : i32
      %dma_start3A_395 = arith.constant 0 : i32
      %dma_start3A_396 = tpu.memref_slice %arg10[%dma_start3A_393, %dma_start3A_394, %dma_start3A_395] : memref<4x64x128xf32, #tpu.memory_space<vmem>> -> memref<1x64x128xf32, #tpu.memory_space<vmem>>
      %dma_start3A_397 = tpu.memref_squeeze %dma_start3A_396 : memref<1x64x128xf32, #tpu.memory_space<vmem>> -> memref<64x128xf32, #tpu.memory_space<vmem>>
      %dma_start3A_398 = arith.constant 0 : i32
      %dma_start3A_399 = tpu.memref_slice %arg6[%add3A_392, %dma_start3A_398] : memref<327680x128xf32, #tpu.memory_space<hbm>> -> memref<64x128xf32, #tpu.memory_space<hbm>>
      %dma_start3A_400 = arith.constant 0 : i32
      %dma_start3A_401 = tpu.memref_slice %arg6[%add3A_392, %dma_start3A_400] : memref<327680x128xf32, #tpu.memory_space<hbm>> -> memref<64x128xf32, #tpu.memory_space<hbm>>
      %dma_start3A_402 = arith.constant 0 : i32
      %dma_start3A_403 = arith.constant 0 : i32
      %dma_start3A_404 = tpu.memref_slice %arg10[%dma_start3A_393, %dma_start3A_402, %dma_start3A_403] : memref<4x64x128xf32, #tpu.memory_space<vmem>> -> memref<1x64x128xf32, #tpu.memory_space<vmem>>
      %dma_start3A_405 = tpu.memref_squeeze %dma_start3A_404 : memref<1x64x128xf32, #tpu.memory_space<vmem>> -> memref<64x128xf32, #tpu.memory_space<vmem>>
      tpu.enqueue_dma source(%dma_start3A_405 : memref<64x128xf32, #tpu.memory_space<vmem>>) target(%dma_start3A_401 : memref<64x128xf32, #tpu.memory_space<hbm>>) target_semaphore(%arg18 : memref<!tpu.dma_semaphore, #tpu.memory_space<semaphore_mem>>)
      %dma_start3A_406 = arith.constant 2 : i32
      %dma_start3A_407 = arith.constant 0 : i32
      %dma_start3A_408 = arith.constant 0 : i32
      %dma_start3A_409 = tpu.memref_slice %arg11[%dma_start3A_406, %dma_start3A_407, %dma_start3A_408] : memref<4x64x256xf32, #tpu.memory_space<vmem>> -> memref<1x64x256xf32, #tpu.memory_space<vmem>>
      %dma_start3A_410 = tpu.memref_squeeze %dma_start3A_409 : memref<1x64x256xf32, #tpu.memory_space<vmem>> -> memref<64x256xf32, #tpu.memory_space<vmem>>
      %dma_start3A_411 = arith.constant 0 : i32
      %dma_start3A_412 = tpu.memref_slice %arg7[%add3A_392, %dma_start3A_411] : memref<327680x256xf32, #tpu.memory_space<hbm>> -> memref<64x256xf32, #tpu.memory_space<hbm>>
      %dma_start3A_413 = arith.constant 0 : i32
      %dma_start3A_414 = tpu.memref_slice %arg7[%add3A_392, %dma_start3A_413] : memref<327680x256xf32, #tpu.memory_space<hbm>> -> memref<64x256xf32, #tpu.memory_space<hbm>>
      %dma_start3A_415 = arith.constant 0 : i32
      %dma_start3A_416 = arith.constant 0 : i32
      %dma_start3A_417 = tpu.memref_slice %arg11[%dma_start3A_406, %dma_start3A_415, %dma_start3A_416] : memref<4x64x256xf32, #tpu.memory_space<vmem>> -> memref<1x64x256xf32, #tpu.memory_space<vmem>>
      %dma_start3A_418 = tpu.memref_squeeze %dma_start3A_417 : memref<1x64x256xf32, #tpu.memory_space<vmem>> -> memref<64x256xf32, #tpu.memory_space<vmem>>
      tpu.enqueue_dma source(%dma_start3A_418 : memref<64x256xf32, #tpu.memory_space<vmem>>) target(%dma_start3A_414 : memref<64x256xf32, #tpu.memory_space<hbm>>) target_semaphore(%arg18 : memref<!tpu.dma_semaphore, #tpu.memory_space<semaphore_mem>>)
      %mul3A_419 = arith.constant 2 : i32
      %mul3A_420 = arith.muli %mul3A_419, %scan3A_121 : i32
      %add3A_421 = arith.constant 1 : i32
      %add3A_422 = arith.addi %mul3A_420, %add3A_421 : i32
      %dma_wait3A_423 = arith.constant 3 : i32
      %dma_wait3A_424 = arith.constant 0 : i32
      %dma_wait3A_425 = arith.constant 0 : i32
      %dma_wait3A_426 = tpu.memref_slice %arg10[%dma_wait3A_423, %dma_wait3A_424, %dma_wait3A_425] : memref<4x64x128xf32, #tpu.memory_space<vmem>> -> memref<1x64x128xf32, #tpu.memory_space<vmem>>
      %dma_wait3A_427 = tpu.memref_squeeze %dma_wait3A_426 : memref<1x64x128xf32, #tpu.memory_space<vmem>> -> memref<64x128xf32, #tpu.memory_space<vmem>>
      %dma_wait3A_428 = arith.constant 64 : i32
      %dma_wait3A_429 = tpu.memref_slice %arg8[%add3A_422, %dma_wait3A_428] : memref<80x128xi32, #tpu.memory_space<vmem>> -> memref<1x64xi32, #tpu.memory_space<vmem>>
      %dma_wait3A_430 = tpu.memref_squeeze %dma_wait3A_429 : memref<1x64xi32, #tpu.memory_space<vmem>> -> memref<64xi32, #tpu.memory_space<vmem>>
      %dma_wait3A_431 = arith.constant 0 : i32
      %dma_wait3A_432 = arith.constant 0 : i32
      %dma_wait3A_433 = tpu.memref_slice %arg2[%dma_wait3A_431, %dma_wait3A_432] : memref<10000x128xf32, #tpu.memory_space<hbm>> -> memref<10000x128xf32, #tpu.memory_space<hbm>>
      tpu.wait_indirect_dma semaphore(%arg15 : memref<!tpu.dma_semaphore, #tpu.memory_space<semaphore_mem>>) src(%dma_wait3A_433 : memref<10000x128xf32, #tpu.memory_space<hbm>>) dst(%dma_wait3A_427 : memref<64x128xf32, #tpu.memory_space<vmem>>)
      %dma_wait3A_434 = arith.constant 3 : i32
      %dma_wait3A_435 = arith.constant 0 : i32
      %dma_wait3A_436 = arith.constant 0 : i32
      %dma_wait3A_437 = tpu.memref_slice %arg11[%dma_wait3A_434, %dma_wait3A_435, %dma_wait3A_436] : memref<4x64x256xf32, #tpu.memory_space<vmem>> -> memref<1x64x256xf32, #tpu.memory_space<vmem>>
      %dma_wait3A_438 = tpu.memref_squeeze %dma_wait3A_437 : memref<1x64x256xf32, #tpu.memory_space<vmem>> -> memref<64x256xf32, #tpu.memory_space<vmem>>
      %dma_wait3A_439 = arith.constant 64 : i32
      %dma_wait3A_440 = tpu.memref_slice %arg9[%add3A_422, %dma_wait3A_439] : memref<80x128xi32, #tpu.memory_space<vmem>> -> memref<1x64xi32, #tpu.memory_space<vmem>>
      %dma_wait3A_441 = tpu.memref_squeeze %dma_wait3A_440 : memref<1x64xi32, #tpu.memory_space<vmem>> -> memref<64xi32, #tpu.memory_space<vmem>>
      %dma_wait3A_442 = arith.constant 0 : i32
      %dma_wait3A_443 = arith.constant 0 : i32
      %dma_wait3A_444 = tpu.memref_slice %arg3[%dma_wait3A_442, %dma_wait3A_443] : memref<10000x256xf32, #tpu.memory_space<hbm>> -> memref<10000x256xf32, #tpu.memory_space<hbm>>
      tpu.wait_indirect_dma semaphore(%arg15 : memref<!tpu.dma_semaphore, #tpu.memory_space<semaphore_mem>>) src(%dma_wait3A_444 : memref<10000x256xf32, #tpu.memory_space<hbm>>) dst(%dma_wait3A_438 : memref<64x256xf32, #tpu.memory_space<vmem>>)
      %mul3A_445 = arith.constant 4 : i32
      %mul3A_446 = arith.muli %mul3A_445, %scan3A_121 : i32
      %add3A_447 = arith.constant 3 : i32
      %add3A_448 = arith.addi %mul3A_446, %add3A_447 : i32
      %mul3A_449 = arith.constant 64 : i32
      %mul3A_450 = arith.muli %add3A_448, %mul3A_449 : i32
      %add3A_451 = arith.addi %mul3A_4, %mul3A_450 : i32
      %dma_start3A_452 = arith.constant 3 : i32
      %dma_start3A_453 = arith.constant 0 : i32
      %dma_start3A_454 = arith.constant 0 : i32
      %dma_start3A_455 = tpu.memref_slice %arg10[%dma_start3A_452, %dma_start3A_453, %dma_start3A_454] : memref<4x64x128xf32, #tpu.memory_space<vmem>> -> memref<1x64x128xf32, #tpu.memory_space<vmem>>
      %dma_start3A_456 = tpu.memref_squeeze %dma_start3A_455 : memref<1x64x128xf32, #tpu.memory_space<vmem>> -> memref<64x128xf32, #tpu.memory_space<vmem>>
      %dma_start3A_457 = arith.constant 0 : i32
      %dma_start3A_458 = tpu.memref_slice %arg6[%add3A_451, %dma_start3A_457] : memref<327680x128xf32, #tpu.memory_space<hbm>> -> memref<64x128xf32, #tpu.memory_space<hbm>>
      %dma_start3A_459 = arith.constant 0 : i32
      %dma_start3A_460 = tpu.memref_slice %arg6[%add3A_451, %dma_start3A_459] : memref<327680x128xf32, #tpu.memory_space<hbm>> -> memref<64x128xf32, #tpu.memory_space<hbm>>
      %dma_start3A_461 = arith.constant 0 : i32
      %dma_start3A_462 = arith.constant 0 : i32
      %dma_start3A_463 = tpu.memref_slice %arg10[%dma_start3A_452, %dma_start3A_461, %dma_start3A_462] : memref<4x64x128xf32, #tpu.memory_space<vmem>> -> memref<1x64x128xf32, #tpu.memory_space<vmem>>
      %dma_start3A_464 = tpu.memref_squeeze %dma_start3A_463 : memref<1x64x128xf32, #tpu.memory_space<vmem>> -> memref<64x128xf32, #tpu.memory_space<vmem>>
      tpu.enqueue_dma source(%dma_start3A_464 : memref<64x128xf32, #tpu.memory_space<vmem>>) target(%dma_start3A_460 : memref<64x128xf32, #tpu.memory_space<hbm>>) target_semaphore(%arg19 : memref<!tpu.dma_semaphore, #tpu.memory_space<semaphore_mem>>)
      %dma_start3A_465 = arith.constant 3 : i32
      %dma_start3A_466 = arith.constant 0 : i32
      %dma_start3A_467 = arith.constant 0 : i32
      %dma_start3A_468 = tpu.memref_slice %arg11[%dma_start3A_465, %dma_start3A_466, %dma_start3A_467] : memref<4x64x256xf32, #tpu.memory_space<vmem>> -> memref<1x64x256xf32, #tpu.memory_space<vmem>>
      %dma_start3A_469 = tpu.memref_squeeze %dma_start3A_468 : memref<1x64x256xf32, #tpu.memory_space<vmem>> -> memref<64x256xf32, #tpu.memory_space<vmem>>
      %dma_start3A_470 = arith.constant 0 : i32
      %dma_start3A_471 = tpu.memref_slice %arg7[%add3A_451, %dma_start3A_470] : memref<327680x256xf32, #tpu.memory_space<hbm>> -> memref<64x256xf32, #tpu.memory_space<hbm>>
      %dma_start3A_472 = arith.constant 0 : i32
      %dma_start3A_473 = tpu.memref_slice %arg7[%add3A_451, %dma_start3A_472] : memref<327680x256xf32, #tpu.memory_space<hbm>> -> memref<64x256xf32, #tpu.memory_space<hbm>>
      %dma_start3A_474 = arith.constant 0 : i32
      %dma_start3A_475 = arith.constant 0 : i32
      %dma_start3A_476 = tpu.memref_slice %arg11[%dma_start3A_465, %dma_start3A_474, %dma_start3A_475] : memref<4x64x256xf32, #tpu.memory_space<vmem>> -> memref<1x64x256xf32, #tpu.memory_space<vmem>>
      %dma_start3A_477 = tpu.memref_squeeze %dma_start3A_476 : memref<1x64x256xf32, #tpu.memory_space<vmem>> -> memref<64x256xf32, #tpu.memory_space<vmem>>
      tpu.enqueue_dma source(%dma_start3A_477 : memref<64x256xf32, #tpu.memory_space<vmem>>) target(%dma_start3A_473 : memref<64x256xf32, #tpu.memory_space<hbm>>) target_semaphore(%arg19 : memref<!tpu.dma_semaphore, #tpu.memory_space<semaphore_mem>>)
    }
    %scan3A_9 = arith.constant 40 : i32
    %add3A_10 = arith.constant 9984 : i32
    %add3A_11 = arith.addi %mul3A_4, %add3A_10 : i32
    %dma_wait3A = arith.constant 0 : i32
    %dma_wait3A_12 = arith.constant 0 : i32
    %dma_wait3A_13 = arith.constant 0 : i32
    %dma_wait3A_14 = tpu.memref_slice %arg10[%dma_wait3A, %dma_wait3A_12, %dma_wait3A_13] : memref<4x64x128xf32, #tpu.memory_space<vmem>> -> memref<1x64x128xf32, #tpu.memory_space<vmem>>
    %dma_wait3A_15 = tpu.memref_squeeze %dma_wait3A_14 : memref<1x64x128xf32, #tpu.memory_space<vmem>> -> memref<64x128xf32, #tpu.memory_space<vmem>>
    %dma_wait3A_16 = arith.constant 0 : i32
    %dma_wait3A_17 = tpu.memref_slice %arg6[%add3A_11, %dma_wait3A_16] : memref<327680x128xf32, #tpu.memory_space<hbm>> -> memref<64x128xf32, #tpu.memory_space<hbm>>
    %dma_wait3A_18 = arith.constant 0 : i32
    %dma_wait3A_19 = tpu.memref_slice %arg6[%add3A_11, %dma_wait3A_18] : memref<327680x128xf32, #tpu.memory_space<hbm>> -> memref<64x128xf32, #tpu.memory_space<hbm>>
    %dma_wait3A_20 = arith.constant 0 : i32
    %dma_wait3A_21 = arith.constant 0 : i32
    %dma_wait3A_22 = tpu.memref_slice %arg10[%dma_wait3A, %dma_wait3A_20, %dma_wait3A_21] : memref<4x64x128xf32, #tpu.memory_space<vmem>> -> memref<1x64x128xf32, #tpu.memory_space<vmem>>
    %dma_wait3A_23 = tpu.memref_squeeze %dma_wait3A_22 : memref<1x64x128xf32, #tpu.memory_space<vmem>> -> memref<64x128xf32, #tpu.memory_space<vmem>>
    tpu.wait_dma2 semaphore(%arg16 : memref<!tpu.dma_semaphore, #tpu.memory_space<semaphore_mem>>) src(%dma_wait3A_23 : memref<64x128xf32, #tpu.memory_space<vmem>>) dst(%dma_wait3A_19 : memref<64x128xf32, #tpu.memory_space<hbm>>)
    %dma_wait3A_24 = arith.constant 0 : i32
    %dma_wait3A_25 = arith.constant 0 : i32
    %dma_wait3A_26 = arith.constant 0 : i32
    %dma_wait3A_27 = tpu.memref_slice %arg11[%dma_wait3A_24, %dma_wait3A_25, %dma_wait3A_26] : memref<4x64x256xf32, #tpu.memory_space<vmem>> -> memref<1x64x256xf32, #tpu.memory_space<vmem>>
    %dma_wait3A_28 = tpu.memref_squeeze %dma_wait3A_27 : memref<1x64x256xf32, #tpu.memory_space<vmem>> -> memref<64x256xf32, #tpu.memory_space<vmem>>
    %dma_wait3A_29 = arith.constant 0 : i32
    %dma_wait3A_30 = tpu.memref_slice %arg7[%add3A_11, %dma_wait3A_29] : memref<327680x256xf32, #tpu.memory_space<hbm>> -> memref<64x256xf32, #tpu.memory_space<hbm>>
    %dma_wait3A_31 = arith.constant 0 : i32
    %dma_wait3A_32 = tpu.memref_slice %arg7[%add3A_11, %dma_wait3A_31] : memref<327680x256xf32, #tpu.memory_space<hbm>> -> memref<64x256xf32, #tpu.memory_space<hbm>>
    %dma_wait3A_33 = arith.constant 0 : i32
    %dma_wait3A_34 = arith.constant 0 : i32
    %dma_wait3A_35 = tpu.memref_slice %arg11[%dma_wait3A_24, %dma_wait3A_33, %dma_wait3A_34] : memref<4x64x256xf32, #tpu.memory_space<vmem>> -> memref<1x64x256xf32, #tpu.memory_space<vmem>>
    %dma_wait3A_36 = tpu.memref_squeeze %dma_wait3A_35 : memref<1x64x256xf32, #tpu.memory_space<vmem>> -> memref<64x256xf32, #tpu.memory_space<vmem>>
    tpu.wait_dma2 semaphore(%arg16 : memref<!tpu.dma_semaphore, #tpu.memory_space<semaphore_mem>>) src(%dma_wait3A_36 : memref<64x256xf32, #tpu.memory_space<vmem>>) dst(%dma_wait3A_32 : memref<64x256xf32, #tpu.memory_space<hbm>>)
    %add3A_37 = arith.constant 10048 : i32
    %add3A_38 = arith.addi %mul3A_4, %add3A_37 : i32
    %dma_wait3A_39 = arith.constant 1 : i32
    %dma_wait3A_40 = arith.constant 0 : i32
    %dma_wait3A_41 = arith.constant 0 : i32
    %dma_wait3A_42 = tpu.memref_slice %arg10[%dma_wait3A_39, %dma_wait3A_40, %dma_wait3A_41] : memref<4x64x128xf32, #tpu.memory_space<vmem>> -> memref<1x64x128xf32, #tpu.memory_space<vmem>>
    %dma_wait3A_43 = tpu.memref_squeeze %dma_wait3A_42 : memref<1x64x128xf32, #tpu.memory_space<vmem>> -> memref<64x128xf32, #tpu.memory_space<vmem>>
    %dma_wait3A_44 = arith.constant 0 : i32
    %dma_wait3A_45 = tpu.memref_slice %arg6[%add3A_38, %dma_wait3A_44] : memref<327680x128xf32, #tpu.memory_space<hbm>> -> memref<64x128xf32, #tpu.memory_space<hbm>>
    %dma_wait3A_46 = arith.constant 0 : i32
    %dma_wait3A_47 = tpu.memref_slice %arg6[%add3A_38, %dma_wait3A_46] : memref<327680x128xf32, #tpu.memory_space<hbm>> -> memref<64x128xf32, #tpu.memory_space<hbm>>
    %dma_wait3A_48 = arith.constant 0 : i32
    %dma_wait3A_49 = arith.constant 0 : i32
    %dma_wait3A_50 = tpu.memref_slice %arg10[%dma_wait3A_39, %dma_wait3A_48, %dma_wait3A_49] : memref<4x64x128xf32, #tpu.memory_space<vmem>> -> memref<1x64x128xf32, #tpu.memory_space<vmem>>
    %dma_wait3A_51 = tpu.memref_squeeze %dma_wait3A_50 : memref<1x64x128xf32, #tpu.memory_space<vmem>> -> memref<64x128xf32, #tpu.memory_space<vmem>>
    tpu.wait_dma2 semaphore(%arg17 : memref<!tpu.dma_semaphore, #tpu.memory_space<semaphore_mem>>) src(%dma_wait3A_51 : memref<64x128xf32, #tpu.memory_space<vmem>>) dst(%dma_wait3A_47 : memref<64x128xf32, #tpu.memory_space<hbm>>)
    %dma_wait3A_52 = arith.constant 1 : i32
    %dma_wait3A_53 = arith.constant 0 : i32
    %dma_wait3A_54 = arith.constant 0 : i32
    %dma_wait3A_55 = tpu.memref_slice %arg11[%dma_wait3A_52, %dma_wait3A_53, %dma_wait3A_54] : memref<4x64x256xf32, #tpu.memory_space<vmem>> -> memref<1x64x256xf32, #tpu.memory_space<vmem>>
    %dma_wait3A_56 = tpu.memref_squeeze %dma_wait3A_55 : memref<1x64x256xf32, #tpu.memory_space<vmem>> -> memref<64x256xf32, #tpu.memory_space<vmem>>
    %dma_wait3A_57 = arith.constant 0 : i32
    %dma_wait3A_58 = tpu.memref_slice %arg7[%add3A_38, %dma_wait3A_57] : memref<327680x256xf32, #tpu.memory_space<hbm>> -> memref<64x256xf32, #tpu.memory_space<hbm>>
    %dma_wait3A_59 = arith.constant 0 : i32
    %dma_wait3A_60 = tpu.memref_slice %arg7[%add3A_38, %dma_wait3A_59] : memref<327680x256xf32, #tpu.memory_space<hbm>> -> memref<64x256xf32, #tpu.memory_space<hbm>>
    %dma_wait3A_61 = arith.constant 0 : i32
    %dma_wait3A_62 = arith.constant 0 : i32
    %dma_wait3A_63 = tpu.memref_slice %arg11[%dma_wait3A_52, %dma_wait3A_61, %dma_wait3A_62] : memref<4x64x256xf32, #tpu.memory_space<vmem>> -> memref<1x64x256xf32, #tpu.memory_space<vmem>>
    %dma_wait3A_64 = tpu.memref_squeeze %dma_wait3A_63 : memref<1x64x256xf32, #tpu.memory_space<vmem>> -> memref<64x256xf32, #tpu.memory_space<vmem>>
    tpu.wait_dma2 semaphore(%arg17 : memref<!tpu.dma_semaphore, #tpu.memory_space<semaphore_mem>>) src(%dma_wait3A_64 : memref<64x256xf32, #tpu.memory_space<vmem>>) dst(%dma_wait3A_60 : memref<64x256xf32, #tpu.memory_space<hbm>>)
    %add3A_65 = arith.constant 10112 : i32
    %add3A_66 = arith.addi %mul3A_4, %add3A_65 : i32
    %dma_wait3A_67 = arith.constant 2 : i32
    %dma_wait3A_68 = arith.constant 0 : i32
    %dma_wait3A_69 = arith.constant 0 : i32
    %dma_wait3A_70 = tpu.memref_slice %arg10[%dma_wait3A_67, %dma_wait3A_68, %dma_wait3A_69] : memref<4x64x128xf32, #tpu.memory_space<vmem>> -> memref<1x64x128xf32, #tpu.memory_space<vmem>>
    %dma_wait3A_71 = tpu.memref_squeeze %dma_wait3A_70 : memref<1x64x128xf32, #tpu.memory_space<vmem>> -> memref<64x128xf32, #tpu.memory_space<vmem>>
    %dma_wait3A_72 = arith.constant 0 : i32
    %dma_wait3A_73 = tpu.memref_slice %arg6[%add3A_66, %dma_wait3A_72] : memref<327680x128xf32, #tpu.memory_space<hbm>> -> memref<64x128xf32, #tpu.memory_space<hbm>>
    %dma_wait3A_74 = arith.constant 0 : i32
    %dma_wait3A_75 = tpu.memref_slice %arg6[%add3A_66, %dma_wait3A_74] : memref<327680x128xf32, #tpu.memory_space<hbm>> -> memref<64x128xf32, #tpu.memory_space<hbm>>
    %dma_wait3A_76 = arith.constant 0 : i32
    %dma_wait3A_77 = arith.constant 0 : i32
    %dma_wait3A_78 = tpu.memref_slice %arg10[%dma_wait3A_67, %dma_wait3A_76, %dma_wait3A_77] : memref<4x64x128xf32, #tpu.memory_space<vmem>> -> memref<1x64x128xf32, #tpu.memory_space<vmem>>
    %dma_wait3A_79 = tpu.memref_squeeze %dma_wait3A_78 : memref<1x64x128xf32, #tpu.memory_space<vmem>> -> memref<64x128xf32, #tpu.memory_space<vmem>>
    tpu.wait_dma2 semaphore(%arg18 : memref<!tpu.dma_semaphore, #tpu.memory_space<semaphore_mem>>) src(%dma_wait3A_79 : memref<64x128xf32, #tpu.memory_space<vmem>>) dst(%dma_wait3A_75 : memref<64x128xf32, #tpu.memory_space<hbm>>)
    %dma_wait3A_80 = arith.constant 2 : i32
    %dma_wait3A_81 = arith.constant 0 : i32
    %dma_wait3A_82 = arith.constant 0 : i32
    %dma_wait3A_83 = tpu.memref_slice %arg11[%dma_wait3A_80, %dma_wait3A_81, %dma_wait3A_82] : memref<4x64x256xf32, #tpu.memory_space<vmem>> -> memref<1x64x256xf32, #tpu.memory_space<vmem>>
    %dma_wait3A_84 = tpu.memref_squeeze %dma_wait3A_83 : memref<1x64x256xf32, #tpu.memory_space<vmem>> -> memref<64x256xf32, #tpu.memory_space<vmem>>
    %dma_wait3A_85 = arith.constant 0 : i32
    %dma_wait3A_86 = tpu.memref_slice %arg7[%add3A_66, %dma_wait3A_85] : memref<327680x256xf32, #tpu.memory_space<hbm>> -> memref<64x256xf32, #tpu.memory_space<hbm>>
    %dma_wait3A_87 = arith.constant 0 : i32
    %dma_wait3A_88 = tpu.memref_slice %arg7[%add3A_66, %dma_wait3A_87] : memref<327680x256xf32, #tpu.memory_space<hbm>> -> memref<64x256xf32, #tpu.memory_space<hbm>>
    %dma_wait3A_89 = arith.constant 0 : i32
    %dma_wait3A_90 = arith.constant 0 : i32
    %dma_wait3A_91 = tpu.memref_slice %arg11[%dma_wait3A_80, %dma_wait3A_89, %dma_wait3A_90] : memref<4x64x256xf32, #tpu.memory_space<vmem>> -> memref<1x64x256xf32, #tpu.memory_space<vmem>>
    %dma_wait3A_92 = tpu.memref_squeeze %dma_wait3A_91 : memref<1x64x256xf32, #tpu.memory_space<vmem>> -> memref<64x256xf32, #tpu.memory_space<vmem>>
    tpu.wait_dma2 semaphore(%arg18 : memref<!tpu.dma_semaphore, #tpu.memory_space<semaphore_mem>>) src(%dma_wait3A_92 : memref<64x256xf32, #tpu.memory_space<vmem>>) dst(%dma_wait3A_88 : memref<64x256xf32, #tpu.memory_space<hbm>>)
    %add3A_93 = arith.constant 10176 : i32
    %add3A_94 = arith.addi %mul3A_4, %add3A_93 : i32
    %dma_wait3A_95 = arith.constant 3 : i32
    %dma_wait3A_96 = arith.constant 0 : i32
    %dma_wait3A_97 = arith.constant 0 : i32
    %dma_wait3A_98 = tpu.memref_slice %arg10[%dma_wait3A_95, %dma_wait3A_96, %dma_wait3A_97] : memref<4x64x128xf32, #tpu.memory_space<vmem>> -> memref<1x64x128xf32, #tpu.memory_space<vmem>>
    %dma_wait3A_99 = tpu.memref_squeeze %dma_wait3A_98 : memref<1x64x128xf32, #tpu.memory_space<vmem>> -> memref<64x128xf32, #tpu.memory_space<vmem>>
    %dma_wait3A_100 = arith.constant 0 : i32
    %dma_wait3A_101 = tpu.memref_slice %arg6[%add3A_94, %dma_wait3A_100] : memref<327680x128xf32, #tpu.memory_space<hbm>> -> memref<64x128xf32, #tpu.memory_space<hbm>>
    %dma_wait3A_102 = arith.constant 0 : i32
    %dma_wait3A_103 = tpu.memref_slice %arg6[%add3A_94, %dma_wait3A_102] : memref<327680x128xf32, #tpu.memory_space<hbm>> -> memref<64x128xf32, #tpu.memory_space<hbm>>
    %dma_wait3A_104 = arith.constant 0 : i32
    %dma_wait3A_105 = arith.constant 0 : i32
    %dma_wait3A_106 = tpu.memref_slice %arg10[%dma_wait3A_95, %dma_wait3A_104, %dma_wait3A_105] : memref<4x64x128xf32, #tpu.memory_space<vmem>> -> memref<1x64x128xf32, #tpu.memory_space<vmem>>
    %dma_wait3A_107 = tpu.memref_squeeze %dma_wait3A_106 : memref<1x64x128xf32, #tpu.memory_space<vmem>> -> memref<64x128xf32, #tpu.memory_space<vmem>>
    tpu.wait_dma2 semaphore(%arg19 : memref<!tpu.dma_semaphore, #tpu.memory_space<semaphore_mem>>) src(%dma_wait3A_107 : memref<64x128xf32, #tpu.memory_space<vmem>>) dst(%dma_wait3A_103 : memref<64x128xf32, #tpu.memory_space<hbm>>)
    %dma_wait3A_108 = arith.constant 3 : i32
    %dma_wait3A_109 = arith.constant 0 : i32
    %dma_wait3A_110 = arith.constant 0 : i32
    %dma_wait3A_111 = tpu.memref_slice %arg11[%dma_wait3A_108, %dma_wait3A_109, %dma_wait3A_110] : memref<4x64x256xf32, #tpu.memory_space<vmem>> -> memref<1x64x256xf32, #tpu.memory_space<vmem>>
    %dma_wait3A_112 = tpu.memref_squeeze %dma_wait3A_111 : memref<1x64x256xf32, #tpu.memory_space<vmem>> -> memref<64x256xf32, #tpu.memory_space<vmem>>
    %dma_wait3A_113 = arith.constant 0 : i32
    %dma_wait3A_114 = tpu.memref_slice %arg7[%add3A_94, %dma_wait3A_113] : memref<327680x256xf32, #tpu.memory_space<hbm>> -> memref<64x256xf32, #tpu.memory_space<hbm>>
    %dma_wait3A_115 = arith.constant 0 : i32
    %dma_wait3A_116 = tpu.memref_slice %arg7[%add3A_94, %dma_wait3A_115] : memref<327680x256xf32, #tpu.memory_space<hbm>> -> memref<64x256xf32, #tpu.memory_space<hbm>>
    %dma_wait3A_117 = arith.constant 0 : i32
    %dma_wait3A_118 = arith.constant 0 : i32
    %dma_wait3A_119 = tpu.memref_slice %arg11[%dma_wait3A_108, %dma_wait3A_117, %dma_wait3A_118] : memref<4x64x256xf32, #tpu.memory_space<vmem>> -> memref<1x64x256xf32, #tpu.memory_space<vmem>>
    %dma_wait3A_120 = tpu.memref_squeeze %dma_wait3A_119 : memref<1x64x256xf32, #tpu.memory_space<vmem>> -> memref<64x256xf32, #tpu.memory_space<vmem>>
    tpu.wait_dma2 semaphore(%arg19 : memref<!tpu.dma_semaphore, #tpu.memory_space<semaphore_mem>>) src(%dma_wait3A_120 : memref<64x256xf32, #tpu.memory_space<vmem>>) dst(%dma_wait3A_116 : memref<64x256xf32, #tpu.memory_space<hbm>>)
    return
  }
}

module attributes {stable_mosaic.version = 14 : i64} {
  func.func @_node_body(%arg0: i32, %arg1: memref<1000x128xf32, #tpu.memory_space<vmem>>, %arg2: memref<128x128xf32, #tpu.memory_space<vmem>>, %arg3: memref<128xf32, #tpu.memory_space<vmem>>, %arg4: memref<128x128xf32, #tpu.memory_space<vmem>>, %arg5: memref<128xf32, #tpu.memory_space<vmem>>, %arg6: memref<128x128xf32, #tpu.memory_space<vmem>>, %arg7: memref<128xf32, #tpu.memory_space<vmem>>, %arg8: memref<384x128xf32, #tpu.memory_space<vmem>>, %arg9: memref<256x128xf32, #tpu.memory_space<vmem>>, %arg10: memref<1000x128xf32, #tpu.memory_space<vmem>>, %arg11: memref<1000x256xf32, #tpu.memory_space<vmem>>) attributes {dimension_semantics = [#tpu.dimension_semantics<arbitrary>], iteration_bounds = array<i64: 10>, scalar_prefetch = 0 : i64, scratch_operands = 0 : i64, tpu.core_type = #tpu.core_type<tc>, window_params = [{transform_indices = @transform_0, window_bounds = array<i64: 1000, 128>}, {pipeline_mode = #tpu.pipeline_mode<synchronous>, transform_indices = @transform_1, window_bounds = array<i64: 128, 128>}, {pipeline_mode = #tpu.pipeline_mode<synchronous>, transform_indices = @transform_2, window_bounds = array<i64: 128>}, {pipeline_mode = #tpu.pipeline_mode<synchronous>, transform_indices = @transform_3, window_bounds = array<i64: 128, 128>}, {pipeline_mode = #tpu.pipeline_mode<synchronous>, transform_indices = @transform_4, window_bounds = array<i64: 128>}, {pipeline_mode = #tpu.pipeline_mode<synchronous>, transform_indices = @transform_5, window_bounds = array<i64: 128, 128>}, {pipeline_mode = #tpu.pipeline_mode<synchronous>, transform_indices = @transform_6, window_bounds = array<i64: 128>}, {pipeline_mode = #tpu.pipeline_mode<synchronous>, transform_indices = @transform_7, window_bounds = array<i64: 384, 128>}, {pipeline_mode = #tpu.pipeline_mode<synchronous>, transform_indices = @transform_8, window_bounds = array<i64: 256, 128>}, {transform_indices = @transform_9, window_bounds = array<i64: 1000, 128>}, {transform_indices = @transform_10, window_bounds = array<i64: 1000, 256>}]} {
    %get3A = arith.constant 0 : index
    %get3A_0 = arith.constant 0 : index
    %get3A_1 = vector.load %arg1[%get3A, %get3A_0] : memref<1000x128xf32, #tpu.memory_space<vmem>>, vector<1000x128xf32>
    %get3A_2 = arith.constant 0 : index
    %get3A_3 = arith.constant 0 : index
    %get3A_4 = vector.load %arg8[%get3A_2, %get3A_3] : memref<384x128xf32, #tpu.memory_space<vmem>>, vector<128x128xf32>
    %get3A_5 = arith.constant 128 : index
    %get3A_6 = arith.constant 0 : index
    %get3A_7 = vector.load %arg8[%get3A_5, %get3A_6] : memref<384x128xf32, #tpu.memory_space<vmem>>, vector<128x128xf32>
    %get3A_8 = arith.constant 0 : index
    %get3A_9 = arith.constant 0 : index
    %get3A_10 = vector.load %arg9[%get3A_8, %get3A_9] : memref<256x128xf32, #tpu.memory_space<vmem>>, vector<128x128xf32>
    %get3A_11 = arith.constant 0 : index
    %get3A_12 = arith.constant 0 : index
    %get3A_13 = vector.load %arg2[%get3A_11, %get3A_12] : memref<128x128xf32, #tpu.memory_space<vmem>>, vector<128x128xf32>
    %dot_general3A = arith.constant dense<0.000000e+00> : vector<128x128xf32>
    %dot_general3A_14 = tpu.matmul %get3A_13, %get3A_4, %dot_general3A {dimension_numbers = #tpu.dot_dimension_numbers<[1], [0], [0], [1], [0, 0, 1, 1], [], []>, transpose_lhs_hint = false} : vector<128x128xf32>, vector<128x128xf32>, vector<128x128xf32> -> vector<128x128xf32>
    %dot_general3A_15 = arith.constant dense<0.000000e+00> : vector<1000x128xf32>
    %dot_general3A_16 = tpu.matmul %get3A_1, %dot_general3A_14, %dot_general3A_15 {dimension_numbers = #tpu.dot_dimension_numbers<[1], [0], [0], [1], [0, 0, 1, 1], [], []>, transpose_lhs_hint = false} : vector<1000x128xf32>, vector<128x128xf32>, vector<1000x128xf32> -> vector<1000x128xf32>
    %get3A_17 = arith.constant 0 : index
    %get3A_18 = vector.load %arg3[%get3A_17] : memref<128xf32, #tpu.memory_space<vmem>>, vector<128xf32>
    %dot_general3A_19 = arith.constant dense<0.000000e+00> : vector<128xf32>
    %dot_general3A_20 = tpu.matmul %get3A_18, %get3A_4, %dot_general3A_19 {dimension_numbers = #tpu.dot_dimension_numbers<[0], [0], [], [1], [1, 1], [], []>, transpose_lhs_hint = false} : vector<128xf32>, vector<128x128xf32>, vector<128xf32> -> vector<128xf32>
    %broadcast_in_dim3A = vector.shape_cast %dot_general3A_20 : vector<128xf32> to vector<1x128xf32>
    %add3A = vector.broadcast %broadcast_in_dim3A : vector<1x128xf32> to vector<1000x128xf32>
    %add3A_21 = arith.addf %dot_general3A_16, %add3A : vector<1000x128xf32>
    %swap3A = arith.constant 0 : index
    %swap3A_22 = arith.constant 0 : index
    %swap3A_23 = vector.load %arg10[%swap3A, %swap3A_22] : memref<1000x128xf32, #tpu.memory_space<vmem>>, vector<1000x128xf32>
    tpu.vector_store %arg10[%swap3A, %swap3A_22], %add3A_21 {strides = array<i32>} : memref<1000x128xf32, #tpu.memory_space<vmem>>, vector<1000x128xf32>,
    %get3A_24 = arith.constant 0 : index
    %get3A_25 = arith.constant 0 : index
    %get3A_26 = vector.load %arg4[%get3A_24, %get3A_25] : memref<128x128xf32, #tpu.memory_space<vmem>>, vector<128x128xf32>
    %dot_general3A_27 = arith.constant dense<0.000000e+00> : vector<128x128xf32>
    %dot_general3A_28 = tpu.matmul %get3A_26, %get3A_7, %dot_general3A_27 {dimension_numbers = #tpu.dot_dimension_numbers<[1], [0], [0], [1], [0, 0, 1, 1], [], []>, transpose_lhs_hint = false} : vector<128x128xf32>, vector<128x128xf32>, vector<128x128xf32> -> vector<128x128xf32>
    %dot_general3A_29 = arith.constant dense<0.000000e+00> : vector<1000x128xf32>
    %dot_general3A_30 = tpu.matmul %get3A_1, %dot_general3A_28, %dot_general3A_29 {dimension_numbers = #tpu.dot_dimension_numbers<[1], [0], [0], [1], [0, 0, 1, 1], [], []>, transpose_lhs_hint = false} : vector<1000x128xf32>, vector<128x128xf32>, vector<1000x128xf32> -> vector<1000x128xf32>
    %get3A_31 = arith.constant 0 : index
    %get3A_32 = vector.load %arg5[%get3A_31] : memref<128xf32, #tpu.memory_space<vmem>>, vector<128xf32>
    %dot_general3A_33 = arith.constant dense<0.000000e+00> : vector<128xf32>
    %dot_general3A_34 = tpu.matmul %get3A_32, %get3A_7, %dot_general3A_33 {dimension_numbers = #tpu.dot_dimension_numbers<[0], [0], [], [1], [1, 1], [], []>, transpose_lhs_hint = false} : vector<128xf32>, vector<128x128xf32>, vector<128xf32> -> vector<128xf32>
    %broadcast_in_dim3A_35 = vector.shape_cast %dot_general3A_34 : vector<128xf32> to vector<1x128xf32>
    %add3A_36 = vector.broadcast %broadcast_in_dim3A_35 : vector<1x128xf32> to vector<1000x128xf32>
    %add3A_37 = arith.addf %dot_general3A_30, %add3A_36 : vector<1000x128xf32>
    %get3A_38 = arith.constant 0 : index
    %get3A_39 = arith.constant 0 : index
    %get3A_40 = vector.load %arg6[%get3A_38, %get3A_39] : memref<128x128xf32, #tpu.memory_space<vmem>>, vector<128x128xf32>
    %dot_general3A_41 = arith.constant dense<0.000000e+00> : vector<128x128xf32>
    %dot_general3A_42 = tpu.matmul %get3A_40, %get3A_10, %dot_general3A_41 {dimension_numbers = #tpu.dot_dimension_numbers<[1], [0], [0], [1], [0, 0, 1, 1], [], []>, transpose_lhs_hint = false} : vector<128x128xf32>, vector<128x128xf32>, vector<128x128xf32> -> vector<128x128xf32>
    %dot_general3A_43 = arith.constant dense<0.000000e+00> : vector<1000x128xf32>
    %dot_general3A_44 = tpu.matmul %get3A_1, %dot_general3A_42, %dot_general3A_43 {dimension_numbers = #tpu.dot_dimension_numbers<[1], [0], [0], [1], [0, 0, 1, 1], [], []>, transpose_lhs_hint = false} : vector<1000x128xf32>, vector<128x128xf32>, vector<1000x128xf32> -> vector<1000x128xf32>
    %get3A_45 = arith.constant 0 : index
    %get3A_46 = vector.load %arg7[%get3A_45] : memref<128xf32, #tpu.memory_space<vmem>>, vector<128xf32>
    %dot_general3A_47 = arith.constant dense<0.000000e+00> : vector<128xf32>
    %dot_general3A_48 = tpu.matmul %get3A_46, %get3A_10, %dot_general3A_47 {dimension_numbers = #tpu.dot_dimension_numbers<[0], [0], [], [1], [1, 1], [], []>, transpose_lhs_hint = false} : vector<128xf32>, vector<128x128xf32>, vector<128xf32> -> vector<128xf32>
    %broadcast_in_dim3A_49 = vector.shape_cast %dot_general3A_48 : vector<128xf32> to vector<1x128xf32>
    %add3A_50 = vector.broadcast %broadcast_in_dim3A_49 : vector<1x128xf32> to vector<1000x128xf32>
    %add3A_51 = arith.addf %dot_general3A_44, %add3A_50 : vector<1000x128xf32>
    %concatenate3A = tpu.concatenate %add3A_37, %add3A_51 in 1 : vector<1000x128xf32>, vector<1000x128xf32> -> vector<1000x256xf32>
    %swap3A_52 = arith.constant 0 : index
    %swap3A_53 = arith.constant 0 : index
    %swap3A_54 = vector.load %arg11[%swap3A_52, %swap3A_53] : memref<1000x256xf32, #tpu.memory_space<vmem>>, vector<1000x256xf32>
    tpu.vector_store %arg11[%swap3A_52, %swap3A_53], %concatenate3A {strides = array<i32>} : memref<1000x256xf32, #tpu.memory_space<vmem>>, vector<1000x256xf32>,
    return
  }
  func.func @transform_0(%arg0: i32) -> (i32, i32) {
    %c0_i32 = arith.constant 0 : i32
    %c0_i32_0 = arith.constant 0 : i32
    return %arg0, %c0_i32 : i32, i32
  }
  func.func @transform_1(%arg0: i32) -> (i32, i32) {
    %c0_i32 = arith.constant 0 : i32
    %c0_i32_0 = arith.constant 0 : i32
    %c0_i32_1 = arith.constant 0 : i32
    return %c0_i32, %c0_i32_0 : i32, i32
  }
  func.func @transform_2(%arg0: i32) -> i32 {
    %c0_i32 = arith.constant 0 : i32
    %c0_i32_0 = arith.constant 0 : i32
    return %c0_i32 : i32
  }
  func.func @transform_3(%arg0: i32) -> (i32, i32) {
    %c0_i32 = arith.constant 0 : i32
    %c0_i32_0 = arith.constant 0 : i32
    %c0_i32_1 = arith.constant 0 : i32
    return %c0_i32, %c0_i32_0 : i32, i32
  }
  func.func @transform_4(%arg0: i32) -> i32 {
    %c0_i32 = arith.constant 0 : i32
    %c0_i32_0 = arith.constant 0 : i32
    return %c0_i32 : i32
  }
  func.func @transform_5(%arg0: i32) -> (i32, i32) {
    %c0_i32 = arith.constant 0 : i32
    %c0_i32_0 = arith.constant 0 : i32
    %c0_i32_1 = arith.constant 0 : i32
    return %c0_i32, %c0_i32_0 : i32, i32
  }
  func.func @transform_6(%arg0: i32) -> i32 {
    %c0_i32 = arith.constant 0 : i32
    %c0_i32_0 = arith.constant 0 : i32
    return %c0_i32 : i32
  }
  func.func @transform_7(%arg0: i32) -> (i32, i32) {
    %c0_i32 = arith.constant 0 : i32
    %c0_i32_0 = arith.constant 0 : i32
    %c0_i32_1 = arith.constant 0 : i32
    return %c0_i32, %c0_i32_0 : i32, i32
  }
  func.func @transform_8(%arg0: i32) -> (i32, i32) {
    %c0_i32 = arith.constant 0 : i32
    %c0_i32_0 = arith.constant 0 : i32
    %c0_i32_1 = arith.constant 0 : i32
    return %c0_i32, %c0_i32_0 : i32, i32
  }
  func.func @transform_9(%arg0: i32) -> (i32, i32) {
    %c0_i32 = arith.constant 0 : i32
    %c0_i32_0 = arith.constant 0 : i32
    return %arg0, %c0_i32 : i32, i32
  }
  func.func @transform_10(%arg0: i32) -> (i32, i32) {
    %c0_i32 = arith.constant 0 : i32
    %c0_i32_0 = arith.constant 0 : i32
    return %arg0, %c0_i32 : i32, i32
  }
}

module attributes {stable_mosaic.version = 14 : i64} {
  func.func @_edge_body(%arg0: i32, %arg1: memref<8x1280xf32, #tpu.memory_space<vmem>>, %arg2: memref<1280x128xf32, #tpu.memory_space<vmem>>, %arg3: memref<1280x256xf32, #tpu.memory_space<vmem>>, %arg4: memref<8x128xf32, #tpu.memory_space<vmem>>, %arg5: memref<128x1xf32, #tpu.memory_space<vmem>>, %arg6: memref<128x128xf32, #tpu.memory_space<vmem>>, %arg7: memref<128xf32, #tpu.memory_space<vmem>>, %arg8: memref<384x128xf32, #tpu.memory_space<vmem>>, %arg9: memref<128xf32, #tpu.memory_space<vmem>>, %arg10: memref<128x1xf32, #tpu.memory_space<vmem>>, %arg11: memref<1xf32, #tpu.memory_space<vmem>>, %arg12: memref<256x128xf32, #tpu.memory_space<vmem>>, %arg13: memref<128xf32, #tpu.memory_space<vmem>>, %arg14: memref<128x128xf32, #tpu.memory_space<vmem>>, %arg15: memref<128xf32, #tpu.memory_space<vmem>>, %arg16: memref<1280x128xf32, #tpu.memory_space<vmem>>, %arg17: memref<1x10x128xf32, #tpu.memory_space<vmem>>) attributes {dimension_semantics = [#tpu.dimension_semantics<arbitrary>], iteration_bounds = array<i64: 256>, scalar_prefetch = 0 : i64, scratch_operands = 0 : i64, tpu.core_type = #tpu.core_type<tc>, window_params = [{transform_indices = @transform_0, window_bounds = array<i64: 8, 1280>}, {transform_indices = @transform_1, window_bounds = array<i64: 1280, 128>}, {transform_indices = @transform_2, window_bounds = array<i64: 1280, 256>}, {pipeline_mode = #tpu.pipeline_mode<synchronous>, transform_indices = @transform_3, window_bounds = array<i64: 8, 128>}, {pipeline_mode = #tpu.pipeline_mode<synchronous>, transform_indices = @transform_4, window_bounds = array<i64: 128, 1>}, {pipeline_mode = #tpu.pipeline_mode<synchronous>, transform_indices = @transform_5, window_bounds = array<i64: 128, 128>}, {pipeline_mode = #tpu.pipeline_mode<synchronous>, transform_indices = @transform_6, window_bounds = array<i64: 128>}, {pipeline_mode = #tpu.pipeline_mode<synchronous>, transform_indices = @transform_7, window_bounds = array<i64: 384, 128>}, {pipeline_mode = #tpu.pipeline_mode<synchronous>, transform_indices = @transform_8, window_bounds = array<i64: 128>}, {pipeline_mode = #tpu.pipeline_mode<synchronous>, transform_indices = @transform_9, window_bounds = array<i64: 128, 1>}, {pipeline_mode = #tpu.pipeline_mode<synchronous>, transform_indices = @transform_10, window_bounds = array<i64: 1>}, {pipeline_mode = #tpu.pipeline_mode<synchronous>, transform_indices = @transform_11, window_bounds = array<i64: 256, 128>}, {pipeline_mode = #tpu.pipeline_mode<synchronous>, transform_indices = @transform_12, window_bounds = array<i64: 128>}, {pipeline_mode = #tpu.pipeline_mode<synchronous>, transform_indices = @transform_13, window_bounds = array<i64: 128, 128>}, {pipeline_mode = #tpu.pipeline_mode<synchronous>, transform_indices = @transform_14, window_bounds = array<i64: 128>}, {transform_indices = @transform_15, window_bounds = array<i64: 1280, 128>}, {transform_indices = @transform_16, window_bounds = array<i64: 1, 10, 128>}]} {
    %get3A = arith.constant 256 : index
    %get3A_0 = arith.constant 0 : index
    %get3A_1 = vector.load %arg8[%get3A, %get3A_0] : memref<384x128xf32, #tpu.memory_space<vmem>>, vector<128x128xf32>
    %get3A_2 = arith.constant 128 : index
    %get3A_3 = arith.constant 0 : index
    %get3A_4 = vector.load %arg12[%get3A_2, %get3A_3] : memref<256x128xf32, #tpu.memory_space<vmem>>, vector<128x128xf32>
    %get3A_5 = arith.constant 0 : index
    %get3A_6 = arith.constant 0 : index
    %get3A_7 = vector.load %arg4[%get3A_5, %get3A_6] : memref<8x128xf32, #tpu.memory_space<vmem>>, vector<8x128xf32>
    %get3A_8 = arith.constant 0 : index
    %get3A_9 = arith.constant 0 : index
    %get3A_10 = vector.load %arg1[%get3A_8, %get3A_9] : memref<8x1280xf32, #tpu.memory_space<vmem>>, vector<8x1280xf32>
    %dot_general3A = arith.constant dense<0.000000e+00> : vector<128x1280xf32>
    %dot_general3A_11 = tpu.matmul %get3A_7, %get3A_10, %dot_general3A {dimension_numbers = #tpu.dot_dimension_numbers<[0], [0], [1], [1], [0, 1, 1, 1], [], []>, transpose_lhs_hint = false} : vector<8x128xf32>, vector<8x1280xf32>, vector<128x1280xf32> -> vector<128x1280xf32>
    %get3A_12 = arith.constant 0 : index
    %get3A_13 = arith.constant 0 : index
    %get3A_14 = vector.load %arg5[%get3A_12, %get3A_13] : memref<128x1xf32, #tpu.memory_space<vmem>>, vector<128x1xf32>
    %add3A = vector.broadcast %get3A_14 : vector<128x1xf32> to vector<128x1280xf32>
    %add3A_15 = arith.addf %dot_general3A_11, %add3A : vector<128x1280xf32>
    %max3A = arith.constant 0.000000e+00 : f32
    %max3A_16 = vector.broadcast %max3A : f32 to vector<128x1280xf32>
    %max3A_17 = arith.maximumf %add3A_15, %max3A_16 : vector<128x1280xf32>
    %get3A_18 = arith.constant 0 : index
    %get3A_19 = arith.constant 0 : index
    %get3A_20 = vector.load %arg6[%get3A_18, %get3A_19] : memref<128x128xf32, #tpu.memory_space<vmem>>, vector<128x128xf32>
    %dot_general3A_21 = arith.constant dense<0.000000e+00> : vector<1280x128xf32>
    %dot_general3A_22 = tpu.matmul %max3A_17, %get3A_20, %dot_general3A_21 {dimension_numbers = #tpu.dot_dimension_numbers<[0], [0], [1], [1], [0, 1, 1, 1], [], []>, transpose_lhs_hint = false} : vector<128x1280xf32>, vector<128x128xf32>, vector<1280x128xf32> -> vector<1280x128xf32>
    %get3A_23 = arith.constant 0 : index
    %get3A_24 = vector.load %arg7[%get3A_23] : memref<128xf32, #tpu.memory_space<vmem>>, vector<128xf32>
    %broadcast_in_dim3A = vector.shape_cast %get3A_24 : vector<128xf32> to vector<1x128xf32>
    %add3A_25 = vector.broadcast %broadcast_in_dim3A : vector<1x128xf32> to vector<1280x128xf32>
    %add3A_26 = arith.addf %dot_general3A_22, %add3A_25 : vector<1280x128xf32>
    %get3A_27 = arith.constant 0 : index
    %get3A_28 = arith.constant 0 : index
    %get3A_29 = vector.load %arg2[%get3A_27, %get3A_28] : memref<1280x128xf32, #tpu.memory_space<vmem>>, vector<1280x128xf32>
    %get3A_30 = arith.constant 0 : index
    %get3A_31 = arith.constant 0 : index
    %get3A_32 = vector.load %arg3[%get3A_30, %get3A_31] : memref<1280x256xf32, #tpu.memory_space<vmem>>, vector<1280x128xf32>
    %add3A_33 = arith.addf %get3A_29, %get3A_32 : vector<1280x128xf32>
    %dot_general3A_34 = arith.constant dense<0.000000e+00> : vector<1280x128xf32>
    %dot_general3A_35 = tpu.matmul %add3A_26, %get3A_1, %dot_general3A_34 {dimension_numbers = #tpu.dot_dimension_numbers<[1], [0], [0], [1], [0, 0, 1, 1], [], []>, transpose_lhs_hint = false} : vector<1280x128xf32>, vector<128x128xf32>, vector<1280x128xf32> -> vector<1280x128xf32>
    %add3A_36 = arith.addf %add3A_33, %dot_general3A_35 : vector<1280x128xf32>
    %get3A_37 = arith.constant 0 : index
    %get3A_38 = vector.load %arg9[%get3A_37] : memref<128xf32, #tpu.memory_space<vmem>>, vector<128xf32>
    %broadcast_in_dim3A_39 = vector.shape_cast %get3A_38 : vector<128xf32> to vector<1x128xf32>
    %add3A_40 = vector.broadcast %broadcast_in_dim3A_39 : vector<1x128xf32> to vector<1280x128xf32>
    %add3A_41 = arith.addf %add3A_36, %add3A_40 : vector<1280x128xf32>
    %max3A_42 = arith.constant 0.000000e+00 : f32
    %max3A_43 = vector.broadcast %max3A_42 : f32 to vector<1280x128xf32>
    %max3A_44 = arith.maximumf %add3A_41, %max3A_43 : vector<1280x128xf32>
    %get3A_45 = arith.constant 0 : index
    %get3A_46 = arith.constant 0 : index
    %get3A_47 = vector.load %arg10[%get3A_45, %get3A_46] : memref<128x1xf32, #tpu.memory_space<vmem>>, vector<128x1xf32>
    %dot_general3A_48 = arith.constant dense<0.000000e+00> : vector<1280x1xf32>
    %dot_general3A_49 = tpu.matmul %max3A_44, %get3A_47, %dot_general3A_48 {dimension_numbers = #tpu.dot_dimension_numbers<[1], [0], [0], [1], [0, 0, 1, 1], [], []>, transpose_lhs_hint = false} : vector<1280x128xf32>, vector<128x1xf32>, vector<1280x1xf32> -> vector<1280x1xf32>
    %get3A_50 = arith.constant 0 : index
    %get3A_51 = vector.load %arg11[%get3A_50] : memref<1xf32, #tpu.memory_space<vmem>>, vector<1xf32>
    %get3A_52 = vector.extract %get3A_51[0] : f32 from vector<1xf32>
    %add3A_53 = vector.broadcast %get3A_52 : f32 to vector<1280x1xf32>
    %add3A_54 = arith.addf %dot_general3A_49, %add3A_53 : vector<1280x1xf32>
    %exp3A = math.exp %add3A_54 : vector<1280x1xf32>
    %get3A_55 = arith.constant 0 : index
    %get3A_56 = arith.constant 128 : index
    %get3A_57 = vector.load %arg3[%get3A_55, %get3A_56] : memref<1280x256xf32, #tpu.memory_space<vmem>>, vector<1280x128xf32>
    %dot_general3A_58 = arith.constant dense<0.000000e+00> : vector<1280x128xf32>
    %dot_general3A_59 = tpu.matmul %add3A_26, %get3A_4, %dot_general3A_58 {dimension_numbers = #tpu.dot_dimension_numbers<[1], [0], [0], [1], [0, 0, 1, 1], [], []>, transpose_lhs_hint = false} : vector<1280x128xf32>, vector<128x128xf32>, vector<1280x128xf32> -> vector<1280x128xf32>
    %add3A_60 = arith.addf %get3A_57, %dot_general3A_59 : vector<1280x128xf32>
    %get3A_61 = arith.constant 0 : index
    %get3A_62 = vector.load %arg13[%get3A_61] : memref<128xf32, #tpu.memory_space<vmem>>, vector<128xf32>
    %broadcast_in_dim3A_63 = vector.shape_cast %get3A_62 : vector<128xf32> to vector<1x128xf32>
    %add3A_64 = vector.broadcast %broadcast_in_dim3A_63 : vector<1x128xf32> to vector<1280x128xf32>
    %add3A_65 = arith.addf %add3A_60, %add3A_64 : vector<1280x128xf32>
    %neg3A = arith.constant 0.000000e+00 : f32
    %neg3A_66 = vector.broadcast %neg3A : f32 to vector<1280x128xf32>
    %neg3A_67 = arith.subf %neg3A_66, %add3A_65 : vector<1280x128xf32>
    %exp3A_68 = math.exp %neg3A_67 : vector<1280x128xf32>
    %add3A_69 = arith.constant 1.000000e+00 : f32
    %add3A_70 = vector.broadcast %add3A_69 : f32 to vector<1280x128xf32>
    %add3A_71 = arith.addf %add3A_70, %exp3A_68 : vector<1280x128xf32>
    %div3A = arith.constant 1.000000e+00 : f32
    %div3A_72 = vector.broadcast %div3A : f32 to vector<1280x128xf32>
    %div3A_73 = arith.divf %div3A_72, %add3A_71 : vector<1280x128xf32>
    %mul3A = arith.mulf %add3A_65, %div3A_73 : vector<1280x128xf32>
    %get3A_74 = arith.constant 0 : index
    %get3A_75 = arith.constant 0 : index
    %get3A_76 = vector.load %arg14[%get3A_74, %get3A_75] : memref<128x128xf32, #tpu.memory_space<vmem>>, vector<128x128xf32>
    %dot_general3A_77 = arith.constant dense<0.000000e+00> : vector<1280x128xf32>
    %dot_general3A_78 = tpu.matmul %mul3A, %get3A_76, %dot_general3A_77 {dimension_numbers = #tpu.dot_dimension_numbers<[1], [0], [0], [1], [0, 0, 1, 1], [], []>, transpose_lhs_hint = false} : vector<1280x128xf32>, vector<128x128xf32>, vector<1280x128xf32> -> vector<1280x128xf32>
    %get3A_79 = arith.constant 0 : index
    %get3A_80 = vector.load %arg15[%get3A_79] : memref<128xf32, #tpu.memory_space<vmem>>, vector<128xf32>
    %broadcast_in_dim3A_81 = vector.shape_cast %get3A_80 : vector<128xf32> to vector<1x128xf32>
    %add3A_82 = vector.broadcast %broadcast_in_dim3A_81 : vector<1x128xf32> to vector<1280x128xf32>
    %add3A_83 = arith.addf %dot_general3A_78, %add3A_82 : vector<1280x128xf32>
    %mul3A_84 = vector.broadcast %exp3A : vector<1280x1xf32> to vector<1280x128xf32>
    %mul3A_85 = arith.mulf %add3A_83, %mul3A_84 : vector<1280x128xf32>
    %swap3A = arith.constant 0 : index
    %swap3A_86 = arith.constant 0 : index
    %swap3A_87 = vector.load %arg16[%swap3A, %swap3A_86] : memref<1280x128xf32, #tpu.memory_space<vmem>>, vector<1280x128xf32>
    tpu.vector_store %arg16[%swap3A, %swap3A_86], %mul3A_85 {strides = array<i32>} : memref<1280x128xf32, #tpu.memory_space<vmem>>, vector<1280x128xf32>,
    %get3A_88 = arith.constant 0 : index
    %get3A_89 = arith.constant 0 : index
    %get3A_90 = vector.load %arg10[%get3A_88, %get3A_89] : memref<128x1xf32, #tpu.memory_space<vmem>>, vector<128x1xf32>
    %slice3A = vector.extract_strided_slice %max3A_44 {offsets = [0, 0], sizes = [128, 128], strides = [1, 1]} : vector<1280x128xf32> to vector<128x128xf32>
    %dot_general3A_91 = arith.constant dense<0.000000e+00> : vector<1x128xf32>
    %dot_general3A_92 = tpu.matmul %get3A_90, %slice3A, %dot_general3A_91 {dimension_numbers = #tpu.dot_dimension_numbers<[0], [1], [1], [0], [0, 1, 1, 0], [], []>, transpose_lhs_hint = false} : vector<128x1xf32>, vector<128x128xf32>, vector<1x128xf32> -> vector<1x128xf32>
    %get3A_93 = arith.constant 0 : index
    %get3A_94 = arith.constant 0 : index
    %get3A_95 = vector.load %arg10[%get3A_93, %get3A_94] : memref<128x1xf32, #tpu.memory_space<vmem>>, vector<128x1xf32>
    %slice3A_96 = vector.extract_strided_slice %max3A_44 {offsets = [128, 0], sizes = [128, 128], strides = [1, 1]} : vector<1280x128xf32> to vector<128x128xf32>
    %dot_general3A_97 = arith.constant dense<0.000000e+00> : vector<1x128xf32>
    %dot_general3A_98 = tpu.matmul %get3A_95, %slice3A_96, %dot_general3A_97 {dimension_numbers = #tpu.dot_dimension_numbers<[0], [1], [1], [0], [0, 1, 1, 0], [], []>, transpose_lhs_hint = false} : vector<128x1xf32>, vector<128x128xf32>, vector<1x128xf32> -> vector<1x128xf32>
    %get3A_99 = arith.constant 0 : index
    %get3A_100 = arith.constant 0 : index
    %get3A_101 = vector.load %arg10[%get3A_99, %get3A_100] : memref<128x1xf32, #tpu.memory_space<vmem>>, vector<128x1xf32>
    %slice3A_102 = vector.extract_strided_slice %max3A_44 {offsets = [256, 0], sizes = [128, 128], strides = [1, 1]} : vector<1280x128xf32> to vector<128x128xf32>
    %dot_general3A_103 = arith.constant dense<0.000000e+00> : vector<1x128xf32>
    %dot_general3A_104 = tpu.matmul %get3A_101, %slice3A_102, %dot_general3A_103 {dimension_numbers = #tpu.dot_dimension_numbers<[0], [1], [1], [0], [0, 1, 1, 0], [], []>, transpose_lhs_hint = false} : vector<128x1xf32>, vector<128x128xf32>, vector<1x128xf32> -> vector<1x128xf32>
    %get3A_105 = arith.constant 0 : index
    %get3A_106 = arith.constant 0 : index
    %get3A_107 = vector.load %arg10[%get3A_105, %get3A_106] : memref<128x1xf32, #tpu.memory_space<vmem>>, vector<128x1xf32>
    %slice3A_108 = vector.extract_strided_slice %max3A_44 {offsets = [384, 0], sizes = [128, 128], strides = [1, 1]} : vector<1280x128xf32> to vector<128x128xf32>
    %dot_general3A_109 = arith.constant dense<0.000000e+00> : vector<1x128xf32>
    %dot_general3A_110 = tpu.matmul %get3A_107, %slice3A_108, %dot_general3A_109 {dimension_numbers = #tpu.dot_dimension_numbers<[0], [1], [1], [0], [0, 1, 1, 0], [], []>, transpose_lhs_hint = false} : vector<128x1xf32>, vector<128x128xf32>, vector<1x128xf32> -> vector<1x128xf32>
    %get3A_111 = arith.constant 0 : index
    %get3A_112 = arith.constant 0 : index
    %get3A_113 = vector.load %arg10[%get3A_111, %get3A_112] : memref<128x1xf32, #tpu.memory_space<vmem>>, vector<128x1xf32>
    %slice3A_114 = vector.extract_strided_slice %max3A_44 {offsets = [512, 0], sizes = [128, 128], strides = [1, 1]} : vector<1280x128xf32> to vector<128x128xf32>
    %dot_general3A_115 = arith.constant dense<0.000000e+00> : vector<1x128xf32>
    %dot_general3A_116 = tpu.matmul %get3A_113, %slice3A_114, %dot_general3A_115 {dimension_numbers = #tpu.dot_dimension_numbers<[0], [1], [1], [0], [0, 1, 1, 0], [], []>, transpose_lhs_hint = false} : vector<128x1xf32>, vector<128x128xf32>, vector<1x128xf32> -> vector<1x128xf32>
    %get3A_117 = arith.constant 0 : index
    %get3A_118 = arith.constant 0 : index
    %get3A_119 = vector.load %arg10[%get3A_117, %get3A_118] : memref<128x1xf32, #tpu.memory_space<vmem>>, vector<128x1xf32>
    %slice3A_120 = vector.extract_strided_slice %max3A_44 {offsets = [640, 0], sizes = [128, 128], strides = [1, 1]} : vector<1280x128xf32> to vector<128x128xf32>
    %dot_general3A_121 = arith.constant dense<0.000000e+00> : vector<1x128xf32>
    %dot_general3A_122 = tpu.matmul %get3A_119, %slice3A_120, %dot_general3A_121 {dimension_numbers = #tpu.dot_dimension_numbers<[0], [1], [1], [0], [0, 1, 1, 0], [], []>, transpose_lhs_hint = false} : vector<128x1xf32>, vector<128x128xf32>, vector<1x128xf32> -> vector<1x128xf32>
    %get3A_123 = arith.constant 0 : index
    %get3A_124 = arith.constant 0 : index
    %get3A_125 = vector.load %arg10[%get3A_123, %get3A_124] : memref<128x1xf32, #tpu.memory_space<vmem>>, vector<128x1xf32>
    %slice3A_126 = vector.extract_strided_slice %max3A_44 {offsets = [768, 0], sizes = [128, 128], strides = [1, 1]} : vector<1280x128xf32> to vector<128x128xf32>
    %dot_general3A_127 = arith.constant dense<0.000000e+00> : vector<1x128xf32>
    %dot_general3A_128 = tpu.matmul %get3A_125, %slice3A_126, %dot_general3A_127 {dimension_numbers = #tpu.dot_dimension_numbers<[0], [1], [1], [0], [0, 1, 1, 0], [], []>, transpose_lhs_hint = false} : vector<128x1xf32>, vector<128x128xf32>, vector<1x128xf32> -> vector<1x128xf32>
    %get3A_129 = arith.constant 0 : index
    %get3A_130 = arith.constant 0 : index
    %get3A_131 = vector.load %arg10[%get3A_129, %get3A_130] : memref<128x1xf32, #tpu.memory_space<vmem>>, vector<128x1xf32>
    %slice3A_132 = vector.extract_strided_slice %max3A_44 {offsets = [896, 0], sizes = [128, 128], strides = [1, 1]} : vector<1280x128xf32> to vector<128x128xf32>
    %dot_general3A_133 = arith.constant dense<0.000000e+00> : vector<1x128xf32>
    %dot_general3A_134 = tpu.matmul %get3A_131, %slice3A_132, %dot_general3A_133 {dimension_numbers = #tpu.dot_dimension_numbers<[0], [1], [1], [0], [0, 1, 1, 0], [], []>, transpose_lhs_hint = false} : vector<128x1xf32>, vector<128x128xf32>, vector<1x128xf32> -> vector<1x128xf32>
    %get3A_135 = arith.constant 0 : index
    %get3A_136 = arith.constant 0 : index
    %get3A_137 = vector.load %arg10[%get3A_135, %get3A_136] : memref<128x1xf32, #tpu.memory_space<vmem>>, vector<128x1xf32>
    %slice3A_138 = vector.extract_strided_slice %max3A_44 {offsets = [1024, 0], sizes = [128, 128], strides = [1, 1]} : vector<1280x128xf32> to vector<128x128xf32>
    %dot_general3A_139 = arith.constant dense<0.000000e+00> : vector<1x128xf32>
    %dot_general3A_140 = tpu.matmul %get3A_137, %slice3A_138, %dot_general3A_139 {dimension_numbers = #tpu.dot_dimension_numbers<[0], [1], [1], [0], [0, 1, 1, 0], [], []>, transpose_lhs_hint = false} : vector<128x1xf32>, vector<128x128xf32>, vector<1x128xf32> -> vector<1x128xf32>
    %get3A_141 = arith.constant 0 : index
    %get3A_142 = arith.constant 0 : index
    %get3A_143 = vector.load %arg10[%get3A_141, %get3A_142] : memref<128x1xf32, #tpu.memory_space<vmem>>, vector<128x1xf32>
    %slice3A_144 = vector.extract_strided_slice %max3A_44 {offsets = [1152, 0], sizes = [128, 128], strides = [1, 1]} : vector<1280x128xf32> to vector<128x128xf32>
    %dot_general3A_145 = arith.constant dense<0.000000e+00> : vector<1x128xf32>
    %dot_general3A_146 = tpu.matmul %get3A_143, %slice3A_144, %dot_general3A_145 {dimension_numbers = #tpu.dot_dimension_numbers<[0], [1], [1], [0], [0, 1, 1, 0], [], []>, transpose_lhs_hint = false} : vector<128x1xf32>, vector<128x128xf32>, vector<1x128xf32> -> vector<1x128xf32>
    %concatenate3A = tpu.concatenate %dot_general3A_92, %dot_general3A_98, %dot_general3A_104, %dot_general3A_110, %dot_general3A_116, %dot_general3A_122, %dot_general3A_128, %dot_general3A_134, %dot_general3A_140, %dot_general3A_146 in 0 : vector<1x128xf32>, vector<1x128xf32>, vector<1x128xf32>, vector<1x128xf32>, vector<1x128xf32>, vector<1x128xf32>, vector<1x128xf32>, vector<1x128xf32>, vector<1x128xf32>, vector<1x128xf32> -> vector<10x128xf32>
    %get3A_147 = arith.constant 0 : index
    %get3A_148 = vector.load %arg11[%get3A_147] : memref<1xf32, #tpu.memory_space<vmem>>, vector<1xf32>
    %get3A_149 = vector.extract %get3A_148[0] : f32 from vector<1xf32>
    %add3A_150 = vector.broadcast %get3A_149 : f32 to vector<10x128xf32>
    %add3A_151 = arith.addf %concatenate3A, %add3A_150 : vector<10x128xf32>
    %exp3A_152 = math.exp %add3A_151 : vector<10x128xf32>
    %reshape3A = vector.shape_cast %exp3A_152 : vector<10x128xf32> to vector<1x10x128xf32>
    %swap3A_153 = arith.constant 0 : index
    %swap3A_154 = arith.constant 0 : index
    %swap3A_155 = arith.constant 0 : index
    %swap3A_156 = vector.load %arg17[%swap3A_153, %swap3A_154, %swap3A_155] : memref<1x10x128xf32, #tpu.memory_space<vmem>>, vector<1x10x128xf32>
    tpu.vector_store %arg17[%swap3A_153, %swap3A_154, %swap3A_155], %reshape3A {strides = array<i32>} : memref<1x10x128xf32, #tpu.memory_space<vmem>>, vector<1x10x128xf32>,
    return
  }
  func.func @transform_0(%arg0: i32) -> (i32, i32) {
    %c0_i32 = arith.constant 0 : i32
    %c0_i32_0 = arith.constant 0 : i32
    return %c0_i32, %arg0 : i32, i32
  }
  func.func @transform_1(%arg0: i32) -> (i32, i32) {
    %c0_i32 = arith.constant 0 : i32
    %c0_i32_0 = arith.constant 0 : i32
    return %arg0, %c0_i32 : i32, i32
  }
  func.func @transform_2(%arg0: i32) -> (i32, i32) {
    %c0_i32 = arith.constant 0 : i32
    %c0_i32_0 = arith.constant 0 : i32
    return %arg0, %c0_i32 : i32, i32
  }
  func.func @transform_3(%arg0: i32) -> (i32, i32) {
    %c0_i32 = arith.constant 0 : i32
    %c0_i32_0 = arith.constant 0 : i32
    %c0_i32_1 = arith.constant 0 : i32
    return %c0_i32, %c0_i32_0 : i32, i32
  }
  func.func @transform_4(%arg0: i32) -> (i32, i32) {
    %c0_i32 = arith.constant 0 : i32
    %c0_i32_0 = arith.constant 0 : i32
    %c0_i32_1 = arith.constant 0 : i32
    return %c0_i32, %c0_i32_0 : i32, i32
  }
  func.func @transform_5(%arg0: i32) -> (i32, i32) {
    %c0_i32 = arith.constant 0 : i32
    %c0_i32_0 = arith.constant 0 : i32
    %c0_i32_1 = arith.constant 0 : i32
    return %c0_i32, %c0_i32_0 : i32, i32
  }
  func.func @transform_6(%arg0: i32) -> i32 {
    %c0_i32 = arith.constant 0 : i32
    %c0_i32_0 = arith.constant 0 : i32
    return %c0_i32 : i32
  }
  func.func @transform_7(%arg0: i32) -> (i32, i32) {
    %c0_i32 = arith.constant 0 : i32
    %c0_i32_0 = arith.constant 0 : i32
    %c0_i32_1 = arith.constant 0 : i32
    return %c0_i32, %c0_i32_0 : i32, i32
  }
  func.func @transform_8(%arg0: i32) -> i32 {
    %c0_i32 = arith.constant 0 : i32
    %c0_i32_0 = arith.constant 0 : i32
    return %c0_i32 : i32
  }
  func.func @transform_9(%arg0: i32) -> (i32, i32) {
    %c0_i32 = arith.constant 0 : i32
    %c0_i32_0 = arith.constant 0 : i32
    %c0_i32_1 = arith.constant 0 : i32
    return %c0_i32, %c0_i32_0 : i32, i32
  }
  func.func @transform_10(%arg0: i32) -> i32 {
    %c0_i32 = arith.constant 0 : i32
    %c0_i32_0 = arith.constant 0 : i32
    return %c0_i32 : i32
  }
  func.func @transform_11(%arg0: i32) -> (i32, i32) {
    %c0_i32 = arith.constant 0 : i32
    %c0_i32_0 = arith.constant 0 : i32
    %c0_i32_1 = arith.constant 0 : i32
    return %c0_i32, %c0_i32_0 : i32, i32
  }
  func.func @transform_12(%arg0: i32) -> i32 {
    %c0_i32 = arith.constant 0 : i32
    %c0_i32_0 = arith.constant 0 : i32
    return %c0_i32 : i32
  }
  func.func @transform_13(%arg0: i32) -> (i32, i32) {
    %c0_i32 = arith.constant 0 : i32
    %c0_i32_0 = arith.constant 0 : i32
    %c0_i32_1 = arith.constant 0 : i32
    return %c0_i32, %c0_i32_0 : i32, i32
  }
  func.func @transform_14(%arg0: i32) -> i32 {
    %c0_i32 = arith.constant 0 : i32
    %c0_i32_0 = arith.constant 0 : i32
    return %c0_i32 : i32
  }
  func.func @transform_15(%arg0: i32) -> (i32, i32) {
    %c0_i32 = arith.constant 0 : i32
    %c0_i32_0 = arith.constant 0 : i32
    return %arg0, %c0_i32 : i32, i32
  }
  func.func @transform_16(%arg0: i32) -> (i32, i32, i32) {
    %c0_i32 = arith.constant 0 : i32
    %c0_i32_0 = arith.constant 0 : i32
    %c0_i32_1 = arith.constant 0 : i32
    return %arg0, %c0_i32, %c0_i32_0 : i32, i32, i32
  }
}

module attributes {stable_mosaic.version = 14 : i64} {
  func.func @_final_body(%arg0: memref<10000x128xf32, #tpu.memory_space<vmem>>, %arg1: memref<2x12032x128xf32, #tpu.memory_space<vmem>>, %arg2: memref<32x12032xf32, #tpu.memory_space<vmem>>, %arg3: memref<10000x128xf32, #tpu.memory_space<vmem>>) attributes {dimension_semantics = [], scalar_prefetch = 0 : i64, scratch_operands = 0 : i64, tpu.core_type = #tpu.core_type<tc>} {
    %get3A = arith.constant 0 : index
    %get3A_0 = arith.constant 0 : index
    %get3A_1 = arith.constant 0 : index
    %get3A_2 = vector.load %arg1[%get3A, %get3A_0, %get3A_1] : memref<2x12032x128xf32, #tpu.memory_space<vmem>>, vector<1x10000x128xf32>
    %get3A_3 = vector.shape_cast %get3A_2 : vector<1x10000x128xf32> to vector<10000x128xf32>
    %get3A_4 = arith.constant 1 : index
    %get3A_5 = arith.constant 0 : index
    %get3A_6 = arith.constant 0 : index
    %get3A_7 = vector.load %arg1[%get3A_4, %get3A_5, %get3A_6] : memref<2x12032x128xf32, #tpu.memory_space<vmem>>, vector<1x10000x128xf32>
    %get3A_8 = vector.shape_cast %get3A_7 : vector<1x10000x128xf32> to vector<10000x128xf32>
    %add3A = arith.addf %get3A_3, %get3A_8 : vector<10000x128xf32>
    %broadcast_in_dim3A = arith.constant 1.000000e+00 : f32
    %broadcast_in_dim3A_9 = vector.broadcast %broadcast_in_dim3A : f32 to vector<32x1xf32>
    %get3A_10 = arith.constant 0 : index
    %get3A_11 = arith.constant 0 : index
    %get3A_12 = vector.load %arg2[%get3A_10, %get3A_11] : memref<32x12032xf32, #tpu.memory_space<vmem>>, vector<32x12032xf32>
    %dot_general3A = arith.constant dense<0.000000e+00> : vector<12032x1xf32>
    %dot_general3A_13 = tpu.matmul %get3A_12, %broadcast_in_dim3A_9, %dot_general3A {dimension_numbers = #tpu.dot_dimension_numbers<[0], [0], [1], [1], [0, 1, 1, 1], [], []>, transpose_lhs_hint = false} : vector<32x12032xf32>, vector<32x1xf32>, vector<12032x1xf32> -> vector<12032x1xf32>
    %get3A_14 = arith.constant 0 : index
    %get3A_15 = arith.constant 0 : index
    %get3A_16 = vector.load %arg0[%get3A_14, %get3A_15] : memref<10000x128xf32, #tpu.memory_space<vmem>>, vector<10000x128xf32>
    %slice3A = vector.extract_strided_slice %dot_general3A_13 {offsets = [0, 0], sizes = [10000, 1], strides = [1, 1]} : vector<12032x1xf32> to vector<10000x1xf32>
    %add3A_17 = arith.constant 1.000000e-16 : f32
    %add3A_18 = vector.broadcast %add3A_17 : f32 to vector<10000x1xf32>
    %add3A_19 = arith.addf %slice3A, %add3A_18 : vector<10000x1xf32>
    %div3A = vector.broadcast %add3A_19 : vector<10000x1xf32> to vector<10000x128xf32>
    %div3A_20 = arith.divf %add3A, %div3A : vector<10000x128xf32>
    %add3A_21 = arith.addf %get3A_16, %div3A_20 : vector<10000x128xf32>
    %swap3A = arith.constant 0 : index
    %swap3A_22 = arith.constant 0 : index
    %swap3A_23 = vector.load %arg3[%swap3A, %swap3A_22] : memref<10000x128xf32, #tpu.memory_space<vmem>>, vector<10000x128xf32>
    tpu.vector_store %arg3[%swap3A, %swap3A_22], %add3A_21 {strides = array<i32>} : memref<10000x128xf32, #tpu.memory_space<vmem>>, vector<10000x128xf32>,
    return
  }
}

</mosaic_0001>

<sc_bundles>
// kernel: kernel.10.cloned.1.call-start
scs
__scs_entry_jumppad:
0x0: {  	(pc) =	sbr.rel $0x88, $3  }
0x1: {  	(tag) =	ssettag $0x0;
	lr =	simm.s32 $0x1  }
0x2: {  	[smem:$0x3F8B] =	sst lr;
	_ =	strace $0xD0000000  }
0x3: {  	_ = 	snop  }
0x4: {  	_ = 	snop  }
0x5: {  	_ = 	snop  }
0x6: {  	_ = 	snop  }
0x7: {  	_ = 	snop  }
__scs_overlays_trampoline_lowered:
0x8: {  	[smem:$0x3F9A] =	sst s0  }
0x9: {  	[smem:$0x3F9B] =	sst s1  }
0xa: {  	[smem:$0x3F9C] =	sst s2  }
0xb: {  	[smem:$0x3F9D] =	sst s3  }
0xc: {  	[smem:$0x3F9E] =	sst s4  }
0xd: {  	[smem:$0x3F9F] =	sst s5  }
0xe: {  	[smem:$0x3FA0] =	sst s6  }
0xf: {  	[smem:$0x3FA1] =	sst s7  }
0x10: {  	[smem:$0x3FA2] =	sst s8  }
0x11: {  	[smem:$0x3FA3] =	sst s9;
	s0 =	simm.s32 @!p0 $0x0  }
0x12: {  	s1 =	sld [smem:$0x3F89];
	s0 =	simm.s32 @p0 $0x1  }
0x13: {  	[smem:$0x3FA4] =	sst s0;
	s0 =	simm.s32 @!p1 $0x0  }
0x14: {  	s2 =	sld [smem:$0x3F88];
	s0 =	simm.s32 @p1 $0x1  }
0x15: {  	[smem:$0x3FA5] =	sst s0;
	s0 =	simm.s32 @!p2 $0x0  }
0x16: {  	s3 =	sld [smem:$0x3FDB];
	s0 =	simm.s32 @p2 $0x1  }
0x17: {  	s4 =	simm.s32 $0x1BF5;
	[smem:$0x3FA7] =	sst s0  }
0x18: {  	s0 =	sld [smem:$0x3F8A];
	_ =	swait.ge [sflag:s4], $0x0  }
0x19: {  	s7 =	sld [smem:$0x3F8B]  }
0x1a: {  	s8 =	sadd.s32 $0xFFFFE003, lr  }
0x1b: {  	s9 =	sadd.s32 $0xFFFFFEF7, lr;
	s5 =	simm.s32 $0xFFFFFFFF;
	p2 =	slt.u32 s8, $0xFFFFF086  }
0x1c: {  	p1 =	slt.u32 s9, $0xF7A;
	s5 =	simm.s32 @!p2 $0x0  }
0x1d: {  	s5 =	simm.s32 @p1 $0x1;
	p0 =	seq.s32 s7, s2  }
0x1e: {  	s7 =	smul.u32 @!p0 $0xF7A, s2;
	p2 =	seq.s32 @!p0 s5, $0x0  }
0x1f: {  	s9 =	smul.u32 $0xF7A, s1;
	s8 =	simm.s32 @!p0 $0x1BF5;
	p2 =	por !p2, p0  }
0x20: {  	[sflag:s8] =	ssyncset.s32 @!p0 $0xFFFFF086;
	s6 =	sadd.s32 @!p0 s3, s7;
	s7 =	simm.s32 @!p0 $0x108  }
0x21: {  	s3 =	sadd.s32 s3, s9;
	s6 =	sadd.s32 @!p0 $0x88, s6;
	s7 =	simm.s32 @p2 $0x1082  }
0x22: {  	[simem:s7], [sflag:s8] =	dma.local @!p0 [hbm:s6], $0xF7A  }
0x23: {  	s9 =	sor.u32 $0xD0000000, s2;
	s6 =	simm.s32 $0x108;
	_ =	swait.ge @!p0 [sflag:s8], $0x0  }
0x24: {  	s3 =	sadd.s32 $0x88, s3;
	s6 =	simm.s32 @!p1 $0x1082;
	[sflag:s4] =	ssyncset.s32 $0xFFFFF086  }
0x25: {  	[simem:s6], [sflag:s4] =	dma.local [hbm:s3], $0xF7A  }
0x26: {  	[smem:$0x3F8B] =	sst s1;
	(tag) =	ssettag s2;
	_ =	strace s9  }
0x27: {  	s1 =	sld [smem:$0x3F9B]  }
0x28: {  	s2 =	sld [smem:$0x3F9C]  }
0x29: {  	s4 =	sld [smem:$0x3F9E]  }
0x2a: {  	p0 =	seq.s32 s5, $0x0;
	s5 =	sld [smem:$0x3F9F]  }
0x2b: {  	s6 =	sld [smem:$0x3FA0]  }
0x2c: {  	s7 =	sld [smem:$0x3FA1]  }
0x2d: {  	s3 =	simm.s32 $0x108;
	s8 =	sld [smem:$0x3FA2]  }
0x2e: {  	s3 =	simm.s32 @!p0 $0x1082;
	s9 =	sld [smem:$0x3FA3]  }
0x2f: {  	lr =	sadd.s32 s0, s3;
	s0 =	sld [smem:$0x3F9A]  }
0x30: {  	s3 =	sld [smem:$0x3F9D]  }
0x31: {  	[smem:$0x3FA6] =	sst s10  }
0x32: {  	s10 =	sld [smem:$0x3FA4];
	_ =	sdelay $0x3  }
0x33: {  	p0 =	seq.s32 s10, $0x1;
	s10 =	sld [smem:$0x3FA6];
	_ =	sdelay $0x3  }
0x34: {  	[smem:$0x3FA6] =	sst s10  }
0x35: {  	s10 =	sld [smem:$0x3FA5];
	_ =	sdelay $0x3  }
0x36: {  	p1 =	seq.s32 s10, $0x1;
	s10 =	sld [smem:$0x3FA6];
	_ =	sdelay $0x3  }
0x37: {  	[smem:$0x3FA6] =	sst s10  }
0x38: {  	s10 =	sld [smem:$0x3FA7]  }
0x39: {  	_ = 	snop;
	(pc) =	sbr.ind lr, $3  }
0x3a: {  	_ = 	snop  }
0x3b: {  	_ = 	snop  }
0x3c: {  	p2 =	seq.s32 s10, $0x1;
	s10 =	sld [smem:$0x3FA6]  }
0x3d: {  	_ =	shalt  }
0x3e: {  	_ =	shalt  }
0x3f: {  	_ =	shalt  }
0x40: {  	_ =	shalt  }
0x41: {  	_ =	shalt  }
0x42: {  	_ =	shalt  }
0x43: {  	_ =	shalt  }
0x44: {  	_ =	shalt  }
0x45: {  	_ =	shalt  }
0x46: {  	_ =	shalt  }
0x47: {  	_ =	shalt  }
0x48: {  	_ =	shalt  }
0x49: {  	_ =	shalt  }
0x4a: {  	_ =	shalt  }
0x4b: {  	_ =	shalt  }
0x4c: {  	_ =	shalt  }
0x4d: {  	_ =	shalt  }
0x4e: {  	_ =	shalt  }
0x4f: {  	_ =	shalt  }
0x50: {  	_ =	shalt  }
0x51: {  	_ =	shalt  }
0x52: {  	_ =	shalt  }
0x53: {  	_ =	shalt  }
0x54: {  	_ =	shalt  }
0x55: {  	_ =	shalt  }
0x56: {  	_ =	shalt  }
0x57: {  	_ =	shalt  }
0x58: {  	_ =	shalt  }
0x59: {  	_ =	shalt  }
0x5a: {  	_ =	shalt  }
0x5b: {  	_ =	shalt  }
0x5c: {  	_ =	shalt  }
0x5d: {  	_ =	shalt  }
0x5e: {  	_ =	shalt  }
0x5f: {  	_ =	shalt  }
0x60: {  	_ =	shalt  }
0x61: {  	_ =	shalt  }
0x62: {  	_ =	shalt  }
0x63: {  	_ =	shalt  }
0x64: {  	_ =	shalt  }
0x65: {  	_ =	shalt  }
0x66: {  	_ =	shalt  }
0x67: {  	_ =	shalt  }
0x68: {  	_ =	shalt  }
0x69: {  	_ =	shalt  }
0x6a: {  	_ =	shalt  }
0x6b: {  	_ =	shalt  }
0x6c: {  	_ =	shalt  }
0x6d: {  	_ =	shalt  }
0x6e: {  	_ =	shalt  }
0x6f: {  	_ =	shalt  }
0x70: {  	_ =	shalt  }
0x71: {  	_ =	shalt  }
0x72: {  	_ =	shalt  }
0x73: {  	_ =	shalt  }
0x74: {  	_ =	shalt  }
0x75: {  	_ =	shalt  }
0x76: {  	_ =	shalt  }
0x77: {  	_ =	shalt  }
0x78: {  	_ =	shalt  }
0x79: {  	_ =	shalt  }
0x7a: {  	_ =	shalt  }
0x7b: {  	_ =	shalt  }
0x7c: {  	_ =	shalt  }
0x7d: {  	_ =	shalt  }
0x7e: {  	_ =	shalt  }
0x7f: {  	_ =	shalt  }
0x80: {  	_ =	shalt  }
0x81: {  	_ =	shalt  }
0x82: {  	_ =	shalt  }
0x83: {  	_ =	shalt  }
0x84: {  	_ =	shalt  }
0x85: {  	_ =	shalt  }
0x86: {  	_ =	shalt  }
0x87: {  	_ =	shalt  }
.Lfunc_end0:
.L_simem_size_0:
called_computation.1_lowered:
.L_overlay_start_0:
0x88: {  	s2 =	sld [smem:$0x3FD9]  }
0x89: {  	s3 =	sld [smem:$0x3FFE];
	_ =	sdelay $0x1  }
0x8a: {  	s1 =	srdreg.scid  }
0x8b: {  	s0 =	sand.u32 $0x1, s1  }
0x8c: {  	s14 =	sshll.u32 s0, $0xA;
	s2 =	sadd.s32 s3, s2  }
0x8d: {  	s2 =	sadd.s32 s2, s14  }
0x8e: {  	[smem:$0x3FB2] =	sst s2  }
0x8f: {  	_ = 	snop  }
0x90: {  	s2 =	sld [smem:$0x3FD0];
	_ =	sdelay $0x2  }
0x91: {  	s15 =	simm.s32 $0xA;
	s4 =	simm.s32 $0x10  }
0x92: {  	[smem:s4], [sflag:s15] =	dma.local [hbm:s2], $0x1  }
0x93: {  	_ =	swait.eq [sflag:s15], $0x1  }
0x94: {  	[sflag:s15] =	ssyncset.done $0x0  }
0x95: {  	s16 =	sld [smem:$0x10];
	[sflag:s15] =	ssyncadd.s32 $0xFFFFFFFF  }
0x96: {  	s17 =	sld [smem:$0x11];
	(tm) =	ssettm $0x1  }
0x97: {  	s18 =	sld [smem:$0x3FFB];
	_ =	sdelay $0x3  }
0x98: {  	_ =	strace s18  }
0x99: {  	s4 =	sld [smem:$0x3FFC];
	_ =	sdelay $0x3  }
0x9a: {  	_ =	strace s4  }
0x9b: {  	s4 =	sld [smem:$0x3FFD];
	_ =	sdelay $0x3  }
0x9c: {  	_ =	strace s4  }
0x9d: {  	_ =	strace $0x8FFFFFFF  }
0x9e: {  	s19 =	sld [smem:$0x3FDB];
	_ =	sdelay $0x1  }
0x9f: {  	s5 =	simm.s32 $_scs_section_size  }
0xa0: {  	s6 =	simm.s32 $_size__tile_overlayer_lowered;
	s7 =	simm.s32 $_tile_overlayer_lowered  }
0xa1: {  	s22 =	simm.s32 $0x1BFF;
	s21 =	sshll.u32 s7, $0x1;
	s4 =	sadd.s32 s5, s19  }
0xa2: {  	s8 =	simm.s32 $0x0;
	s20 =	sshll.u32 s6, $0x1;
	s6 =	sadd.s32 s21, s4  }
0xa3: {  	[timem:s8], [sflag:s22] =	dma.local [hbm:s6], s20  }
0xa4: {  	_ =	swait.ge [sflag:s22], s20  }
0xa5: {  	s5 =	ssub.s32 $0x0, s20;
	[sflag:s22] =	ssyncset.done $0x0  }
0xa6: {  	[sflag:s22] =	ssyncadd.s32 s5;
	_ =	sdelay $0x1  }
0xa7: {  	s23 =	simm.s32 $0x1B8B  }
0xa8: {  	_ =	swait.ge [sflag:s23], $0x1  }
0xa9: {  	[sflag:s23] =	ssyncset.done $0x0  }
0xaa: {  	s25 =	simm.s32 $0x1B8E;
	s24 =	sld [smem:$0x3FFE];
	[sflag:s23] =	ssyncadd.s32 $0xFFFFFFFF  }
0xab: {  	s26 =	simm.s32 $execute0_lowered;
	[smem:$0x3FD2] =	sst s25  }
0xac: {  	s6 =	sshll.u32 s26, $0x1;
	_ =	strace $0x80000049;
	[dreg:$0x1] =	wrdreg $0xFFFFFFFF  }
0xad: {  	s28 =	simm.s32 $_size_execute0_lowered;
	s4 =	sadd.s32 s4, s6;
	[dreg:$0x0] =	wrdreg $0x0  }
0xae: {  	s6 =	sshll.u32 s28, $0x1;
	[dreg:$0x2] =	wrdreg s4  }
0xaf: {  	[dreg:$0x3] =	wrdreg s6  }
0xb0: {  	[dreg:$0x4] =	wrdreg $0xC0  }
0xb1: {  	_ =	task [dreg:s8], $0x5FFFF  }
0xb2: {  	[dreg:$0x1] =	wrdreg $0xFFFFFFFF  }
0xb3: {  	[dreg:$0x0] =	wrdreg $0x60  }
0xb4: {  	[dreg:$0x2] =	wrdreg s24  }
0xb5: {  	[dreg:$0x3] =	wrdreg s17  }
0xb6: {  	[dreg:$0x4] =	wrdreg s16  }
0xb7: {  	[dreg:$0x5] =	wrdreg $0x0  }
0xb8: {  	[dreg:$0x6] =	wrdreg $0x9  }
0xb9: {  	_ =	task.clear_ibuf [dreg:s8], $0x7FFFF;
	_ =	strace $0x90000049  }
0xba: {  	s29 =	simm.s32 $0x9;
	_ =	strace $0x8000004B  }
0xbb: {  	_ =	swait.ge [sflag:s29], $0x1  }
0xbc: {  	[sflag:s29] =	ssyncadd.s32 $0xFFFFFFFF  }
0xbd: {  	_ =	strace $0x9000004B  }
0xbe: {  	_ =	sfence  }
0xbf: {  	s30 =	sld [smem:$0x0];
	_ =	sdelay $0x2  }
0xc0: {  	s31 =	sshll.u32 s1, $0xD;
	s1 =	sshrl.u32 s1, $0x2  }
0xc1: {  	s3 =	sand.u32 $0x4000, s31;
	s1 =	sadd.s32 s1, s30  }
0xc2: {  	s0 =	sor.u32 s3, s0;
	s1 =	sshll.u32 s1, $0x11  }
0xc3: {  	s0 =	sor.u32 s1, s0  }
0xc4: {  	s0 =	sadd.s32 $0x8F2B, s0  }
0xc5: {  	[sflag:s0] =	ssyncadd.remote.s32 $0x1  }
0xc6: {  	_ =	sfence.sel $0xFFFF  }
0xc7: {  	[dreg:$0x0] =	wrdreg $0xFFFFFFFF;
	(pc) =	sbr.abs _section_cstart, $3  }
0xc8: {  	[dreg:$0x1] =	wrdreg $0xFFFFFFFF  }
0xc9: {  	_ =	task.clear_ibuf [dreg:s8], $0x2FFFF;
	_ =	strace $0x9FFFFFFF  }
0xca: {  	(tm) =	ssettm $0x7FFFFFFF  }
0xcb: {  	_ =	shalt  }
tec
execute0_lowered:
.L_overlay_start_1:
0x0: {  	(tag) =	ssettag $0x1  }
0x1: {  	s6 =	rddreg [dreg:$0x0]  }
0x2: {  	s1 =	rddreg [dreg:$0x1]  }
0x3: {  	s2 =	srdreg.scid;
	s10 =	rddreg [dreg:$0x2]  }
0x4: {  	s0 =	stileid.u32;
	s3 =	rddreg [dreg:$0x3];
	s4 =	simm.s32 $0x0  }
0x5: {  	s13 =	sand.u32 $0x1, s2;
	s12 =	sshll.u32 s0, $0x1;
	s9 =	smul.u32 $0x17800, s0  }
0x6: {  	[smem:$0x7FF] =	sst s4;
	s15 =	sadd.s32 $0xF7B400, s6;
	s16 =	smul.u32 $0x5E000, s0  }
0x7: {  	s18 =	sadd.s32 $0x5200, s6;
	s17 =	sadd.s32 $0xF200, s6;
	s25 =	smul.u32 $0xA0, s0  }
0x8: {  	s22 =	sshll.u32 s0, $0x6;
	s7 =	sor.u32 s13, s12;
	s8 =	smul.u32 $0x178000, s13  }
0x9: {  	_ =	strace $0x8000004A;
	s19 =	ssub.s32 $0x2, s13;
	s28 =	smul.u32 $0x500, s13  }
0xa: {  	s5 =	smul.u32 $0x500, s7;
	s20 =	sshrl.u32 s19, $0x1;
	s23 =	sshll.u32 s7, $0x7  }
0xb: {  	s7 =	sor.u32 $0x1C01, s22;
	s22 =	smul.u32 $0x50, s13;
	s14 =	sadd.s32 s9, s8  }
0xc: {  	s9 =	sshrl.u32 s16, $0x2;
	s16 =	ssub.s32 s19, s20;
	s19 =	smul.u32 $0x50000, s0  }
0xd: {  	s20 =	smul.u32 $0x28000, s13;
	s11 =	sadd.s32 s5, s6;
	s8 =	sshrl.u32 s14, $0x3  }
0xe: {  	s5 =	sadd.s32 $0x23200, s6;
	s14 =	sshrl.u32 s0, $0x2;
	s30 =	sadd.s32 s22, s25  }
0xf: {  	s22 =	simm.s32 $0x18C80;
	s25 =	simm.s32 $0x400;
	s12 =	sadd.s32 s8, s6  }
0x10: {  	s6 =	sadd.s32 s9, s3;
	s21 =	smul.u32 $0x17800, s14;
	s14 =	sand.u32 $0x380, s23  }
0x11: {  	s8 =	sadd.s32 $0x19200, s11;
	s9 =	sadd.s32 $0x19480, s11;
	s26 =	sadd.s32 s19, s15  }
0x12: {  	s31 =	sshll.u32 s30, $0xB;
	s19 =	simm.s32 $0x1;
	s23 =	simm.s32 $0x18D00  }
0x13: {  	s11 =	sadd.s32 $0x26200, s12;
	s12 =	smax.u32 s16, $0x1;
	s13 =	sadd.s32 s20, s26  }
0x14: {  	s20 =	sshll.u32 s30, $0x4;
	s16 =	sadd.s32 s15, s31;
	s14 =	sor.u32 s21, s14  }
0x15: {  	s26 =	simm.s32 $0x0;
	s21 =	smul.u32 $0xA00, s0;
	s24 =	sshrl.u32 s14, $0x3  }
0x16: {  	s20 =	sadd.s32 $0x200, s20;
	s16 =	sadd.s32 $0x14000, s16;
	s10 =	sadd.s32 s10, s24  }
0x17: {  	s29 =	sadd.s32 s21, s18;
	s21 =	sadd.s32 s21, s17;
	s17 =	sadd.s32 s20, s17  }
0x18: {  	s18 =	sadd.s32 s20, s18;
	s20 =	simm.s32 $0x1CD00;
	s24 =	simm.s32 $0x80  }
0x19: {  	s14 =	sadd.s32 s28, s29;
	s15 =	sadd.s32 s28, s21;
	s21 =	simm.s32 $0x18C00  }
.LBB2_1:
0x1a: {  	s28 =	sshrl.u32 s6, $0x3  }
0x1b: {  	[spmem:s28], [sflag:s7] =	dma.local [hbm:s5], $0x2F00  }
0x1c: {  	_ =	swait.ge [sflag:s19], $0x2F00  }
0x1d: {  	[sflag:s19] =	ssyncset.done $0x0  }
0x1e: {  	[sflag:s19] =	ssyncadd.s32 $0xFFFFD100  }
0x1f: {  	[tilespmem:s20], [sflag:$0x1] =	stream.linear.gather [hbm4b:s1+s4], $0x2F00, $0x38;
	[tilespmem:$0x1FC00] =	vst v63  }
0x20: {  	_ =	swait.ge [sflag:s19], $0x2F00  }
0x21: {  	[sflag:s19] =	ssyncset.done $0x0  }
0x22: {  	[sflag:s19] =	ssyncadd.s32 $0xFFFFD100  }
0x23: {  	s29 =	simm.s32 $0x17800;
	[bflag:$0x0] =	sbarrier.arrive $0xFFFF  }
0x24: {  	[tilespmem:s29], [sflag:$0x1] =	stream.linear.gather [hbm4b:s8+s4], $0x1400, $0x38;
	[tilespmem:$0x1FC00] =	vst v63  }
0x25: {  	_ =	swait.ge [sflag:s19], $0x1400  }
0x26: {  	[sflag:s19] =	ssyncset.done $0x0  }
0x27: {  	s30 =	smov.u32 s13;
	s31 =	simm.s32 $0x0;
	[sflag:s19] =	ssyncadd.s32 $0xFFFFEC00  }
.LBB2_2:
0x28: {  	s2 =	sadd.s32 s31, s15  }
0x29: {  	[tilespmem:s21], [sflag:$0x1] =	stream.linear.gather [hbm4b:s2+s4], $0x80, $0x38;
	[tilespmem:$0x1FC00] =	vst v63  }
0x2a: {  	_ =	swait.ge [sflag:s19], $0x80  }
0x2b: {  	[sflag:s19] =	ssyncset.done $0x0  }
0x2c: {  	s2 =	sadd.s32 s31, s14;
	[sflag:s19] =	ssyncadd.s32 $0xFFFFFF80  }
0x2d: {  	[tilespmem:s22], [sflag:$0x1] =	stream.linear.gather [hbm4b:s2+s4], $0x80, $0x38;
	[tilespmem:$0x1FC00] =	vst v63  }
0x2e: {  	_ =	swait.ge [sflag:s19], $0x80  }
0x2f: {  	[sflag:s19] =	ssyncset.done $0x0  }
0x30: {  	[sflag:s19] =	ssyncadd.s32 $0xFFFFFF80  }
0x31: {  	[tilespmem:s23], [sflag:$0x1] =	stream.linear.gather [hbm4b:s30+s4], $0x4000, $0x38;
	[tilespmem:$0x1FC00] =	vst v63  }
0x32: {  	_ =	swait.ge [sflag:s19], $0x4000  }
0x33: {  	[sflag:s19] =	ssyncset.done $0x0  }
0x34: {  	[sflag:s19] =	ssyncadd.s32 $0xFFFFC000  }
0x35: {  	[spmem:s3] =	stream.indirect.scatter.add.f32 [tilespmem:s23], [sflag:$0x1], $0x80, s29, s24, $0xb8;
	[tilespmem:$0x1FC00] =	vst v63  }
0x36: {  	_ =	swait.ge [sflag:s19], $0x4000  }
0x37: {  	[sflag:s19] =	ssyncset.done $0x0  }
0x38: {  	[sflag:s19] =	ssyncadd.s32 $0xFFFFC000  }
0x39: {  	v0 =	vld [tilespmem:$0x18C00];
	_ =	sdelay $0x2  }
0x3a: {  	v1 =	vld [tilespmem:$0x18C80];
	_ =	sdelay $0x4  }
0x3b: {  	[tilespmem:v0+s20+$0x0] =	vst.idx.add.f32.msk $0xffff, v1  }
0x3c: {  	v0 =	vld [tilespmem:$0x18C10];
	_ =	sdelay $0x2  }
0x3d: {  	v1 =	vld [tilespmem:$0x18C90];
	_ =	sdelay $0x4  }
0x3e: {  	[tilespmem:v0+s20+$0x0] =	vst.idx.add.f32.msk $0xffff, v1  }
0x3f: {  	v0 =	vld [tilespmem:$0x18C20];
	_ =	sdelay $0x2  }
0x40: {  	v1 =	vld [tilespmem:$0x18CA0];
	_ =	sdelay $0x4  }
0x41: {  	[tilespmem:v0+s20+$0x0] =	vst.idx.add.f32.msk $0xffff, v1  }
0x42: {  	v0 =	vld [tilespmem:$0x18C30];
	_ =	sdelay $0x2  }
0x43: {  	v1 =	vld [tilespmem:$0x18CB0];
	_ =	sdelay $0x4  }
0x44: {  	[tilespmem:v0+s20+$0x0] =	vst.idx.add.f32.msk $0xffff, v1  }
0x45: {  	v0 =	vld [tilespmem:$0x18C40];
	_ =	sdelay $0x2  }
0x46: {  	v1 =	vld [tilespmem:$0x18CC0];
	_ =	sdelay $0x4  }
0x47: {  	[tilespmem:v0+s20+$0x0] =	vst.idx.add.f32.msk $0xffff, v1  }
0x48: {  	v0 =	vld [tilespmem:$0x18C50];
	_ =	sdelay $0x2  }
0x49: {  	v1 =	vld [tilespmem:$0x18CD0];
	_ =	sdelay $0x4  }
0x4a: {  	[tilespmem:v0+s20+$0x0] =	vst.idx.add.f32.msk $0xffff, v1  }
0x4b: {  	v0 =	vld [tilespmem:$0x18C60];
	_ =	sdelay $0x2  }
0x4c: {  	v1 =	vld [tilespmem:$0x18CE0];
	_ =	sdelay $0x4  }
0x4d: {  	[tilespmem:v0+s20+$0x0] =	vst.idx.add.f32.msk $0xffff, v1  }
0x4e: {  	v0 =	vld [tilespmem:$0x18C70];
	_ =	sdelay $0x2  }
0x4f: {  	p0 =	sne.s32 s31, $0x270;
	v1 =	vld [tilespmem:$0x18CF0]  }
.Ltmp0:
0x50: {  	_ = 	snop;
	(pc) =	sbr.rel @p0 .LBB2_2-.Ltmp0, $2  }
0x51: {  	_ =	sdelay $0x2  }
0x52: {  	s31 =	sadd.s32 $0x10, s31;
	s30 =	sadd.s32 $0x800, s30;
	s29 =	sadd.s32 $0x80, s29;
	[tilespmem:v0+s20+$0x0] =	vst.idx.add.f32.msk $0xffff, v1  }
0x53: {  	s29 =	simm.s32 $0x17800  }
0x54: {  	[tilespmem:s29], [sflag:$0x1] =	stream.linear.gather [hbm4b:s9+s4], $0x1400, $0x38;
	[tilespmem:$0x1FC00] =	vst v63  }
0x55: {  	_ =	swait.ge [sflag:s19], $0x1400  }
0x56: {  	[sflag:s19] =	ssyncset.done $0x0  }
0x57: {  	s30 =	simm.s32 $0x80;
	s31 =	smov.u32 s16;
	[sflag:s19] =	ssyncadd.s32 $0xFFFFEC00  }
.LBB2_4:
0x58: {  	s2 =	sadd.s32 s30, s17  }
0x59: {  	[tilespmem:s21], [sflag:$0x1] =	stream.linear.gather [hbm4b:s2+s4], $0x80, $0x38;
	[tilespmem:$0x1FC00] =	vst v63  }
0x5a: {  	_ =	swait.ge [sflag:s19], $0x80  }
0x5b: {  	[sflag:s19] =	ssyncset.done $0x0  }
0x5c: {  	s2 =	sadd.s32 s30, s18;
	[sflag:s19] =	ssyncadd.s32 $0xFFFFFF80  }
0x5d: {  	[tilespmem:s22], [sflag:$0x1] =	stream.linear.gather [hbm4b:s2+s4], $0x80, $0x38;
	[tilespmem:$0x1FC00] =	vst v63  }
0x5e: {  	_ =	swait.ge [sflag:s19], $0x80  }
0x5f: {  	[sflag:s19] =	ssyncset.done $0x0  }
0x60: {  	[sflag:s19] =	ssyncadd.s32 $0xFFFFFF80  }
0x61: {  	[tilespmem:s23], [sflag:$0x1] =	stream.linear.gather [hbm4b:s31+s4], $0x4000, $0x38;
	[tilespmem:$0x1FC00] =	vst v63  }
0x62: {  	_ =	swait.ge [sflag:s19], $0x4000  }
0x63: {  	[sflag:s19] =	ssyncset.done $0x0  }
0x64: {  	[sflag:s19] =	ssyncadd.s32 $0xFFFFC000  }
0x65: {  	[spmem:s3] =	stream.indirect.scatter.add.f32 [tilespmem:s23], [sflag:$0x1], $0x80, s29, s24, $0xb8;
	[tilespmem:$0x1FC00] =	vst v63  }
0x66: {  	_ =	swait.ge [sflag:s19], $0x4000  }
0x67: {  	[sflag:s19] =	ssyncset.done $0x0  }
0x68: {  	[sflag:s19] =	ssyncadd.s32 $0xFFFFC000  }
0x69: {  	v0 =	vld [tilespmem:$0x18C00];
	_ =	sdelay $0x2  }
0x6a: {  	v1 =	vld [tilespmem:$0x18C80];
	_ =	sdelay $0x4  }
0x6b: {  	[tilespmem:v0+s20+$0x0] =	vst.idx.add.f32.msk $0xffff, v1  }
0x6c: {  	v0 =	vld [tilespmem:$0x18C10];
	_ =	sdelay $0x2  }
0x6d: {  	v1 =	vld [tilespmem:$0x18C90];
	_ =	sdelay $0x4  }
0x6e: {  	[tilespmem:v0+s20+$0x0] =	vst.idx.add.f32.msk $0xffff, v1  }
0x6f: {  	v0 =	vld [tilespmem:$0x18C20];
	_ =	sdelay $0x2  }
0x70: {  	v1 =	vld [tilespmem:$0x18CA0];
	_ =	sdelay $0x4  }
0x71: {  	[tilespmem:v0+s20+$0x0] =	vst.idx.add.f32.msk $0xffff, v1  }
0x72: {  	v0 =	vld [tilespmem:$0x18C30];
	_ =	sdelay $0x2  }
0x73: {  	v1 =	vld [tilespmem:$0x18CB0];
	_ =	sdelay $0x4  }
0x74: {  	[tilespmem:v0+s20+$0x0] =	vst.idx.add.f32.msk $0xffff, v1  }
0x75: {  	v0 =	vld [tilespmem:$0x18C40];
	_ =	sdelay $0x2  }
0x76: {  	v1 =	vld [tilespmem:$0x18CC0];
	_ =	sdelay $0x4  }
0x77: {  	[tilespmem:v0+s20+$0x0] =	vst.idx.add.f32.msk $0xffff, v1  }
0x78: {  	v0 =	vld [tilespmem:$0x18C50];
	_ =	sdelay $0x2  }
0x79: {  	v1 =	vld [tilespmem:$0x18CD0];
	_ =	sdelay $0x4  }
0x7a: {  	[tilespmem:v0+s20+$0x0] =	vst.idx.add.f32.msk $0xffff, v1  }
0x7b: {  	v0 =	vld [tilespmem:$0x18C60];
	_ =	sdelay $0x2  }
0x7c: {  	v1 =	vld [tilespmem:$0x18CE0];
	_ =	sdelay $0x4  }
0x7d: {  	[tilespmem:v0+s20+$0x0] =	vst.idx.add.f32.msk $0xffff, v1  }
0x7e: {  	v0 =	vld [tilespmem:$0x18C70];
	_ =	sdelay $0x2  }
0x7f: {  	p0 =	sne.s32 s30, $0x2F0;
	v1 =	vld [tilespmem:$0x18CF0]  }
.Ltmp1:
0x80: {  	_ = 	snop;
	(pc) =	sbr.rel @p0 .LBB2_4-.Ltmp1, $2  }
0x81: {  	_ =	sdelay $0x2  }
0x82: {  	s30 =	sadd.s32 $0x10, s30;
	s31 =	sadd.s32 $0x800, s31;
	s29 =	sadd.s32 $0x80, s29;
	[tilespmem:v0+s20+$0x0] =	vst.idx.add.f32.msk $0xffff, v1  }
0x83: {  	[bflag:$0x0] =	sbarrier.arrive $0xFFFF  }
0x84: {  	[hbm4b:s10+s24] =	stream.strided.scatter [tilespmem:s20], [sflag:$0x1], $0x2F00, s25, s24, $0x38;
	[tilespmem:$0x1FC00] =	vst v63  }
0x85: {  	s26 =	sadd.s32 $0x1, s26;
	_ =	swait.ge [sflag:s19], $0x2F00  }
0x86: {  	p0 =	sne.s32 s26, s12;
	[sflag:s19] =	ssyncset.done $0x0  }
.Ltmp2:
0x87: {  	[sflag:s19] =	ssyncadd.s32 $0xFFFFD100;
	(pc) =	sbr.rel @p0 .LBB2_1-.Ltmp2, $4  }
0x88: {  	[hbm:s11], [sflag:s7] =	dma.local [spmem:s28], $0x2F00  }
0x89: {  	_ =	swait.ge [sflag:s19], $0x2F00  }
0x8a: {  	[sflag:s19] =	ssyncset.done $0x0  }
0x8b: {  	[sflag:s19] =	ssyncadd.s32 $0xFFFFD100  }
0x8c: {  	_ =	sfence.sel $0x180000  }
0x8d: {  	[bflag:$0x0] =	sbarrier.arrive $0xFFFF  }
0x8e: {  	_ =	strace $0x9000004A  }
0x8f: {  	[bflag:$0x2] =	sbarrier.arrive $0xFFFF  }
0x90: {  	p0 =	sne.s32 s0, $0x0;
	s0 =	rddreg [dreg:$0x4]  }
0x91: {  	s0 =	sadd.s32 @!p0 $0x100000, s0  }
0x92: {  	[sflag:s0] =	ssyncadd.tile.s32 @!p0 $0x1;
	_ =	shalt  }
.Lfunc_end2:
_tile_overlayer_lowered:
.L_overlay_start_2:
0x93: {  	(tag) =	ssettag $0x2  }
0x94: {  	s0 =	rddreg [dreg:$0x0];
	s2 =	stileid.u32  }
0x95: {  	s1 =	rddreg [dreg:$0x1];
	p0 =	sne.s32 s2, $0x0  }
0x96: {  	s3 =	rddreg [dreg:$0x2];
	[bflag:$0x3] =	sbarrier.arrive $0xFFFF;
	s2 =	simm.s32 @!p0 $0x1C01  }
0x97: {  	[timem:s3], [sflag:s2] =	dma.local @!p0 [hbm:s0], s1  }
0x98: {  	s0 =	simm.s32 @!p0 $0x1  }
0x99: {  	_ =	swait.ge @!p0 [sflag:s0], s1  }
0x9a: {  	s1 =	ssub.s32 @!p0 $0x0, s1;
	[sflag:s0] =	ssyncset.done @!p0 $0x0  }
0x9b: {  	[sflag:s0] =	ssyncadd.s32 @!p0 s1  }
0x9c: {  	[bflag:$0x3] =	sbarrier.arrive $0xFFFF  }
0x9d: {  	_ =	shalt  }

// kernel: kernel.7.cloned.1.call-start
scs
__scs_entry_jumppad:
0x0: {  	(pc) =	sbr.rel $0x88, $3  }
0x1: {  	(tag) =	ssettag $0x0;
	lr =	simm.s32 $0x1  }
0x2: {  	[smem:$0x3F8B] =	sst lr;
	_ =	strace $0xD0000000  }
0x3: {  	_ = 	snop  }
0x4: {  	_ = 	snop  }
0x5: {  	_ = 	snop  }
0x6: {  	_ = 	snop  }
0x7: {  	_ = 	snop  }
__scs_overlays_trampoline_lowered:
0x8: {  	[smem:$0x3F9A] =	sst s0  }
0x9: {  	[smem:$0x3F9B] =	sst s1  }
0xa: {  	[smem:$0x3F9C] =	sst s2  }
0xb: {  	[smem:$0x3F9D] =	sst s3  }
0xc: {  	[smem:$0x3F9E] =	sst s4  }
0xd: {  	[smem:$0x3F9F] =	sst s5  }
0xe: {  	[smem:$0x3FA0] =	sst s6  }
0xf: {  	[smem:$0x3FA1] =	sst s7  }
0x10: {  	[smem:$0x3FA2] =	sst s8  }
0x11: {  	[smem:$0x3FA3] =	sst s9;
	s0 =	simm.s32 @!p0 $0x0  }
0x12: {  	s1 =	sld [smem:$0x3F89];
	s0 =	simm.s32 @p0 $0x1  }
0x13: {  	[smem:$0x3FA4] =	sst s0;
	s0 =	simm.s32 @!p1 $0x0  }
0x14: {  	s2 =	sld [smem:$0x3F88];
	s0 =	simm.s32 @p1 $0x1  }
0x15: {  	[smem:$0x3FA5] =	sst s0;
	s0 =	simm.s32 @!p2 $0x0  }
0x16: {  	s3 =	sld [smem:$0x3FDB];
	s0 =	simm.s32 @p2 $0x1  }
0x17: {  	s4 =	simm.s32 $0x1BF5;
	[smem:$0x3FA7] =	sst s0  }
0x18: {  	s0 =	sld [smem:$0x3F8A];
	_ =	swait.ge [sflag:s4], $0x0  }
0x19: {  	s7 =	sld [smem:$0x3F8B]  }
0x1a: {  	s8 =	sadd.s32 $0xFFFFE003, lr  }
0x1b: {  	s9 =	sadd.s32 $0xFFFFFEF7, lr;
	s5 =	simm.s32 $0xFFFFFFFF;
	p2 =	slt.u32 s8, $0xFFFFF086  }
0x1c: {  	p1 =	slt.u32 s9, $0xF7A;
	s5 =	simm.s32 @!p2 $0x0  }
0x1d: {  	s5 =	simm.s32 @p1 $0x1;
	p0 =	seq.s32 s7, s2  }
0x1e: {  	s7 =	smul.u32 @!p0 $0xF7A, s2;
	p2 =	seq.s32 @!p0 s5, $0x0  }
0x1f: {  	s9 =	smul.u32 $0xF7A, s1;
	s8 =	simm.s32 @!p0 $0x1BF5;
	p2 =	por !p2, p0  }
0x20: {  	[sflag:s8] =	ssyncset.s32 @!p0 $0xFFFFF086;
	s6 =	sadd.s32 @!p0 s3, s7;
	s7 =	simm.s32 @!p0 $0x108  }
0x21: {  	s3 =	sadd.s32 s3, s9;
	s6 =	sadd.s32 @!p0 $0x88, s6;
	s7 =	simm.s32 @p2 $0x1082  }
0x22: {  	[simem:s7], [sflag:s8] =	dma.local @!p0 [hbm:s6], $0xF7A  }
0x23: {  	s9 =	sor.u32 $0xD0000000, s2;
	s6 =	simm.s32 $0x108;
	_ =	swait.ge @!p0 [sflag:s8], $0x0  }
0x24: {  	s3 =	sadd.s32 $0x88, s3;
	s6 =	simm.s32 @!p1 $0x1082;
	[sflag:s4] =	ssyncset.s32 $0xFFFFF086  }
0x25: {  	[simem:s6], [sflag:s4] =	dma.local [hbm:s3], $0xF7A  }
0x26: {  	[smem:$0x3F8B] =	sst s1;
	(tag) =	ssettag s2;
	_ =	strace s9  }
0x27: {  	s1 =	sld [smem:$0x3F9B]  }
0x28: {  	s2 =	sld [smem:$0x3F9C]  }
0x29: {  	s4 =	sld [smem:$0x3F9E]  }
0x2a: {  	p0 =	seq.s32 s5, $0x0;
	s5 =	sld [smem:$0x3F9F]  }
0x2b: {  	s6 =	sld [smem:$0x3FA0]  }
0x2c: {  	s7 =	sld [smem:$0x3FA1]  }
0x2d: {  	s3 =	simm.s32 $0x108;
	s8 =	sld [smem:$0x3FA2]  }
0x2e: {  	s3 =	simm.s32 @!p0 $0x1082;
	s9 =	sld [smem:$0x3FA3]  }
0x2f: {  	lr =	sadd.s32 s0, s3;
	s0 =	sld [smem:$0x3F9A]  }
0x30: {  	s3 =	sld [smem:$0x3F9D]  }
0x31: {  	[smem:$0x3FA6] =	sst s10  }
0x32: {  	s10 =	sld [smem:$0x3FA4];
	_ =	sdelay $0x3  }
0x33: {  	p0 =	seq.s32 s10, $0x1;
	s10 =	sld [smem:$0x3FA6];
	_ =	sdelay $0x3  }
0x34: {  	[smem:$0x3FA6] =	sst s10  }
0x35: {  	s10 =	sld [smem:$0x3FA5];
	_ =	sdelay $0x3  }
0x36: {  	p1 =	seq.s32 s10, $0x1;
	s10 =	sld [smem:$0x3FA6];
	_ =	sdelay $0x3  }
0x37: {  	[smem:$0x3FA6] =	sst s10  }
0x38: {  	s10 =	sld [smem:$0x3FA7]  }
0x39: {  	_ = 	snop;
	(pc) =	sbr.ind lr, $3  }
0x3a: {  	_ = 	snop  }
0x3b: {  	_ = 	snop  }
0x3c: {  	p2 =	seq.s32 s10, $0x1;
	s10 =	sld [smem:$0x3FA6]  }
0x3d: {  	_ =	shalt  }
0x3e: {  	_ =	shalt  }
0x3f: {  	_ =	shalt  }
0x40: {  	_ =	shalt  }
0x41: {  	_ =	shalt  }
0x42: {  	_ =	shalt  }
0x43: {  	_ =	shalt  }
0x44: {  	_ =	shalt  }
0x45: {  	_ =	shalt  }
0x46: {  	_ =	shalt  }
0x47: {  	_ =	shalt  }
0x48: {  	_ =	shalt  }
0x49: {  	_ =	shalt  }
0x4a: {  	_ =	shalt  }
0x4b: {  	_ =	shalt  }
0x4c: {  	_ =	shalt  }
0x4d: {  	_ =	shalt  }
0x4e: {  	_ =	shalt  }
0x4f: {  	_ =	shalt  }
0x50: {  	_ =	shalt  }
0x51: {  	_ =	shalt  }
0x52: {  	_ =	shalt  }
0x53: {  	_ =	shalt  }
0x54: {  	_ =	shalt  }
0x55: {  	_ =	shalt  }
0x56: {  	_ =	shalt  }
0x57: {  	_ =	shalt  }
0x58: {  	_ =	shalt  }
0x59: {  	_ =	shalt  }
0x5a: {  	_ =	shalt  }
0x5b: {  	_ =	shalt  }
0x5c: {  	_ =	shalt  }
0x5d: {  	_ =	shalt  }
0x5e: {  	_ =	shalt  }
0x5f: {  	_ =	shalt  }
0x60: {  	_ =	shalt  }
0x61: {  	_ =	shalt  }
0x62: {  	_ =	shalt  }
0x63: {  	_ =	shalt  }
0x64: {  	_ =	shalt  }
0x65: {  	_ =	shalt  }
0x66: {  	_ =	shalt  }
0x67: {  	_ =	shalt  }
0x68: {  	_ =	shalt  }
0x69: {  	_ =	shalt  }
0x6a: {  	_ =	shalt  }
0x6b: {  	_ =	shalt  }
0x6c: {  	_ =	shalt  }
0x6d: {  	_ =	shalt  }
0x6e: {  	_ =	shalt  }
0x6f: {  	_ =	shalt  }
0x70: {  	_ =	shalt  }
0x71: {  	_ =	shalt  }
0x72: {  	_ =	shalt  }
0x73: {  	_ =	shalt  }
0x74: {  	_ =	shalt  }
0x75: {  	_ =	shalt  }
0x76: {  	_ =	shalt  }
0x77: {  	_ =	shalt  }
0x78: {  	_ =	shalt  }
0x79: {  	_ =	shalt  }
0x7a: {  	_ =	shalt  }
0x7b: {  	_ =	shalt  }
0x7c: {  	_ =	shalt  }
0x7d: {  	_ =	shalt  }
0x7e: {  	_ =	shalt  }
0x7f: {  	_ =	shalt  }
0x80: {  	_ =	shalt  }
0x81: {  	_ =	shalt  }
0x82: {  	_ =	shalt  }
0x83: {  	_ =	shalt  }
0x84: {  	_ =	shalt  }
0x85: {  	_ =	shalt  }
0x86: {  	_ =	shalt  }
0x87: {  	_ =	shalt  }
.Lfunc_end0:
.L_simem_size_0:
called_computation_lowered:
.L_overlay_start_0:
0x88: {  	s2 =	sld [smem:$0x3FD9]  }
0x89: {  	s3 =	sld [smem:$0x3FFE];
	_ =	sdelay $0x1  }
0x8a: {  	s1 =	srdreg.scid  }
0x8b: {  	s0 =	sand.u32 $0x1, s1  }
0x8c: {  	s14 =	sshll.u32 s0, $0xA;
	s2 =	sadd.s32 s3, s2  }
0x8d: {  	s2 =	sadd.s32 s2, s14  }
0x8e: {  	[smem:$0x3FB2] =	sst s2  }
0x8f: {  	_ = 	snop  }
0x90: {  	s2 =	sld [smem:$0x3FD0];
	_ =	sdelay $0x2  }
0x91: {  	s15 =	simm.s32 $0xA;
	s4 =	simm.s32 $0x10  }
0x92: {  	[smem:s4], [sflag:s15] =	dma.local [hbm:s2], $0x1  }
0x93: {  	_ =	swait.eq [sflag:s15], $0x1  }
0x94: {  	[sflag:s15] =	ssyncset.done $0x0  }
0x95: {  	[sflag:s15] =	ssyncadd.s32 $0xFFFFFFFF  }
0x96: {  	s16 =	sld [smem:$0x10];
	(tm) =	ssettm $0x1  }
0x97: {  	s17 =	sld [smem:$0x3FFB];
	_ =	sdelay $0x3  }
0x98: {  	_ =	strace s17  }
0x99: {  	s3 =	sld [smem:$0x3FFC];
	_ =	sdelay $0x3  }
0x9a: {  	_ =	strace s3  }
0x9b: {  	s3 =	sld [smem:$0x3FFD];
	_ =	sdelay $0x3  }
0x9c: {  	_ =	strace s3  }
0x9d: {  	_ =	strace $0x8FFFFFFF  }
0x9e: {  	s18 =	sld [smem:$0x3FDB];
	_ =	sdelay $0x1  }
0x9f: {  	s19 =	simm.s32 $_scs_section_size  }
0xa0: {  	s5 =	simm.s32 $_size__tile_overlayer_lowered;
	s6 =	simm.s32 $_tile_overlayer_lowered  }
0xa1: {  	s22 =	simm.s32 $0x1BFF;
	s21 =	sshll.u32 s6, $0x1;
	s3 =	sadd.s32 s19, s18  }
0xa2: {  	s7 =	simm.s32 $0x0;
	s20 =	sshll.u32 s5, $0x1;
	s5 =	sadd.s32 s21, s3  }
0xa3: {  	[timem:s7], [sflag:s22] =	dma.local [hbm:s5], s20  }
0xa4: {  	_ =	swait.ge [sflag:s22], s20  }
0xa5: {  	s4 =	ssub.s32 $0x0, s20;
	[sflag:s22] =	ssyncset.done $0x0  }
0xa6: {  	[sflag:s22] =	ssyncadd.s32 s4;
	_ =	sdelay $0x1  }
0xa7: {  	s23 =	simm.s32 $0x1B8B  }
0xa8: {  	_ =	swait.ge [sflag:s23], $0x1  }
0xa9: {  	[sflag:s23] =	ssyncset.done $0x0  }
0xaa: {  	s25 =	simm.s32 $0x1B8E;
	s24 =	sld [smem:$0x3FFE];
	[sflag:s23] =	ssyncadd.s32 $0xFFFFFFFF  }
0xab: {  	s26 =	simm.s32 $execute0_lowered;
	[smem:$0x3FD2] =	sst s25  }
0xac: {  	s5 =	sshll.u32 s26, $0x1;
	_ =	strace $0x80000046;
	[dreg:$0x1] =	wrdreg $0xFFFFFFFF  }
0xad: {  	s28 =	simm.s32 $_size_execute0_lowered;
	s3 =	sadd.s32 s3, s5;
	[dreg:$0x0] =	wrdreg $0x0  }
0xae: {  	s5 =	sshll.u32 s28, $0x1;
	[dreg:$0x2] =	wrdreg s3  }
0xaf: {  	[dreg:$0x3] =	wrdreg s5  }
0xb0: {  	[dreg:$0x4] =	wrdreg $0xC0  }
0xb1: {  	_ =	task [dreg:s7], $0x5FFFF  }
0xb2: {  	[dreg:$0x1] =	wrdreg $0xFFFFFFFF  }
0xb3: {  	[dreg:$0x0] =	wrdreg $0x60  }
0xb4: {  	[dreg:$0x2] =	wrdreg s16  }
0xb5: {  	[dreg:$0x3] =	wrdreg s24  }
0xb6: {  	[dreg:$0x4] =	wrdreg $0x9  }
0xb7: {  	_ =	task.clear_ibuf [dreg:s7], $0x5FFFF;
	_ =	strace $0x90000046  }
0xb8: {  	s29 =	simm.s32 $0x9;
	_ =	strace $0x80000048  }
0xb9: {  	_ =	swait.ge [sflag:s29], $0x1  }
0xba: {  	[sflag:s29] =	ssyncadd.s32 $0xFFFFFFFF  }
0xbb: {  	_ =	strace $0x90000048  }
0xbc: {  	_ =	sfence  }
0xbd: {  	s30 =	sld [smem:$0x0];
	_ =	sdelay $0x2  }
0xbe: {  	s31 =	sshll.u32 s1, $0xD;
	s1 =	sshrl.u32 s1, $0x2  }
0xbf: {  	s3 =	sand.u32 $0x4000, s31;
	s1 =	sadd.s32 s1, s30  }
0xc0: {  	s0 =	sor.u32 s3, s0;
	s1 =	sshll.u32 s1, $0x11  }
0xc1: {  	s0 =	sor.u32 s1, s0  }
0xc2: {  	s0 =	sadd.s32 $0x8F2B, s0  }
0xc3: {  	[sflag:s0] =	ssyncadd.remote.s32 $0x1  }
0xc4: {  	_ =	sfence.sel $0xFFFF  }
0xc5: {  	[dreg:$0x0] =	wrdreg $0xFFFFFFFF;
	(pc) =	sbr.abs _section_cstart, $3  }
0xc6: {  	[dreg:$0x1] =	wrdreg $0xFFFFFFFF  }
0xc7: {  	_ =	task.clear_ibuf [dreg:s7], $0x2FFFF;
	_ =	strace $0x9FFFFFFF  }
0xc8: {  	(tm) =	ssettm $0x7FFFFFFF  }
0xc9: {  	_ =	shalt  }
tec
execute0_lowered:
.L_overlay_start_1:
0x0: {  	(tag) =	ssettag $0x1  }
0x1: {  	s2 =	rddreg [dreg:$0x0]  }
0x2: {  	s0 =	rddreg [dreg:$0x1];
	s3 =	simm.s32 $0x0  }
0x3: {  	s6 =	simm.s32 $0xD800;
	[smem:$0x7FF] =	sst s3  }
0x4: {  	s14 =	simm.s32 $0xE000;
	_ =	strace $0x80000047;
	[dreg:$0x3] =	wrdreg s6  }
0x5: {  	s15 =	simm.s32 $0xE800;
	[dreg:$0x4] =	wrdreg s14  }
0x6: {  	s1 =	srdreg.scid;
	s17 =	simm.s32 $0xF000;
	[dreg:$0x5] =	wrdreg s15  }
0x7: {  	s8 =	stileid.u32;
	s18 =	simm.s32 $0xF800;
	[dreg:$0x6] =	wrdreg s17  }
0x8: {  	s19 =	simm.s32 $0x10000;
	s20 =	simm.s32 $0x10800;
	[dreg:$0x7] =	wrdreg s18  }
0x9: {  	s22 =	simm.s32 $0x11800;
	s24 =	simm.s32 $0x12000;
	[dreg:$0x8] =	wrdreg s19  }
0xa: {  	s25 =	simm.s32 $0x12800;
	s31 =	simm.s32 $0x13000;
	[dreg:$0x9] =	wrdreg s20  }
0xb: {  	s12 =	simm.s32 $0x14000;
	s13 =	simm.s32 $0x14800;
	[dreg:$0xa] =	wrdreg s22  }
0xc: {  	s28 =	simm.s32 $0x7;
	s29 =	simm.s32 $0x8;
	[dreg:$0xb] =	wrdreg s24  }
0xd: {  	s30 =	simm.s32 $0x0;
	s1 =	sand.u32 $0x1, s1;
	[dreg:$0xc] =	wrdreg s25  }
0xe: {  	s4 =	sshll.u32 s8, $0x1;
	s16 =	smul.u32 $0x50000, s8;
	[dreg:$0xd] =	wrdreg s31  }
0xf: {  	s8 =	smul.u32 $0xA0000, s8;
	s4 =	sor.u32 s1, s4;
	[dreg:$0xf] =	wrdreg s12  }
0x10: {  	s21 =	ssub.s32 $0x2, s1;
	s11 =	smul.u32 $0x28000, s1;
	[dreg:$0x10] =	wrdreg s13  }
0x11: {  	s14 =	simm.s32 $0x15800;
	s1 =	smul.u32 $0x50000, s1;
	s15 =	simm.s32 $0x16000  }
0x12: {  	s17 =	simm.s32 $0x17000;
	s18 =	simm.s32 $0x17800;
	s19 =	simm.s32 $0x18000  }
0x13: {  	s20 =	simm.s32 $0x18800;
	s12 =	simm.s32 $0x40;
	[dreg:$0x11] =	wrdreg s14  }
0x14: {  	s13 =	simm.s32 $0x5000;
	s22 =	simm.s32 $0x1A000;
	[dreg:$0x12] =	wrdreg s15  }
0x15: {  	s24 =	simm.s32 $0x1B000;
	s25 =	simm.s32 $0x1B800;
	[dreg:$0x14] =	wrdreg s17  }
0x16: {  	s31 =	simm.s32 $0x1C800;
	s5 =	smul.u32 $0x500, s4;
	[dreg:$0x15] =	wrdreg s18  }
0x17: {  	s4 =	sadd.s32 $0x2D200, s0;
	s9 =	sadd.s32 s16, s0;
	[dreg:$0x16] =	wrdreg s19  }
0x18: {  	s8 =	sadd.s32 s8, s0;
	s23 =	sshrl.u32 s21, $0x1;
	[dreg:$0x17] =	wrdreg s20  }
0x19: {  	s16 =	simm.s32 $0x16800;
	s14 =	simm.s32 $0xD000;
	[dreg:$0x19] =	wrdreg s22  }
0x1a: {  	s15 =	simm.s32 $0x7000;
	[dreg:$0x1b] =	wrdreg s24;
	s17 =	simm.s32 $0x9000  }
0x1b: {  	[dreg:$0x1c] =	wrdreg s25;
	s18 =	simm.s32 $0x15000;
	s19 =	simm.s32 $0xB000  }
0x1c: {  	s20 =	simm.s32 $0x19000;
	[dreg:$0x1e] =	wrdreg s31;
	s22 =	simm.s32 $0x2  }
0x1d: {  	s24 =	simm.s32 $0x4;
	s25 =	simm.s32 $0x5;
	s10 =	ssub.s32 s21, s23  }
0x1e: {  	s9 =	sadd.s32 s11, s9;
	s1 =	sadd.s32 s1, s8;
	[dreg:$0x13] =	wrdreg s16  }
0x1f: {  	s21 =	simm.s32 $0x19800;
	s23 =	simm.s32 $0x1A800;
	s16 =	simm.s32 $0x11000  }
0x20: {  	s7 =	sadd.s32 s5, s0;
	s0 =	sadd.s32 $0x7B400, s9;
	[dreg:$0x18] =	wrdreg s21  }
0x21: {  	s9 =	sadd.s32 $0x57B400, s1;
	[dreg:$0x1a] =	wrdreg s23;
	s26 =	sadd.s32 $0x5200, s7  }
0x22: {  	s21 =	simm.s32 $0x1;
	s6 =	sadd.s32 $0x23200, s7;
	[dreg:$0x1f] =	wrdreg s26  }
0x23: {  	v2 =	vlaneseq.u32;
	s23 =	simm.s32 $0x3;
	s7 =	simm.s32 $0x13800;
	[smem:$0x7FD] =	sst s6  }
0x24: {  	vm0 =	vmmov $0xffff;
	v1 =	vshrl.u32 v2, $0x3;
	[dreg:$0xe] =	wrdreg s7;
	s7 =	smax.u32 s10, $0x1;
	s26 =	simm.s32 $0x1C000  }
0x25: {  	v0 =	vand.u32 $0x7, v2;
	v2 =	vor.u32 $0x8, v2;
	v1 =	vmul.u32 $0x8, v1;
	s10 =	simm.s32 $0x9;
	[dreg:$0x1d] =	wrdreg s26;
	s26 =	simm.s32 $0x6  }
.LBB2_1:
0x26: {  	s1 =	rddreg [dreg:$0x1f]  }
0x27: {  	[tilespmem:s3], [sflag:$0x9] =	stream.linear.gather [hbm4b:s1+s3], $0x2800, $0x38;
	[tilespmem:$0x1D000] =	vst v63  }
0x28: {  	_ =	swait.ge [sflag:s10], $0x2800  }
0x29: {  	s11 =	sld [smem:$0x7FD]  }
0x2a: {  	[sflag:s10] =	ssyncset.done $0x0  }
0x2b: {  	s5 =	simm.s32 $0x2800;
	[sflag:s10] =	ssyncadd.s32 $0xFFFFD800  }
0x2c: {  	[tilespmem:s5], [sflag:$0x9] =	stream.linear.gather [hbm4b:s11+s3], $0x2800, $0x38;
	[tilespmem:$0x1D000] =	vst v63  }
0x2d: {  	_ =	swait.ge [sflag:s10], $0x2800  }
0x2e: {  	s31 =	smov.u32 s9;
	[sflag:s10] =	ssyncset.done $0x0  }
0x2f: {  	s8 =	smov.u32 s0;
	s1 =	simm.s32 $0x0;
	[sflag:s10] =	ssyncadd.s32 $0xFFFFD800  }
.LBB2_2:
0x30: {  	p0 =	seq.s32 s1, $0x0  }
0x31: {  	s11 =	simm.s32 @!p0 $0x5  }
0x32: {  	_ =	swait.ge @!p0 [sflag:s11], $0x2000  }
0x33: {  	[sflag:s11] =	ssyncset.done @!p0 $0x0  }
0x34: {  	[sflag:s11] =	ssyncadd.s32 @!p0 $0xFFFFE000  }
0x35: {  	_ =	swait.ge @!p0 [sflag:s11], $0x4000  }
0x36: {  	[sflag:s11] =	ssyncset.done @!p0 $0x0  }
0x37: {  	[sflag:s11] =	ssyncadd.s32 @!p0 $0xFFFFC000;
	s11 =	sshra.s32 s1, $0x2  }
0x38: {  	[tilespmem:s13], [sflag:$0x1] =	stream.indirect.gather [hbm4b:s2+s12], $0x80, s11, s12, $0xb8;
	[tilespmem:$0x1D000] =	vst v63  }
0x39: {  	v3 =	vld [tilespmem:s11+$0x2800];
	_ =	sdelay $0x4  }
0x3a: {  	v4 =	vshll.u32 v3, $0x1  }
0x3b: {  	v3 =	vand.u32 $0x7, v3;
	v4 =	vand.u32 $0xFFFFFFF0, v4  }
0x3c: {  	v3 =	vor.u32 v3, v4  }
0x3d: {  	v4 =	vperm.xlane v3, v0;
	_ =	sdelay $0x1  }
0x3e: {  	v3 =	vperm.xlane v3, v2;
	v4 =	vadd.s32 v1, v4;
	_ =	sdelay $0x1  }
0x3f: {  	v3 =	vadd.s32 v1, v3;
	_ =	sdelay $0x2  }
0x40: {  	[tilespmem:s14], [sflag:$0x1] =	stream.indirect_vreg.gather [hbm4b:s4+s3], $0x80, v4, vm0, $0xb8;
	[tilespmem:$0x1D000] =	vst v63  }
0x41: {  	s5 =	rddreg [dreg:$0x3]  }
0x42: {  	[tilespmem:s5], [sflag:$0x1] =	stream.indirect_vreg.gather [hbm4b:s4+s3], $0x80, v3, vm0, $0xb8;
	[tilespmem:$0x1D000] =	vst v63  }
0x43: {  	v3 =	vld [tilespmem:s11+$0x2810];
	_ =	sdelay $0x4  }
0x44: {  	v49 =	vshll.u32 v3, $0x1  }
0x45: {  	v3 =	vand.u32 $0x7, v3;
	v4 =	vand.u32 $0xFFFFFFF0, v49  }
0x46: {  	v3 =	vor.u32 v3, v4  }
0x47: {  	v4 =	vperm.xlane v3, v0;
	_ =	sdelay $0x1  }
0x48: {  	v3 =	vperm.xlane v3, v2;
	v4 =	vadd.s32 v1, v4;
	_ =	sdelay $0x1  }
0x49: {  	v3 =	vadd.s32 v1, v3;
	_ =	sdelay $0x1  }
0x4a: {  	s5 =	rddreg [dreg:$0x4]  }
0x4b: {  	[tilespmem:s5], [sflag:$0x1] =	stream.indirect_vreg.gather [hbm4b:s4+s3], $0x80, v4, vm0, $0xb8;
	[tilespmem:$0x1D000] =	vst v63  }
0x4c: {  	s6 =	rddreg [dreg:$0x5]  }
0x4d: {  	[tilespmem:s6], [sflag:$0x1] =	stream.indirect_vreg.gather [hbm4b:s4+s3], $0x80, v3, vm0, $0xb8;
	[tilespmem:$0x1D000] =	vst v63  }
0x4e: {  	v3 =	vld [tilespmem:s11+$0x2820];
	_ =	sdelay $0x4  }
0x4f: {  	v50 =	vshll.u32 v3, $0x1  }
0x50: {  	v3 =	vand.u32 $0x7, v3;
	v4 =	vand.u32 $0xFFFFFFF0, v50  }
0x51: {  	v3 =	vor.u32 v3, v4  }
0x52: {  	v4 =	vperm.xlane v3, v0;
	_ =	sdelay $0x1  }
0x53: {  	v3 =	vperm.xlane v3, v2;
	v4 =	vadd.s32 v1, v4;
	_ =	sdelay $0x1  }
0x54: {  	v3 =	vadd.s32 v1, v3;
	_ =	sdelay $0x1  }
0x55: {  	s5 =	rddreg [dreg:$0x6]  }
0x56: {  	[tilespmem:s5], [sflag:$0x1] =	stream.indirect_vreg.gather [hbm4b:s4+s3], $0x80, v4, vm0, $0xb8;
	[tilespmem:$0x1D000] =	vst v63  }
0x57: {  	s6 =	rddreg [dreg:$0x7]  }
0x58: {  	[tilespmem:s6], [sflag:$0x1] =	stream.indirect_vreg.gather [hbm4b:s4+s3], $0x80, v3, vm0, $0xb8;
	[tilespmem:$0x1D000] =	vst v63  }
0x59: {  	v3 =	vld [tilespmem:s11+$0x2830];
	_ =	sdelay $0x4  }
0x5a: {  	v51 =	vshll.u32 v3, $0x1  }
0x5b: {  	v3 =	vand.u32 $0x7, v3;
	v4 =	vand.u32 $0xFFFFFFF0, v51  }
0x5c: {  	v3 =	vor.u32 v3, v4  }
0x5d: {  	v4 =	vperm.xlane v3, v0;
	_ =	sdelay $0x1  }
0x5e: {  	v3 =	vperm.xlane v3, v2;
	v4 =	vadd.s32 v1, v4;
	_ =	sdelay $0x1  }
0x5f: {  	v3 =	vadd.s32 v1, v3;
	_ =	sdelay $0x1  }
0x60: {  	s5 =	rddreg [dreg:$0x8]  }
0x61: {  	[tilespmem:s5], [sflag:$0x1] =	stream.indirect_vreg.gather [hbm4b:s4+s3], $0x80, v4, vm0, $0xb8;
	[tilespmem:$0x1D000] =	vst v63  }
0x62: {  	s6 =	rddreg [dreg:$0x9];
	s5 =	simm.s32 @!p0 $0x6  }
0x63: {  	[tilespmem:s6], [sflag:$0x1] =	stream.indirect_vreg.gather [hbm4b:s4+s3], $0x80, v3, vm0, $0xb8;
	[tilespmem:$0x1D000] =	vst v63  }
0x64: {  	_ =	swait.ge @!p0 [sflag:s5], $0x2000  }
0x65: {  	[sflag:s5] =	ssyncset.done @!p0 $0x0  }
0x66: {  	[sflag:s5] =	ssyncadd.s32 @!p0 $0xFFFFE000  }
0x67: {  	_ =	swait.ge @!p0 [sflag:s5], $0x4000  }
0x68: {  	[sflag:s5] =	ssyncset.done @!p0 $0x0  }
0x69: {  	s6 =	sadd.s32 $0x40, s11;
	[sflag:s5] =	ssyncadd.s32 @!p0 $0xFFFFC000  }
0x6a: {  	[tilespmem:s15], [sflag:$0x2] =	stream.indirect.gather [hbm4b:s2+s12], $0x80, s6, s12, $0xb8;
	[tilespmem:$0x1D000] =	vst v63  }
0x6b: {  	v3 =	vld [tilespmem:s11+$0x2840];
	_ =	sdelay $0x4  }
0x6c: {  	v52 =	vshll.u32 v3, $0x1  }
0x6d: {  	v3 =	vand.u32 $0x7, v3;
	v4 =	vand.u32 $0xFFFFFFF0, v52  }
0x6e: {  	v3 =	vor.u32 v3, v4  }
0x6f: {  	v4 =	vperm.xlane v3, v0;
	_ =	sdelay $0x1  }
0x70: {  	v3 =	vperm.xlane v3, v2;
	v4 =	vadd.s32 v1, v4;
	_ =	sdelay $0x1  }
0x71: {  	v3 =	vadd.s32 v1, v3;
	_ =	sdelay $0x2  }
0x72: {  	[tilespmem:s16], [sflag:$0x2] =	stream.indirect_vreg.gather [hbm4b:s4+s3], $0x80, v4, vm0, $0xb8;
	[tilespmem:$0x1D000] =	vst v63  }
0x73: {  	s6 =	rddreg [dreg:$0xa]  }
0x74: {  	[tilespmem:s6], [sflag:$0x2] =	stream.indirect_vreg.gather [hbm4b:s4+s3], $0x80, v3, vm0, $0xb8;
	[tilespmem:$0x1D000] =	vst v63  }
0x75: {  	v3 =	vld [tilespmem:s11+$0x2850];
	_ =	sdelay $0x4  }
0x76: {  	v53 =	vshll.u32 v3, $0x1  }
0x77: {  	v3 =	vand.u32 $0x7, v3;
	v4 =	vand.u32 $0xFFFFFFF0, v53  }
0x78: {  	v3 =	vor.u32 v3, v4  }
0x79: {  	v4 =	vperm.xlane v3, v0;
	_ =	sdelay $0x1  }
0x7a: {  	v3 =	vperm.xlane v3, v2;
	v4 =	vadd.s32 v1, v4;
	_ =	sdelay $0x1  }
0x7b: {  	v3 =	vadd.s32 v1, v3;
	_ =	sdelay $0x1  }
0x7c: {  	s5 =	rddreg [dreg:$0xb]  }
0x7d: {  	[tilespmem:s5], [sflag:$0x2] =	stream.indirect_vreg.gather [hbm4b:s4+s3], $0x80, v4, vm0, $0xb8;
	[tilespmem:$0x1D000] =	vst v63  }
0x7e: {  	s6 =	rddreg [dreg:$0xc]  }
0x7f: {  	[tilespmem:s6], [sflag:$0x2] =	stream.indirect_vreg.gather [hbm4b:s4+s3], $0x80, v3, vm0, $0xb8;
	[tilespmem:$0x1D000] =	vst v63  }
0x80: {  	v3 =	vld [tilespmem:s11+$0x2860];
	_ =	sdelay $0x4  }
0x81: {  	v54 =	vshll.u32 v3, $0x1  }
0x82: {  	v3 =	vand.u32 $0x7, v3;
	v4 =	vand.u32 $0xFFFFFFF0, v54  }
0x83: {  	v3 =	vor.u32 v3, v4  }
0x84: {  	v4 =	vperm.xlane v3, v0;
	_ =	sdelay $0x1  }
0x85: {  	v3 =	vperm.xlane v3, v2;
	v4 =	vadd.s32 v1, v4;
	_ =	sdelay $0x1  }
0x86: {  	v3 =	vadd.s32 v1, v3;
	_ =	sdelay $0x1  }
0x87: {  	s5 =	rddreg [dreg:$0xd]  }
0x88: {  	[tilespmem:s5], [sflag:$0x2] =	stream.indirect_vreg.gather [hbm4b:s4+s3], $0x80, v4, vm0, $0xb8;
	[tilespmem:$0x1D000] =	vst v63  }
0x89: {  	s6 =	rddreg [dreg:$0xe]  }
0x8a: {  	[tilespmem:s6], [sflag:$0x2] =	stream.indirect_vreg.gather [hbm4b:s4+s3], $0x80, v3, vm0, $0xb8;
	[tilespmem:$0x1D000] =	vst v63  }
0x8b: {  	v3 =	vld [tilespmem:s11+$0x2870];
	_ =	sdelay $0x4  }
0x8c: {  	v55 =	vshll.u32 v3, $0x1  }
0x8d: {  	v3 =	vand.u32 $0x7, v3;
	v4 =	vand.u32 $0xFFFFFFF0, v55  }
0x8e: {  	v3 =	vor.u32 v3, v4  }
0x8f: {  	v4 =	vperm.xlane v3, v0;
	_ =	sdelay $0x1  }
0x90: {  	v3 =	vperm.xlane v3, v2;
	v4 =	vadd.s32 v1, v4;
	_ =	sdelay $0x1  }
0x91: {  	v3 =	vadd.s32 v1, v3;
	_ =	sdelay $0x1  }
0x92: {  	s5 =	rddreg [dreg:$0xf]  }
0x93: {  	[tilespmem:s5], [sflag:$0x2] =	stream.indirect_vreg.gather [hbm4b:s4+s3], $0x80, v4, vm0, $0xb8;
	[tilespmem:$0x1D000] =	vst v63  }
0x94: {  	s6 =	rddreg [dreg:$0x10];
	s5 =	simm.s32 @!p0 $0x7  }
0x95: {  	[tilespmem:s6], [sflag:$0x2] =	stream.indirect_vreg.gather [hbm4b:s4+s3], $0x80, v3, vm0, $0xb8;
	[tilespmem:$0x1D000] =	vst v63  }
0x96: {  	_ =	swait.ge @!p0 [sflag:s5], $0x2000  }
0x97: {  	[sflag:s5] =	ssyncset.done @!p0 $0x0  }
0x98: {  	[sflag:s5] =	ssyncadd.s32 @!p0 $0xFFFFE000  }
0x99: {  	_ =	swait.ge @!p0 [sflag:s5], $0x4000  }
0x9a: {  	[sflag:s5] =	ssyncset.done @!p0 $0x0  }
0x9b: {  	s6 =	sadd.s32 $0x80, s11;
	[sflag:s5] =	ssyncadd.s32 @!p0 $0xFFFFC000  }
0x9c: {  	[tilespmem:s17], [sflag:$0x3] =	stream.indirect.gather [hbm4b:s2+s12], $0x80, s6, s12, $0xb8;
	[tilespmem:$0x1D000] =	vst v63  }
0x9d: {  	v3 =	vld [tilespmem:s11+$0x2880];
	_ =	sdelay $0x4  }
0x9e: {  	v56 =	vshll.u32 v3, $0x1  }
0x9f: {  	v3 =	vand.u32 $0x7, v3;
	v4 =	vand.u32 $0xFFFFFFF0, v56  }
0xa0: {  	v3 =	vor.u32 v3, v4  }
0xa1: {  	v4 =	vperm.xlane v3, v0;
	_ =	sdelay $0x1  }
0xa2: {  	v3 =	vperm.xlane v3, v2;
	v4 =	vadd.s32 v1, v4;
	_ =	sdelay $0x1  }
0xa3: {  	v3 =	vadd.s32 v1, v3;
	_ =	sdelay $0x2  }
0xa4: {  	[tilespmem:s18], [sflag:$0x3] =	stream.indirect_vreg.gather [hbm4b:s4+s3], $0x80, v4, vm0, $0xb8;
	[tilespmem:$0x1D000] =	vst v63  }
0xa5: {  	s6 =	rddreg [dreg:$0x11]  }
0xa6: {  	[tilespmem:s6], [sflag:$0x3] =	stream.indirect_vreg.gather [hbm4b:s4+s3], $0x80, v3, vm0, $0xb8;
	[tilespmem:$0x1D000] =	vst v63  }
0xa7: {  	v3 =	vld [tilespmem:s11+$0x2890];
	_ =	sdelay $0x4  }
0xa8: {  	v57 =	vshll.u32 v3, $0x1  }
0xa9: {  	v3 =	vand.u32 $0x7, v3;
	v4 =	vand.u32 $0xFFFFFFF0, v57  }
0xaa: {  	v3 =	vor.u32 v3, v4  }
0xab: {  	v4 =	vperm.xlane v3, v0;
	_ =	sdelay $0x1  }
0xac: {  	v3 =	vperm.xlane v3, v2;
	v4 =	vadd.s32 v1, v4;
	_ =	sdelay $0x1  }
0xad: {  	v3 =	vadd.s32 v1, v3;
	_ =	sdelay $0x1  }
0xae: {  	s5 =	rddreg [dreg:$0x12]  }
0xaf: {  	[tilespmem:s5], [sflag:$0x3] =	stream.indirect_vreg.gather [hbm4b:s4+s3], $0x80, v4, vm0, $0xb8;
	[tilespmem:$0x1D000] =	vst v63  }
0xb0: {  	s6 =	rddreg [dreg:$0x13]  }
0xb1: {  	[tilespmem:s6], [sflag:$0x3] =	stream.indirect_vreg.gather [hbm4b:s4+s3], $0x80, v3, vm0, $0xb8;
	[tilespmem:$0x1D000] =	vst v63  }
0xb2: {  	v3 =	vld [tilespmem:s11+$0x28A0];
	_ =	sdelay $0x4  }
0xb3: {  	v58 =	vshll.u32 v3, $0x1  }
0xb4: {  	v3 =	vand.u32 $0x7, v3;
	v4 =	vand.u32 $0xFFFFFFF0, v58  }
0xb5: {  	v3 =	vor.u32 v3, v4  }
0xb6: {  	v4 =	vperm.xlane v3, v0;
	_ =	sdelay $0x1  }
0xb7: {  	v3 =	vperm.xlane v3, v2;
	v4 =	vadd.s32 v1, v4;
	_ =	sdelay $0x1  }
0xb8: {  	v3 =	vadd.s32 v1, v3;
	_ =	sdelay $0x1  }
0xb9: {  	s5 =	rddreg [dreg:$0x14]  }
0xba: {  	[tilespmem:s5], [sflag:$0x3] =	stream.indirect_vreg.gather [hbm4b:s4+s3], $0x80, v4, vm0, $0xb8;
	[tilespmem:$0x1D000] =	vst v63  }
0xbb: {  	s6 =	rddreg [dreg:$0x15]  }
0xbc: {  	[tilespmem:s6], [sflag:$0x3] =	stream.indirect_vreg.gather [hbm4b:s4+s3], $0x80, v3, vm0, $0xb8;
	[tilespmem:$0x1D000] =	vst v63  }
0xbd: {  	v3 =	vld [tilespmem:s11+$0x28B0];
	_ =	sdelay $0x4  }
0xbe: {  	v59 =	vshll.u32 v3, $0x1  }
0xbf: {  	v3 =	vand.u32 $0x7, v3;
	v4 =	vand.u32 $0xFFFFFFF0, v59  }
0xc0: {  	v3 =	vor.u32 v3, v4  }
0xc1: {  	v4 =	vperm.xlane v3, v0;
	_ =	sdelay $0x1  }
0xc2: {  	v3 =	vperm.xlane v3, v2;
	v4 =	vadd.s32 v1, v4;
	_ =	sdelay $0x1  }
0xc3: {  	v3 =	vadd.s32 v1, v3;
	_ =	sdelay $0x1  }
0xc4: {  	s5 =	rddreg [dreg:$0x16]  }
0xc5: {  	[tilespmem:s5], [sflag:$0x3] =	stream.indirect_vreg.gather [hbm4b:s4+s3], $0x80, v4, vm0, $0xb8;
	[tilespmem:$0x1D000] =	vst v63  }
0xc6: {  	s6 =	rddreg [dreg:$0x17];
	s5 =	simm.s32 @!p0 $0x8  }
0xc7: {  	[tilespmem:s6], [sflag:$0x3] =	stream.indirect_vreg.gather [hbm4b:s4+s3], $0x80, v3, vm0, $0xb8;
	[tilespmem:$0x1D000] =	vst v63  }
0xc8: {  	_ =	swait.ge @!p0 [sflag:s5], $0x2000  }
0xc9: {  	[sflag:s5] =	ssyncset.done @!p0 $0x0  }
0xca: {  	[sflag:s5] =	ssyncadd.s32 @!p0 $0xFFFFE000  }
0xcb: {  	_ =	swait.ge @!p0 [sflag:s5], $0x4000  }
0xcc: {  	[sflag:s5] =	ssyncset.done @!p0 $0x0  }
0xcd: {  	s6 =	sadd.s32 $0xC0, s11;
	[sflag:s5] =	ssyncadd.s32 @!p0 $0xFFFFC000  }
0xce: {  	[tilespmem:s19], [sflag:$0x4] =	stream.indirect.gather [hbm4b:s2+s12], $0x80, s6, s12, $0xb8;
	[tilespmem:$0x1D000] =	vst v63  }
0xcf: {  	v3 =	vld [tilespmem:s11+$0x28C0];
	_ =	sdelay $0x4  }
0xd0: {  	v60 =	vshll.u32 v3, $0x1  }
0xd1: {  	v3 =	vand.u32 $0x7, v3;
	v4 =	vand.u32 $0xFFFFFFF0, v60  }
0xd2: {  	v3 =	vor.u32 v3, v4  }
0xd3: {  	v4 =	vperm.xlane v3, v0;
	_ =	sdelay $0x1  }
0xd4: {  	v3 =	vperm.xlane v3, v2;
	v4 =	vadd.s32 v1, v4;
	_ =	sdelay $0x1  }
0xd5: {  	v3 =	vadd.s32 v1, v3;
	_ =	sdelay $0x2  }
0xd6: {  	[tilespmem:s20], [sflag:$0x4] =	stream.indirect_vreg.gather [hbm4b:s4+s3], $0x80, v4, vm0, $0xb8;
	[tilespmem:$0x1D000] =	vst v63  }
0xd7: {  	s6 =	rddreg [dreg:$0x18]  }
0xd8: {  	[tilespmem:s6], [sflag:$0x4] =	stream.indirect_vreg.gather [hbm4b:s4+s3], $0x80, v3, vm0, $0xb8;
	[tilespmem:$0x1D000] =	vst v63  }
0xd9: {  	v3 =	vld [tilespmem:s11+$0x28D0];
	_ =	sdelay $0x4  }
0xda: {  	v61 =	vshll.u32 v3, $0x1  }
0xdb: {  	v3 =	vand.u32 $0x7, v3;
	v4 =	vand.u32 $0xFFFFFFF0, v61  }
0xdc: {  	v3 =	vor.u32 v3, v4  }
0xdd: {  	v4 =	vperm.xlane v3, v0;
	_ =	sdelay $0x1  }
0xde: {  	v3 =	vperm.xlane v3, v2;
	v4 =	vadd.s32 v1, v4;
	_ =	sdelay $0x1  }
0xdf: {  	v3 =	vadd.s32 v1, v3;
	_ =	sdelay $0x1  }
0xe0: {  	s5 =	rddreg [dreg:$0x19]  }
0xe1: {  	[tilespmem:s5], [sflag:$0x4] =	stream.indirect_vreg.gather [hbm4b:s4+s3], $0x80, v4, vm0, $0xb8;
	[tilespmem:$0x1D000] =	vst v63  }
0xe2: {  	s6 =	rddreg [dreg:$0x1a]  }
0xe3: {  	[tilespmem:s6], [sflag:$0x4] =	stream.indirect_vreg.gather [hbm4b:s4+s3], $0x80, v3, vm0, $0xb8;
	[tilespmem:$0x1D000] =	vst v63  }
0xe4: {  	v3 =	vld [tilespmem:s11+$0x28E0];
	_ =	sdelay $0x4  }
0xe5: {  	v62 =	vshll.u32 v3, $0x1  }
0xe6: {  	v3 =	vand.u32 $0x7, v3;
	v4 =	vand.u32 $0xFFFFFFF0, v62  }
0xe7: {  	v3 =	vor.u32 v3, v4  }
0xe8: {  	v4 =	vperm.xlane v3, v0;
	_ =	sdelay $0x1  }
0xe9: {  	v3 =	vperm.xlane v3, v2;
	v4 =	vadd.s32 v1, v4;
	_ =	sdelay $0x1  }
0xea: {  	v3 =	vadd.s32 v1, v3;
	_ =	sdelay $0x1  }
0xeb: {  	s5 =	rddreg [dreg:$0x1b]  }
0xec: {  	[tilespmem:s5], [sflag:$0x4] =	stream.indirect_vreg.gather [hbm4b:s4+s3], $0x80, v4, vm0, $0xb8;
	[tilespmem:$0x1D000] =	vst v63  }
0xed: {  	s6 =	rddreg [dreg:$0x1c]  }
0xee: {  	[tilespmem:s6], [sflag:$0x4] =	stream.indirect_vreg.gather [hbm4b:s4+s3], $0x80, v3, vm0, $0xb8;
	[tilespmem:$0x1D000] =	vst v63  }
0xef: {  	v3 =	vld [tilespmem:s11+$0x28F0];
	_ =	sdelay $0x4  }
0xf0: {  	v63 =	vshll.u32 v3, $0x1  }
0xf1: {  	v3 =	vand.u32 $0x7, v3;
	v4 =	vand.u32 $0xFFFFFFF0, v63  }
0xf2: {  	v3 =	vor.u32 v3, v4  }
0xf3: {  	v4 =	vperm.xlane v3, v0;
	_ =	sdelay $0x1  }
0xf4: {  	v3 =	vperm.xlane v3, v2;
	v4 =	vadd.s32 v1, v4;
	_ =	sdelay $0x1  }
0xf5: {  	v3 =	vadd.s32 v1, v3;
	_ =	sdelay $0x1  }
0xf6: {  	s6 =	rddreg [dreg:$0x1d]  }
0xf7: {  	[tilespmem:s6], [sflag:$0x4] =	stream.indirect_vreg.gather [hbm4b:s4+s3], $0x80, v4, vm0, $0xb8;
	[tilespmem:$0x1D000] =	vst v63  }
0xf8: {  	s11 =	rddreg [dreg:$0x1e]  }
0xf9: {  	[tilespmem:s11], [sflag:$0x4] =	stream.indirect_vreg.gather [hbm4b:s4+s3], $0x80, v3, vm0, $0xb8;
	[tilespmem:$0x1D000] =	vst v63  }
0xfa: {  	_ =	swait.ge [sflag:s21], $0x2000  }
0xfb: {  	[sflag:s21] =	ssyncset.done $0x0  }
0xfc: {  	[sflag:s21] =	ssyncadd.s32 $0xFFFFE000  }
0xfd: {  	_ =	swait.ge [sflag:s21], $0x4000  }
0xfe: {  	[sflag:s21] =	ssyncset.done $0x0  }
0xff: {  	[sflag:s21] =	ssyncadd.s32 $0xFFFFC000  }
0x100: {  	[hbm4b:s8+s3] =	stream.linear.scatter [tilespmem:s13], [sflag:$0x5], $0x2000, $0x38;
	[tilespmem:$0x1D000] =	vst v63  }
0x101: {  	_ = 	snop  }
0x102: {  	[hbm4b:s31+s3] =	stream.linear.scatter [tilespmem:s14], [sflag:$0x5], $0x4000, $0x38;
	[tilespmem:$0x1D000] =	vst v63  }
0x103: {  	_ =	swait.ge [sflag:s22], $0x2000  }
0x104: {  	[sflag:s22] =	ssyncset.done $0x0  }
0x105: {  	[sflag:s22] =	ssyncadd.s32 $0xFFFFE000  }
0x106: {  	_ =	swait.ge [sflag:s22], $0x4000  }
0x107: {  	[sflag:s22] =	ssyncset.done $0x0  }
0x108: {  	s6 =	sadd.s32 $0x400, s8;
	[sflag:s22] =	ssyncadd.s32 $0xFFFFC000  }
0x109: {  	[hbm4b:s6+s3] =	stream.linear.scatter [tilespmem:s15], [sflag:$0x6], $0x2000, $0x38;
	[tilespmem:$0x1D000] =	vst v63  }
0x10a: {  	s11 =	sadd.s32 $0x800, s31  }
0x10b: {  	[hbm4b:s11+s3] =	stream.linear.scatter [tilespmem:s16], [sflag:$0x6], $0x4000, $0x38;
	[tilespmem:$0x1D000] =	vst v63  }
0x10c: {  	_ =	swait.ge [sflag:s23], $0x2000  }
0x10d: {  	[sflag:s23] =	ssyncset.done $0x0  }
0x10e: {  	[sflag:s23] =	ssyncadd.s32 $0xFFFFE000  }
0x10f: {  	_ =	swait.ge [sflag:s23], $0x4000  }
0x110: {  	[sflag:s23] =	ssyncset.done $0x0  }
0x111: {  	s6 =	sadd.s32 $0x800, s8;
	[sflag:s23] =	ssyncadd.s32 $0xFFFFC000  }
0x112: {  	[hbm4b:s6+s3] =	stream.linear.scatter [tilespmem:s17], [sflag:$0x7], $0x2000, $0x38;
	[tilespmem:$0x1D000] =	vst v63  }
0x113: {  	s11 =	sadd.s32 $0x1000, s31  }
0x114: {  	[hbm4b:s11+s3] =	stream.linear.scatter [tilespmem:s18], [sflag:$0x7], $0x4000, $0x38;
	[tilespmem:$0x1D000] =	vst v63  }
0x115: {  	_ =	swait.ge [sflag:s24], $0x2000  }
0x116: {  	[sflag:s24] =	ssyncset.done $0x0  }
0x117: {  	s1 =	sadd.s32 $0x400, s1;
	[sflag:s24] =	ssyncadd.s32 $0xFFFFE000  }
0x118: {  	p0 =	sne.s32 s1, $0xA000;
	_ =	swait.ge [sflag:s24], $0x4000  }
.Ltmp0:
0x119: {  	[sflag:s24] =	ssyncset.done $0x0;
	(pc) =	sbr.rel @p0 .LBB2_2-.Ltmp0, $4  }
0x11a: {  	s6 =	sadd.s32 $0xC00, s8;
	[sflag:s24] =	ssyncadd.s32 $0xFFFFC000  }
0x11b: {  	[hbm4b:s6+s3] =	stream.linear.scatter [tilespmem:s19], [sflag:$0x8], $0x2000, $0x38;
	[tilespmem:$0x1D000] =	vst v63  }
0x11c: {  	s8 =	sadd.s32 $0x1000, s8;
	s11 =	sadd.s32 $0x1800, s31;
	s31 =	sadd.s32 $0x2000, s31  }
0x11d: {  	[hbm4b:s11+s3] =	stream.linear.scatter [tilespmem:s20], [sflag:$0x8], $0x4000, $0x38;
	[tilespmem:$0x1D000] =	vst v63  }
0x11e: {  	_ =	swait.ge [sflag:s25], $0x2000  }
0x11f: {  	[sflag:s25] =	ssyncset.done $0x0  }
0x120: {  	[sflag:s25] =	ssyncadd.s32 $0xFFFFE000  }
0x121: {  	_ =	swait.ge [sflag:s25], $0x4000  }
0x122: {  	[sflag:s25] =	ssyncset.done $0x0  }
0x123: {  	[sflag:s25] =	ssyncadd.s32 $0xFFFFC000  }
0x124: {  	_ =	swait.ge [sflag:s26], $0x2000  }
0x125: {  	[sflag:s26] =	ssyncset.done $0x0  }
0x126: {  	[sflag:s26] =	ssyncadd.s32 $0xFFFFE000  }
0x127: {  	_ =	swait.ge [sflag:s26], $0x4000  }
0x128: {  	[sflag:s26] =	ssyncset.done $0x0  }
0x129: {  	[sflag:s26] =	ssyncadd.s32 $0xFFFFC000  }
0x12a: {  	_ =	swait.ge [sflag:s28], $0x2000  }
0x12b: {  	[sflag:s28] =	ssyncset.done $0x0  }
0x12c: {  	[sflag:s28] =	ssyncadd.s32 $0xFFFFE000  }
0x12d: {  	_ =	swait.ge [sflag:s28], $0x4000  }
0x12e: {  	[sflag:s28] =	ssyncset.done $0x0  }
0x12f: {  	s30 =	sadd.s32 $0x1, s30;
	[sflag:s28] =	ssyncadd.s32 $0xFFFFC000  }
0x130: {  	p0 =	sne.s32 s30, s7;
	_ =	swait.ge [sflag:s29], $0x2000  }
.Ltmp1:
0x131: {  	[sflag:s29] =	ssyncset.done $0x0;
	(pc) =	sbr.rel @p0 .LBB2_1-.Ltmp1, $4  }
0x132: {  	[sflag:s29] =	ssyncadd.s32 $0xFFFFE000  }
0x133: {  	_ =	swait.ge [sflag:s29], $0x4000  }
0x134: {  	[sflag:s29] =	ssyncset.done $0x0  }
0x135: {  	[sflag:s29] =	ssyncadd.s32 $0xFFFFC000  }
0x136: {  	_ =	sfence.sel $0x180000  }
0x137: {  	[bflag:$0x0] =	sbarrier.arrive $0xFFFF  }
0x138: {  	_ =	strace $0x90000047  }
0x139: {  	s0 =	stileid.u32;
	[bflag:$0x2] =	sbarrier.arrive $0xFFFF  }
0x13a: {  	p0 =	sne.s32 s0, $0x0;
	s0 =	rddreg [dreg:$0x2]  }
0x13b: {  	s0 =	sadd.s32 @!p0 $0x100000, s0  }
0x13c: {  	[sflag:s0] =	ssyncadd.tile.s32 @!p0 $0x1;
	_ =	shalt  }
.Lfunc_end2:
_tile_overlayer_lowered:
.L_overlay_start_2:
0x13d: {  	(tag) =	ssettag $0x2  }
0x13e: {  	s0 =	rddreg [dreg:$0x0];
	s2 =	stileid.u32  }
0x13f: {  	s1 =	rddreg [dreg:$0x1];
	p0 =	sne.s32 s2, $0x0  }
0x140: {  	s3 =	rddreg [dreg:$0x2];
	[bflag:$0x3] =	sbarrier.arrive $0xFFFF;
	s2 =	simm.s32 @!p0 $0x1C09  }
0x141: {  	[timem:s3], [sflag:s2] =	dma.local @!p0 [hbm:s0], s1  }
0x142: {  	s0 =	simm.s32 @!p0 $0x9  }
0x143: {  	_ =	swait.ge @!p0 [sflag:s0], s1  }
0x144: {  	s1 =	ssub.s32 @!p0 $0x0, s1;
	[sflag:s0] =	ssyncset.done @!p0 $0x0  }
0x145: {  	[sflag:s0] =	ssyncadd.s32 @!p0 s1  }
0x146: {  	[bflag:$0x3] =	sbarrier.arrive $0xFFFF  }
0x147: {  	_ =	shalt  }

</sc_bundles>
